<compile_context>
chip_gen: v7x
topology: tpu7x:2x2x1
jax: 0.10.2.dev20260603
libtpu: 0.0.44.dev20260713+nightly
codegen_flags: <defaults>
</compile_context>

<pallas_src>
import functools

import jax
import jax.numpy as jnp
from jax import lax
from jax.experimental import pallas as pl
from jax.experimental.pallas import tpu as pltpu
from jax.experimental.pallas import tpu_sc as plsc

EPS = 1e-5
KNN = 20
B = 8
N = 2048
BN = B * N
_INTERPRET = False



def _mm_body(x_ref, w_ref, y_ref):
    y_ref[...] = jnp.dot(x_ref[...], w_ref[...], preferred_element_type=jnp.float32)


def _mm(x, w, block_r=2048):
    rows, c = x.shape
    o = w.shape[1]
    return pl.pallas_call(
        _mm_body,
        grid=(rows // block_r,),
        in_specs=[
            pl.BlockSpec((block_r, c), lambda i: (i, 0)),
            pl.BlockSpec((c, o), lambda i: (0, 0)),
        ],
        out_specs=pl.BlockSpec((block_r, o), lambda i: (i, 0)),
        out_shape=jax.ShapeDtypeStruct((rows, o), jnp.float32),
        interpret=_INTERPRET,
    )(x, w)



_RK = 256


def _knn_body(xr_ref, xf_ref, n2r_ref, n2c_ref, idx_ref):
    xb = xr_ref[0]
    xf = xf_ref[0]
    inner = -2.0 * jnp.dot(xb, xf, preferred_element_type=jnp.float32)
    d = (-n2r_ref[0] - inner) - n2c_ref[0]
    iota = lax.broadcasted_iota(jnp.int32, (_RK, N), 1)
    base = pl.program_id(0) * N
    cols = []
    for _ in range(KNN):
        m = jnp.max(d, axis=1, keepdims=True)
        am = jnp.min(jnp.where(d == m, iota, N), axis=1, keepdims=True)
        cols.append(am)
        d = jnp.where(iota == am, jnp.float32(-jnp.inf), d)
    idx_ref[0] = jnp.concatenate(cols, axis=1) + base


def _knn(x_rows, x_bcn):
    c = x_rows.shape[1]
    xr3 = x_rows.reshape(B, N, c)
    xx = jnp.sum(x_bcn ** 2, axis=1)
    return pl.pallas_call(
        _knn_body,
        grid=(B, N // _RK),
        in_specs=[
            pl.BlockSpec((1, _RK, c), lambda b, r: (b, r, 0)),
            pl.BlockSpec((1, c, N), lambda b, r: (b, 0, 0)),
            pl.BlockSpec((1, 1, N), lambda b, r: (b, 0, 0)),
            pl.BlockSpec((1, _RK, 1), lambda b, r: (b, r, 0)),
        ],
        out_specs=pl.BlockSpec((1, _RK, KNN), lambda b, r: (b, r, 0)),
        out_shape=jax.ShapeDtypeStruct((B, N, KNN), jnp.int32),
        interpret=_INTERPRET,
    )(xr3, x_bcn, xx.reshape(B, 1, N), xx.reshape(B, N, 1))



_NWORK = 32
_G = 8


@functools.lru_cache(maxsize=None)
def _build_sc_gather(cp):
    p = BN // _NWORK
    nch = p // _G
    half = _G * KNN // 2

    def body(tab_hbm, idx_hbm, out_hbm, idx_a, idx_b, rows_v, sem):
        wid = lax.axis_index("s") * 2 + lax.axis_index("c")

        def chunk(t, carry):
            base = wid * p + t * _G
            pltpu.sync_copy(idx_hbm.at[pl.ds(base * KNN, half)], idx_a)
            pltpu.sync_copy(idx_hbm.at[pl.ds(base * KNN + half, half)], idx_b)
            cp1 = pltpu.async_copy(tab_hbm.at[idx_a], rows_v.at[pl.ds(0, half)], sem)
            cp2 = pltpu.async_copy(tab_hbm.at[idx_b], rows_v.at[pl.ds(half, half)], sem)
            cp1.wait()
            cp2.wait()
            pltpu.sync_copy(rows_v, out_hbm.at[pl.ds(base * KNN, _G * KNN)])
            return carry

        lax.fori_loop(0, nch, chunk, 0)

    mesh = plsc.VectorSubcoreMesh(core_axis_name="c", subcore_axis_name="s",
                                  num_cores=2, num_subcores=16)
    return pl.kernel(
        body,
        out_type=jax.ShapeDtypeStruct((BN * KNN, cp), jnp.float32),
        mesh=mesh,
        scratch_types=[
            pltpu.VMEM((half,), jnp.int32),
            pltpu.VMEM((half,), jnp.int32),
            pltpu.VMEM((_G * KNN, cp), jnp.float32),
            pltpu.SemaphoreType.DMA,
        ],
        compiler_params=pltpu.CompilerParams(use_tc_tiling_on_sc=False),
        interpret=_INTERPRET,
    )


def _sc_gather(table, idx_flat):
    return _build_sc_gather(table.shape[1])(table, idx_flat)



_RC = 128


def _conv_body(g_ref, x_ref, w_ref, m_ref, h_ref, *, c, o):
    gv = g_ref[...]
    xc = x_ref[...]
    cp = xc.shape[1]
    xcb = jnp.broadcast_to(xc[:, None, :], (_RC, KNN, cp)).reshape(_RC * KNN, cp)
    diff = gv - xcb
    f = jnp.concatenate([diff[:, :c], xcb[:, :c]], axis=1)
    h = jnp.dot(f, w_ref[...], preferred_element_type=jnp.float32)
    m_ref[...] = jnp.max(h.reshape(_RC, KNN, o), axis=1)
    ht = lax.dot_general(w_ref[...], f, (((0,), (1,)), ((), ())),
                         preferred_element_type=jnp.float32)
    h_ref[...] = ht[None]


def _conv(gathered, table, wt, c):
    cp = table.shape[1]
    o = wt.shape[1]
    nprog = BN // _RC
    npb = N // _RC
    return pl.pallas_call(
        functools.partial(_conv_body, c=c, o=o),
        grid=(nprog,),
        in_specs=[
            pl.BlockSpec((_RC * KNN, cp), lambda i: (i, 0)),
            pl.BlockSpec((_RC, cp), lambda i: (i, 0)),
            pl.BlockSpec((2 * c, o), lambda i: (0, 0)),
        ],
        out_specs=[
            pl.BlockSpec((_RC, o), lambda i: (i, 0)),
            pl.BlockSpec((1, o, _RC * KNN), lambda i: (i // npb, 0, i % npb)),
        ],
        out_shape=[
            jax.ShapeDtypeStruct((BN, o), jnp.float32),
            jax.ShapeDtypeStruct((B, o, N * KNN), jnp.float32),
        ],
        interpret=_INTERPRET,
    )(gathered, table, wt)



_RS = 2048


def _row_stats_body(h_ref, o1_ref, o2_ref):
    h = h_ref[...]
    o1_ref[...] = jnp.sum(h, axis=0)[None, None, :]
    o2_ref[...] = jnp.sum(h * h, axis=0)[None, None, :]


def _row_stats(h):
    o = h.shape[1]
    nprog = BN // _RS
    return pl.pallas_call(
        _row_stats_body,
        grid=(nprog,),
        in_specs=[pl.BlockSpec((_RS, o), lambda i: (i, 0))],
        out_specs=[pl.BlockSpec((1, 1, o), lambda i: (i, 0, 0))] * 2,
        out_shape=[jax.ShapeDtypeStruct((nprog, 1, o), jnp.float32)] * 2,
        interpret=_INTERPRET,
    )(h)


def _mean_scale(o1_ref, o2_ref, g_ref, cnt):
    sh = jnp.sum(o1_ref[...], axis=(0, 1))
    sh2 = jnp.sum(o2_ref[...], axis=(0, 1))
    inv = jnp.float32(1.0 / cnt)
    mean = sh * inv
    var = sh2 * inv - mean * mean
    return mean, lax.rsqrt(var + EPS) * g_ref[...]


def _edge_norm_body(m_ref, mean_ref, var_ref, g_ref, beta_ref, out_ref):
    h = (m_ref[...] - mean_ref[...][None, :]) / jnp.sqrt(var_ref[...][None, :] + EPS) \
        * g_ref[...][None, :] + beta_ref[...][None, :]
    out_ref[...] = jnp.where(h >= 0, h, 0.2 * h)


def _edge_norm(mx, mean, var, g, beta):
    o = mx.shape[1]
    return pl.pallas_call(
        _edge_norm_body,
        grid=(BN // _RS,),
        in_specs=[
            pl.BlockSpec((_RS, o), lambda i: (i, 0)),
            pl.BlockSpec((o,), lambda i: (0,)),
            pl.BlockSpec((o,), lambda i: (0,)),
            pl.BlockSpec((o,), lambda i: (0,)),
            pl.BlockSpec((o,), lambda i: (0,)),
        ],
        out_specs=pl.BlockSpec((_RS, o), lambda i: (i, 0)),
        out_shape=jax.ShapeDtypeStruct((BN, o), jnp.float32),
        interpret=_INTERPRET,
    )(mx, mean, var, g, beta)


def _norm_body(h_ref, o1_ref, o2_ref, g_ref, beta_ref, out_ref, *, cnt):
    mean, scale = _mean_scale(o1_ref, o2_ref, g_ref, cnt)
    h = (h_ref[...] - mean[None, :]) * scale[None, :] + beta_ref[...][None, :]
    out_ref[...] = jnp.where(h >= 0, h, 0.2 * h)


def _norm(h, o1, o2, g, beta, cnt):
    o = h.shape[1]
    np_ = o1.shape[0]
    return pl.pallas_call(
        functools.partial(_norm_body, cnt=cnt),
        grid=(BN // _RS,),
        in_specs=[
            pl.BlockSpec((_RS, o), lambda i: (i, 0)),
            pl.BlockSpec((np_, 1, o), lambda i: (0, 0, 0)),
            pl.BlockSpec((np_, 1, o), lambda i: (0, 0, 0)),
            pl.BlockSpec((o,), lambda i: (0,)),
            pl.BlockSpec((o,), lambda i: (0,)),
        ],
        out_specs=pl.BlockSpec((_RS, o), lambda i: (i, 0)),
        out_shape=jax.ShapeDtypeStruct((BN, o), jnp.float32),
        interpret=_INTERPRET,
    )(h, o1, o2, g, beta)


def _bmax_body(h_ref, o1_ref, o2_ref, g_ref, beta_ref, out_ref):
    mean, scale = _mean_scale(o1_ref, o2_ref, g_ref, BN)
    h = (h_ref[...] - mean[None, :]) * scale[None, :] + beta_ref[...][None, :]
    h = jnp.where(h >= 0, h, 0.2 * h)
    part = jnp.max(h, axis=0)[None, None, :]

    @pl.when(pl.program_id(1) == 0)
    def _():
        out_ref[...] = jnp.full_like(part, -jnp.inf)

    out_ref[...] = jnp.maximum(out_ref[...], part)


def _bmax(h, o1, o2, g, beta):
    o = h.shape[1]
    np_ = o1.shape[0]
    return pl.pallas_call(
        _bmax_body,
        grid=(B, N // _RS),
        in_specs=[
            pl.BlockSpec((_RS, o), lambda b, r: (b * (N // _RS) + r, 0)),
            pl.BlockSpec((np_, 1, o), lambda b, r: (0, 0, 0)),
            pl.BlockSpec((np_, 1, o), lambda b, r: (0, 0, 0)),
            pl.BlockSpec((o,), lambda b, r: (0,)),
            pl.BlockSpec((o,), lambda b, r: (0,)),
        ],
        out_specs=pl.BlockSpec((1, 1, o), lambda b, r: (b, 0, 0)),
        out_shape=jax.ShapeDtypeStruct((B, 1, o), jnp.float32),
        interpret=_INTERPRET,
    )(h, o1, o2, g, beta)


_RM = 1024


def _cat_body(x1_ref, x2_ref, x3_ref, x4_ref, x5_ref,
              a1_ref, a2_ref, a3_ref, a4_ref, a5_ref, out_ref):
    h = jnp.dot(x1_ref[...], a1_ref[...], preferred_element_type=jnp.float32)
    h += jnp.dot(x2_ref[...], a2_ref[...], preferred_element_type=jnp.float32)
    h += jnp.dot(x3_ref[...], a3_ref[...], preferred_element_type=jnp.float32)
    h += jnp.dot(x4_ref[...], a4_ref[...], preferred_element_type=jnp.float32)
    h += jnp.dot(x5_ref[0], a5_ref[...], preferred_element_type=jnp.float32)
    out_ref[...] = h


def _cat_mm(x1, x2, x3, x4, x5, a1, a2, a3, a4, a5):
    o = a1.shape[1]
    rblocks = N // _RM

    def xspec(xi):
        return pl.BlockSpec((_RM, xi.shape[1]), lambda b, r: (b * rblocks + r, 0))

    def wspec(ai):
        return pl.BlockSpec(ai.shape, lambda b, r: (0, 0))

    return pl.pallas_call(
        _cat_body,
        grid=(B, rblocks),
        in_specs=[
            xspec(x1), xspec(x2), xspec(x3), xspec(x4),
            pl.BlockSpec((1, 1, o), lambda b, r: (b, 0, 0)),
            wspec(a1), wspec(a2), wspec(a3), wspec(a4), wspec(a5),
        ],
        out_specs=pl.BlockSpec((_RM, o), lambda b, r: (b * rblocks + r, 0)),
        out_shape=jax.ShapeDtypeStruct((BN, o), jnp.float32),
        interpret=_INTERPRET,
    )(x1, x2, x3, x4, x5, a1, a2, a3, a4, a5)




def _edge_layer(x_rows, x_table, x_bcn, w, g, beta):
    c = x_bcn.shape[1]
    o = w.shape[0]
    idx = _knn(x_rows, x_bcn)
    gathered = _sc_gather(x_table, idx.reshape(-1))
    mx, h_t3 = _conv(gathered, x_table, jnp.transpose(w), c)
    h_t = h_t3.reshape(B, o, N, KNN)
    mean = jnp.mean(h_t, axis=(0, 2, 3))
    var = jnp.var(h_t, axis=(0, 2, 3))
    out_rows = _edge_norm(mx, mean, var, g, beta)
    out_bcn = jnp.transpose(out_rows.reshape(B, N, -1), (0, 2, 1))
    return out_rows, out_bcn


def kernel(x, W1, g1, b1, W2, g2, b2, W3, g3, b3, W4, g4, b4,
           W6, g6, b6, W5, g5, b5):
    x_rows = jnp.transpose(x, (0, 2, 1)).reshape(BN, 3)
    x_table1 = jnp.pad(x_rows, ((0, 0), (0, 13)))
    x1, x1_bcn = _edge_layer(x_rows, x_table1, x, W1, g1, b1)
    x2, x2_bcn = _edge_layer(x1, x1, x1_bcn, W2, g2, b2)
    x3, x3_bcn = _edge_layer(x2, x2, x2_bcn, W3, g3, b3)
    x4, _ = _edge_layer(x3, x3, x3_bcn, W4, g4, b4)

    h6 = _mm(x4, jnp.transpose(W6))
    o1, o2 = _row_stats(h6)
    x5 = _bmax(h6, o1, o2, g6, b6)

    w5t = jnp.transpose(W5)
    hcat = _cat_mm(x1, x2, x3, x4, x5,
                   w5t[0:64], w5t[64:128], w5t[128:256],
                   w5t[256:512], w5t[512:768])
    p1, p2 = _row_stats(hcat)
    out_rows = _norm(hcat, p1, p2, g5, b5, BN)
    return jnp.transpose(out_rows.reshape(B, N, 256), (0, 2, 1))

# --- scband reference (transcript-rebuilt; emitter-appended) ---
"""Pipeline reference for scband-dgcnn-14156212208341 (READ-ONLY COPY).

The authoritative reference and input builder live on the scoring server;
editing this copy changes nothing except your own understanding.
"""

import jax, jax.numpy as jnp
import numpy as np

EPS = 1e-5

def lrelu(x):
    return jnp.where(x >= 0, x, 0.2 * x)

def bn2d(x, g, b):
    m = jnp.mean(x, axis=(0, 2, 3), keepdims=True)
    v = jnp.var(x, axis=(0, 2, 3), keepdims=True)
    return (x - m) / jnp.sqrt(v + EPS) * g[None, :, None, None] + b[None, :, None, None]

def bn1d(x, g, b):
    m = jnp.mean(x, axis=(0, 2), keepdims=True)
    v = jnp.var(x, axis=(0, 2), keepdims=True)
    return (x - m) / jnp.sqrt(v + EPS) * g[None, :, None] + b[None, :, None]

def knn(x, k):
    # x: [B, C, N]
    inner = -2.0 * jnp.matmul(jnp.transpose(x, (0, 2, 1)), x)
    xx = jnp.sum(x ** 2, axis=1, keepdims=True)
    pairwise = -xx - inner - jnp.transpose(xx, (0, 2, 1))
    idx = jax.lax.top_k(pairwise, k)[1]  # [B, N, k]
    return idx

def get_graph_feature(x, k):
    B, C, N = x.shape
    idx = knn(x, k)
    xt = jnp.transpose(x, (0, 2, 1))  # [B, N, C]
    feature = xt[jnp.arange(B)[:, None, None], idx]  # gather -> [B, N, k, C]
    xc = jnp.broadcast_to(xt[:, :, None, :], (B, N, k, C))
    feat = jnp.concatenate([feature - xc, xc], axis=3)  # [B, N, k, 2C]
    return jnp.transpose(feat, (0, 3, 1, 2))  # [B, 2C, N, k]

def _w(key, out_c, in_c):
    return jax.random.normal(key, (out_c, in_c), dtype=jnp.float32) * np.sqrt(2.0 / in_c)

def setup_inputs(seed: int = 0) -> dict:
    key = jax.random.key(seed)
    ks = jax.random.split(key, 8)
    inp = {
        'x': jax.random.normal(ks[0], (8, 3, 2048), dtype=jnp.float32),
        'W1': _w(ks[1], 64, 6),   'g1': jnp.ones((64,), jnp.float32),  'b1': jnp.zeros((64,), jnp.float32),
        'W2': _w(ks[2], 64, 128), 'g2': jnp.ones((64,), jnp.float32),  'b2': jnp.zeros((64,), jnp.float32),
        'W3': _w(ks[3], 128, 128),'g3': jnp.ones((128,), jnp.float32), 'b3': jnp.zeros((128,), jnp.float32),
        'W4': _w(ks[4], 256, 256),'g4': jnp.ones((256,), jnp.float32), 'b4': jnp.zeros((256,), jnp.float32),
        'W6': _w(ks[5], 256, 256),'g6': jnp.ones((256,), jnp.float32), 'b6': jnp.zeros((256,), jnp.float32),
        'W5': _w(ks[6], 256, 768),'g5': jnp.ones((256,), jnp.float32), 'b5': jnp.zeros((256,), jnp.float32),
    }
    return inp

def reference(x, W1, g1, b1, W2, g2, b2, W3, g3, b3, W4, g4, b4, W6, g6, b6, W5, g5, b5):
    k = 20
    B, _, N = x.shape
    f = get_graph_feature(x, k)
    h = lrelu(bn2d(jnp.einsum('oc,bcnk->bonk', W1, f), g1, b1))
    x1 = jnp.max(h, axis=-1)
    f = get_graph_feature(x1, k)
    h = lrelu(bn2d(jnp.einsum('oc,bcnk->bonk', W2, f), g2, b2))
    x2 = jnp.max(h, axis=-1)
    f = get_graph_feature(x2, k)
    h = lrelu(bn2d(jnp.einsum('oc,bcnk->bonk', W3, f), g3, b3))
    x3 = jnp.max(h, axis=-1)
    f = get_graph_feature(x3, k)
    h = lrelu(bn2d(jnp.einsum('oc,bcnk->bonk', W4, f), g4, b4))
    x4 = jnp.max(h, axis=-1)
    h = lrelu(bn1d(jnp.einsum('oc,bcn->bon', W6, x4), g6, b6))
    x5 = jnp.max(h, axis=-1, keepdims=True)
    x5 = jnp.broadcast_to(x5, (B, 256, N))
    cat = jnp.concatenate([x1, x2, x3, x4, x5], axis=1)
    out = lrelu(bn1d(jnp.einsum('oc,bcn->bon', W5, cat), g5, b5))
    return out

if __name__ == "__main__":
    import jax
    _d = setup_inputs()
    print(jax.jit(kernel)(*tuple(_d.values())))

</pallas_src>

<mosaic_0001>
#map = affine_map<(d0, d1) -> (0, 0)>
#map1 = affine_map<(d0, d1) -> (0)>
module attributes {stable_mosaic.version = 14 : i64} {
  func.func @body(%arg0: i32, %arg1: i32, %arg2: memref<16384x16xf32, #tpu.memory_space<hbm>>, %arg3: memref<327680xi32, #tpu.memory_space<hbm>>, %arg4: memref<327680x16xf32, #tpu.memory_space<hbm>>, %arg5: memref<80xi32, #tpu.memory_space<vmem>>, %arg6: memref<80xi32, #tpu.memory_space<vmem>>, %arg7: memref<160x16xf32, #tpu.memory_space<vmem>>, %arg8: memref<!tpu.dma_semaphore, #tpu.memory_space<semaphore_mem>>) attributes {dimension_semantics = [#tpu.dimension_semantics<core_parallel>, #tpu.dimension_semantics<subcore_parallel>], iteration_bounds = array<i64: 2, 16>, scalar_prefetch = 0 : i64, scratch_operands = 4 : i64, tpu.core_type = #tpu.core_type<sc_vector_subcore>, window_params = [{transform_indices = #map}, {transform_indices = #map1}, {transform_indices = #map}]} {
    %mul3A = arith.constant 2 : i32
    %mul3A_0 = arith.muli %arg1, %mul3A : i32
    %add3A = arith.addi %mul3A_0, %arg0 : i32
    %scan3A = arith.constant 0 : i32
    %scan3A_1 = arith.constant 0 : i32
    %scan3A_2 = arith.constant 64 : i32
    %scan3A_3 = arith.addi %scan3A_1, %scan3A_2 : i32
    %scan3A_4 = arith.constant 1 : i32
    scf.for %scan3A_6 = %scan3A_1 to %scan3A_3 step %scan3A_4  : i32 {
      %mul3A_7 = arith.constant 512 : i32
      %mul3A_8 = arith.muli %add3A, %mul3A_7 : i32
      %mul3A_9 = arith.constant 8 : i32
      %mul3A_10 = arith.muli %scan3A_6, %mul3A_9 : i32
      %add3A_11 = arith.addi %mul3A_8, %mul3A_10 : i32
      %mul3A_12 = arith.constant 20 : i32
      %mul3A_13 = arith.muli %add3A_11, %mul3A_12 : i32
      "tpu.region"() ({
        %run_scoped3A = tpu.sem_alloc : memref<!tpu.dma_semaphore, #tpu.memory_space<semaphore_mem>>
        %dma_start3A_42 = tpu.memref_slice %arg3[%mul3A_13] : memref<327680xi32, #tpu.memory_space<hbm>> -> memref<80xi32, #tpu.memory_space<hbm>>
        %dma_start3A_43 = tpu.memref_slice %arg3[%mul3A_13] : memref<327680xi32, #tpu.memory_space<hbm>> -> memref<80xi32, #tpu.memory_space<hbm>>
        tpu.enqueue_dma source(%dma_start3A_43 : memref<80xi32, #tpu.memory_space<hbm>>) target(%arg5 : memref<80xi32, #tpu.memory_space<vmem>>) target_semaphore(%run_scoped3A : memref<!tpu.dma_semaphore, #tpu.memory_space<semaphore_mem>>)
        %dma_wait3A_44 = tpu.memref_slice %arg3[%mul3A_13] : memref<327680xi32, #tpu.memory_space<hbm>> -> memref<80xi32, #tpu.memory_space<hbm>>
        %dma_wait3A_45 = tpu.memref_slice %arg3[%mul3A_13] : memref<327680xi32, #tpu.memory_space<hbm>> -> memref<80xi32, #tpu.memory_space<hbm>>
        tpu.wait_dma2 semaphore(%run_scoped3A : memref<!tpu.dma_semaphore, #tpu.memory_space<semaphore_mem>>) src(%dma_wait3A_45 : memref<80xi32, #tpu.memory_space<hbm>>) dst(%arg5 : memref<80xi32, #tpu.memory_space<vmem>>)
        tpu.yield
      }) : () -> ()
      %mul3A_14 = arith.constant 20 : i32
      %mul3A_15 = arith.muli %add3A_11, %mul3A_14 : i32
      %add3A_16 = arith.constant 80 : i32
      %add3A_17 = arith.addi %mul3A_15, %add3A_16 : i32
      "tpu.region"() ({
        %run_scoped3A = tpu.sem_alloc : memref<!tpu.dma_semaphore, #tpu.memory_space<semaphore_mem>>
        %dma_start3A_42 = tpu.memref_slice %arg3[%add3A_17] : memref<327680xi32, #tpu.memory_space<hbm>> -> memref<80xi32, #tpu.memory_space<hbm>>
        %dma_start3A_43 = tpu.memref_slice %arg3[%add3A_17] : memref<327680xi32, #tpu.memory_space<hbm>> -> memref<80xi32, #tpu.memory_space<hbm>>
        tpu.enqueue_dma source(%dma_start3A_43 : memref<80xi32, #tpu.memory_space<hbm>>) target(%arg6 : memref<80xi32, #tpu.memory_space<vmem>>) target_semaphore(%run_scoped3A : memref<!tpu.dma_semaphore, #tpu.memory_space<semaphore_mem>>)
        %dma_wait3A_44 = tpu.memref_slice %arg3[%add3A_17] : memref<327680xi32, #tpu.memory_space<hbm>> -> memref<80xi32, #tpu.memory_space<hbm>>
        %dma_wait3A_45 = tpu.memref_slice %arg3[%add3A_17] : memref<327680xi32, #tpu.memory_space<hbm>> -> memref<80xi32, #tpu.memory_space<hbm>>
        tpu.wait_dma2 semaphore(%run_scoped3A : memref<!tpu.dma_semaphore, #tpu.memory_space<semaphore_mem>>) src(%dma_wait3A_45 : memref<80xi32, #tpu.memory_space<hbm>>) dst(%arg6 : memref<80xi32, #tpu.memory_space<vmem>>)
        tpu.yield
      }) : () -> ()
      %dma_start3A = arith.constant 0 : i32
      %dma_start3A_18 = arith.constant 0 : i32
      %dma_start3A_19 = tpu.memref_slice %arg7[%dma_start3A, %dma_start3A_18] : memref<160x16xf32, #tpu.memory_space<vmem>> -> memref<80x16xf32, #tpu.memory_space<vmem>>
      %dma_start3A_20 = arith.constant 0 : i32
      %dma_start3A_21 = arith.constant 0 : i32
      %dma_start3A_22 = tpu.memref_slice %arg2[%dma_start3A_20, %dma_start3A_21] : memref<16384x16xf32, #tpu.memory_space<hbm>> -> memref<16384x16xf32, #tpu.memory_space<hbm>>
      tpu.enqueue_indirect_dma source(%dma_start3A_22 : memref<16384x16xf32, #tpu.memory_space<hbm>>) target(%dma_start3A_19 : memref<80x16xf32, #tpu.memory_space<vmem>>) offsets(%arg5 : memref<80xi32, #tpu.memory_space<vmem>>) semaphore(%arg8 : memref<!tpu.dma_semaphore, #tpu.memory_space<semaphore_mem>>)
      %dma_start3A_23 = arith.constant 80 : i32
      %dma_start3A_24 = arith.constant 0 : i32
      %dma_start3A_25 = tpu.memref_slice %arg7[%dma_start3A_23, %dma_start3A_24] : memref<160x16xf32, #tpu.memory_space<vmem>> -> memref<80x16xf32, #tpu.memory_space<vmem>>
      %dma_start3A_26 = arith.constant 0 : i32
      %dma_start3A_27 = arith.constant 0 : i32
      %dma_start3A_28 = tpu.memref_slice %arg2[%dma_start3A_26, %dma_start3A_27] : memref<16384x16xf32, #tpu.memory_space<hbm>> -> memref<16384x16xf32, #tpu.memory_space<hbm>>
      tpu.enqueue_indirect_dma source(%dma_start3A_28 : memref<16384x16xf32, #tpu.memory_space<hbm>>) target(%dma_start3A_25 : memref<80x16xf32, #tpu.memory_space<vmem>>) offsets(%arg6 : memref<80xi32, #tpu.memory_space<vmem>>) semaphore(%arg8 : memref<!tpu.dma_semaphore, #tpu.memory_space<semaphore_mem>>)
      %dma_wait3A = arith.constant 0 : i32
      %dma_wait3A_29 = arith.constant 0 : i32
      %dma_wait3A_30 = tpu.memref_slice %arg7[%dma_wait3A, %dma_wait3A_29] : memref<160x16xf32, #tpu.memory_space<vmem>> -> memref<80x16xf32, #tpu.memory_space<vmem>>
      %dma_wait3A_31 = arith.constant 0 : i32
      %dma_wait3A_32 = arith.constant 0 : i32
      %dma_wait3A_33 = tpu.memref_slice %arg2[%dma_wait3A_31, %dma_wait3A_32] : memref<16384x16xf32, #tpu.memory_space<hbm>> -> memref<16384x16xf32, #tpu.memory_space<hbm>>
      tpu.wait_indirect_dma semaphore(%arg8 : memref<!tpu.dma_semaphore, #tpu.memory_space<semaphore_mem>>) src(%dma_wait3A_33 : memref<16384x16xf32, #tpu.memory_space<hbm>>) dst(%dma_wait3A_30 : memref<80x16xf32, #tpu.memory_space<vmem>>)
      %dma_wait3A_34 = arith.constant 80 : i32
      %dma_wait3A_35 = arith.constant 0 : i32
      %dma_wait3A_36 = tpu.memref_slice %arg7[%dma_wait3A_34, %dma_wait3A_35] : memref<160x16xf32, #tpu.memory_space<vmem>> -> memref<80x16xf32, #tpu.memory_space<vmem>>
      %dma_wait3A_37 = arith.constant 0 : i32
      %dma_wait3A_38 = arith.constant 0 : i32
      %dma_wait3A_39 = tpu.memref_slice %arg2[%dma_wait3A_37, %dma_wait3A_38] : memref<16384x16xf32, #tpu.memory_space<hbm>> -> memref<16384x16xf32, #tpu.memory_space<hbm>>
      tpu.wait_indirect_dma semaphore(%arg8 : memref<!tpu.dma_semaphore, #tpu.memory_space<semaphore_mem>>) src(%dma_wait3A_39 : memref<16384x16xf32, #tpu.memory_space<hbm>>) dst(%dma_wait3A_36 : memref<80x16xf32, #tpu.memory_space<vmem>>)
      %mul3A_40 = arith.constant 20 : i32
      %mul3A_41 = arith.muli %add3A_11, %mul3A_40 : i32
      "tpu.region"() ({
        %run_scoped3A = tpu.sem_alloc : memref<!tpu.dma_semaphore, #tpu.memory_space<semaphore_mem>>
        %dma_start3A_42 = arith.constant 0 : i32
        %dma_start3A_43 = tpu.memref_slice %arg4[%mul3A_41, %dma_start3A_42] : memref<327680x16xf32, #tpu.memory_space<hbm>> -> memref<160x16xf32, #tpu.memory_space<hbm>>
        %dma_start3A_44 = arith.constant 0 : i32
        %dma_start3A_45 = tpu.memref_slice %arg4[%mul3A_41, %dma_start3A_44] : memref<327680x16xf32, #tpu.memory_space<hbm>> -> memref<160x16xf32, #tpu.memory_space<hbm>>
        tpu.enqueue_dma source(%arg7 : memref<160x16xf32, #tpu.memory_space<vmem>>) target(%dma_start3A_45 : memref<160x16xf32, #tpu.memory_space<hbm>>) target_semaphore(%run_scoped3A : memref<!tpu.dma_semaphore, #tpu.memory_space<semaphore_mem>>)
        %dma_wait3A_46 = arith.constant 0 : i32
        %dma_wait3A_47 = tpu.memref_slice %arg4[%mul3A_41, %dma_wait3A_46] : memref<327680x16xf32, #tpu.memory_space<hbm>> -> memref<160x16xf32, #tpu.memory_space<hbm>>
        %dma_wait3A_48 = arith.constant 0 : i32
        %dma_wait3A_49 = tpu.memref_slice %arg4[%mul3A_41, %dma_wait3A_48] : memref<327680x16xf32, #tpu.memory_space<hbm>> -> memref<160x16xf32, #tpu.memory_space<hbm>>
        tpu.wait_dma2 semaphore(%run_scoped3A : memref<!tpu.dma_semaphore, #tpu.memory_space<semaphore_mem>>) src(%arg7 : memref<160x16xf32, #tpu.memory_space<vmem>>) dst(%dma_wait3A_49 : memref<160x16xf32, #tpu.memory_space<hbm>>)
        tpu.yield
      }) : () -> ()
    }
    %scan3A_5 = arith.constant 64 : i32
    return
  }
}

#map = affine_map<(d0, d1) -> (0, 0)>
#map1 = affine_map<(d0, d1) -> (0)>
module attributes {stable_mosaic.version = 14 : i64} {
  func.func @body(%arg0: i32, %arg1: i32, %arg2: memref<16384x64xf32, #tpu.memory_space<hbm>>, %arg3: memref<327680xi32, #tpu.memory_space<hbm>>, %arg4: memref<327680x64xf32, #tpu.memory_space<hbm>>, %arg5: memref<80xi32, #tpu.memory_space<vmem>>, %arg6: memref<80xi32, #tpu.memory_space<vmem>>, %arg7: memref<160x64xf32, #tpu.memory_space<vmem>>, %arg8: memref<!tpu.dma_semaphore, #tpu.memory_space<semaphore_mem>>) attributes {dimension_semantics = [#tpu.dimension_semantics<core_parallel>, #tpu.dimension_semantics<subcore_parallel>], iteration_bounds = array<i64: 2, 16>, scalar_prefetch = 0 : i64, scratch_operands = 4 : i64, tpu.core_type = #tpu.core_type<sc_vector_subcore>, window_params = [{transform_indices = #map}, {transform_indices = #map1}, {transform_indices = #map}]} {
    %mul3A = arith.constant 2 : i32
    %mul3A_0 = arith.muli %arg1, %mul3A : i32
    %add3A = arith.addi %mul3A_0, %arg0 : i32
    %scan3A = arith.constant 0 : i32
    %scan3A_1 = arith.constant 0 : i32
    %scan3A_2 = arith.constant 64 : i32
    %scan3A_3 = arith.addi %scan3A_1, %scan3A_2 : i32
    %scan3A_4 = arith.constant 1 : i32
    scf.for %scan3A_6 = %scan3A_1 to %scan3A_3 step %scan3A_4  : i32 {
      %mul3A_7 = arith.constant 512 : i32
      %mul3A_8 = arith.muli %add3A, %mul3A_7 : i32
      %mul3A_9 = arith.constant 8 : i32
      %mul3A_10 = arith.muli %scan3A_6, %mul3A_9 : i32
      %add3A_11 = arith.addi %mul3A_8, %mul3A_10 : i32
      %mul3A_12 = arith.constant 20 : i32
      %mul3A_13 = arith.muli %add3A_11, %mul3A_12 : i32
      "tpu.region"() ({
        %run_scoped3A = tpu.sem_alloc : memref<!tpu.dma_semaphore, #tpu.memory_space<semaphore_mem>>
        %dma_start3A_42 = tpu.memref_slice %arg3[%mul3A_13] : memref<327680xi32, #tpu.memory_space<hbm>> -> memref<80xi32, #tpu.memory_space<hbm>>
        %dma_start3A_43 = tpu.memref_slice %arg3[%mul3A_13] : memref<327680xi32, #tpu.memory_space<hbm>> -> memref<80xi32, #tpu.memory_space<hbm>>
        tpu.enqueue_dma source(%dma_start3A_43 : memref<80xi32, #tpu.memory_space<hbm>>) target(%arg5 : memref<80xi32, #tpu.memory_space<vmem>>) target_semaphore(%run_scoped3A : memref<!tpu.dma_semaphore, #tpu.memory_space<semaphore_mem>>)
        %dma_wait3A_44 = tpu.memref_slice %arg3[%mul3A_13] : memref<327680xi32, #tpu.memory_space<hbm>> -> memref<80xi32, #tpu.memory_space<hbm>>
        %dma_wait3A_45 = tpu.memref_slice %arg3[%mul3A_13] : memref<327680xi32, #tpu.memory_space<hbm>> -> memref<80xi32, #tpu.memory_space<hbm>>
        tpu.wait_dma2 semaphore(%run_scoped3A : memref<!tpu.dma_semaphore, #tpu.memory_space<semaphore_mem>>) src(%dma_wait3A_45 : memref<80xi32, #tpu.memory_space<hbm>>) dst(%arg5 : memref<80xi32, #tpu.memory_space<vmem>>)
        tpu.yield
      }) : () -> ()
      %mul3A_14 = arith.constant 20 : i32
      %mul3A_15 = arith.muli %add3A_11, %mul3A_14 : i32
      %add3A_16 = arith.constant 80 : i32
      %add3A_17 = arith.addi %mul3A_15, %add3A_16 : i32
      "tpu.region"() ({
        %run_scoped3A = tpu.sem_alloc : memref<!tpu.dma_semaphore, #tpu.memory_space<semaphore_mem>>
        %dma_start3A_42 = tpu.memref_slice %arg3[%add3A_17] : memref<327680xi32, #tpu.memory_space<hbm>> -> memref<80xi32, #tpu.memory_space<hbm>>
        %dma_start3A_43 = tpu.memref_slice %arg3[%add3A_17] : memref<327680xi32, #tpu.memory_space<hbm>> -> memref<80xi32, #tpu.memory_space<hbm>>
        tpu.enqueue_dma source(%dma_start3A_43 : memref<80xi32, #tpu.memory_space<hbm>>) target(%arg6 : memref<80xi32, #tpu.memory_space<vmem>>) target_semaphore(%run_scoped3A : memref<!tpu.dma_semaphore, #tpu.memory_space<semaphore_mem>>)
        %dma_wait3A_44 = tpu.memref_slice %arg3[%add3A_17] : memref<327680xi32, #tpu.memory_space<hbm>> -> memref<80xi32, #tpu.memory_space<hbm>>
        %dma_wait3A_45 = tpu.memref_slice %arg3[%add3A_17] : memref<327680xi32, #tpu.memory_space<hbm>> -> memref<80xi32, #tpu.memory_space<hbm>>
        tpu.wait_dma2 semaphore(%run_scoped3A : memref<!tpu.dma_semaphore, #tpu.memory_space<semaphore_mem>>) src(%dma_wait3A_45 : memref<80xi32, #tpu.memory_space<hbm>>) dst(%arg6 : memref<80xi32, #tpu.memory_space<vmem>>)
        tpu.yield
      }) : () -> ()
      %dma_start3A = arith.constant 0 : i32
      %dma_start3A_18 = arith.constant 0 : i32
      %dma_start3A_19 = tpu.memref_slice %arg7[%dma_start3A, %dma_start3A_18] : memref<160x64xf32, #tpu.memory_space<vmem>> -> memref<80x64xf32, #tpu.memory_space<vmem>>
      %dma_start3A_20 = arith.constant 0 : i32
      %dma_start3A_21 = arith.constant 0 : i32
      %dma_start3A_22 = tpu.memref_slice %arg2[%dma_start3A_20, %dma_start3A_21] : memref<16384x64xf32, #tpu.memory_space<hbm>> -> memref<16384x64xf32, #tpu.memory_space<hbm>>
      tpu.enqueue_indirect_dma source(%dma_start3A_22 : memref<16384x64xf32, #tpu.memory_space<hbm>>) target(%dma_start3A_19 : memref<80x64xf32, #tpu.memory_space<vmem>>) offsets(%arg5 : memref<80xi32, #tpu.memory_space<vmem>>) semaphore(%arg8 : memref<!tpu.dma_semaphore, #tpu.memory_space<semaphore_mem>>)
      %dma_start3A_23 = arith.constant 80 : i32
      %dma_start3A_24 = arith.constant 0 : i32
      %dma_start3A_25 = tpu.memref_slice %arg7[%dma_start3A_23, %dma_start3A_24] : memref<160x64xf32, #tpu.memory_space<vmem>> -> memref<80x64xf32, #tpu.memory_space<vmem>>
      %dma_start3A_26 = arith.constant 0 : i32
      %dma_start3A_27 = arith.constant 0 : i32
      %dma_start3A_28 = tpu.memref_slice %arg2[%dma_start3A_26, %dma_start3A_27] : memref<16384x64xf32, #tpu.memory_space<hbm>> -> memref<16384x64xf32, #tpu.memory_space<hbm>>
      tpu.enqueue_indirect_dma source(%dma_start3A_28 : memref<16384x64xf32, #tpu.memory_space<hbm>>) target(%dma_start3A_25 : memref<80x64xf32, #tpu.memory_space<vmem>>) offsets(%arg6 : memref<80xi32, #tpu.memory_space<vmem>>) semaphore(%arg8 : memref<!tpu.dma_semaphore, #tpu.memory_space<semaphore_mem>>)
      %dma_wait3A = arith.constant 0 : i32
      %dma_wait3A_29 = arith.constant 0 : i32
      %dma_wait3A_30 = tpu.memref_slice %arg7[%dma_wait3A, %dma_wait3A_29] : memref<160x64xf32, #tpu.memory_space<vmem>> -> memref<80x64xf32, #tpu.memory_space<vmem>>
      %dma_wait3A_31 = arith.constant 0 : i32
      %dma_wait3A_32 = arith.constant 0 : i32
      %dma_wait3A_33 = tpu.memref_slice %arg2[%dma_wait3A_31, %dma_wait3A_32] : memref<16384x64xf32, #tpu.memory_space<hbm>> -> memref<16384x64xf32, #tpu.memory_space<hbm>>
      tpu.wait_indirect_dma semaphore(%arg8 : memref<!tpu.dma_semaphore, #tpu.memory_space<semaphore_mem>>) src(%dma_wait3A_33 : memref<16384x64xf32, #tpu.memory_space<hbm>>) dst(%dma_wait3A_30 : memref<80x64xf32, #tpu.memory_space<vmem>>)
      %dma_wait3A_34 = arith.constant 80 : i32
      %dma_wait3A_35 = arith.constant 0 : i32
      %dma_wait3A_36 = tpu.memref_slice %arg7[%dma_wait3A_34, %dma_wait3A_35] : memref<160x64xf32, #tpu.memory_space<vmem>> -> memref<80x64xf32, #tpu.memory_space<vmem>>
      %dma_wait3A_37 = arith.constant 0 : i32
      %dma_wait3A_38 = arith.constant 0 : i32
      %dma_wait3A_39 = tpu.memref_slice %arg2[%dma_wait3A_37, %dma_wait3A_38] : memref<16384x64xf32, #tpu.memory_space<hbm>> -> memref<16384x64xf32, #tpu.memory_space<hbm>>
      tpu.wait_indirect_dma semaphore(%arg8 : memref<!tpu.dma_semaphore, #tpu.memory_space<semaphore_mem>>) src(%dma_wait3A_39 : memref<16384x64xf32, #tpu.memory_space<hbm>>) dst(%dma_wait3A_36 : memref<80x64xf32, #tpu.memory_space<vmem>>)
      %mul3A_40 = arith.constant 20 : i32
      %mul3A_41 = arith.muli %add3A_11, %mul3A_40 : i32
      "tpu.region"() ({
        %run_scoped3A = tpu.sem_alloc : memref<!tpu.dma_semaphore, #tpu.memory_space<semaphore_mem>>
        %dma_start3A_42 = arith.constant 0 : i32
        %dma_start3A_43 = tpu.memref_slice %arg4[%mul3A_41, %dma_start3A_42] : memref<327680x64xf32, #tpu.memory_space<hbm>> -> memref<160x64xf32, #tpu.memory_space<hbm>>
        %dma_start3A_44 = arith.constant 0 : i32
        %dma_start3A_45 = tpu.memref_slice %arg4[%mul3A_41, %dma_start3A_44] : memref<327680x64xf32, #tpu.memory_space<hbm>> -> memref<160x64xf32, #tpu.memory_space<hbm>>
        tpu.enqueue_dma source(%arg7 : memref<160x64xf32, #tpu.memory_space<vmem>>) target(%dma_start3A_45 : memref<160x64xf32, #tpu.memory_space<hbm>>) target_semaphore(%run_scoped3A : memref<!tpu.dma_semaphore, #tpu.memory_space<semaphore_mem>>)
        %dma_wait3A_46 = arith.constant 0 : i32
        %dma_wait3A_47 = tpu.memref_slice %arg4[%mul3A_41, %dma_wait3A_46] : memref<327680x64xf32, #tpu.memory_space<hbm>> -> memref<160x64xf32, #tpu.memory_space<hbm>>
        %dma_wait3A_48 = arith.constant 0 : i32
        %dma_wait3A_49 = tpu.memref_slice %arg4[%mul3A_41, %dma_wait3A_48] : memref<327680x64xf32, #tpu.memory_space<hbm>> -> memref<160x64xf32, #tpu.memory_space<hbm>>
        tpu.wait_dma2 semaphore(%run_scoped3A : memref<!tpu.dma_semaphore, #tpu.memory_space<semaphore_mem>>) src(%arg7 : memref<160x64xf32, #tpu.memory_space<vmem>>) dst(%dma_wait3A_49 : memref<160x64xf32, #tpu.memory_space<hbm>>)
        tpu.yield
      }) : () -> ()
    }
    %scan3A_5 = arith.constant 64 : i32
    return
  }
}

#map = affine_map<(d0, d1) -> (0, 0)>
#map1 = affine_map<(d0, d1) -> (0)>
module attributes {stable_mosaic.version = 14 : i64} {
  func.func @body(%arg0: i32, %arg1: i32, %arg2: memref<16384x64xf32, #tpu.memory_space<hbm>>, %arg3: memref<327680xi32, #tpu.memory_space<hbm>>, %arg4: memref<327680x64xf32, #tpu.memory_space<hbm>>, %arg5: memref<80xi32, #tpu.memory_space<vmem>>, %arg6: memref<80xi32, #tpu.memory_space<vmem>>, %arg7: memref<160x64xf32, #tpu.memory_space<vmem>>, %arg8: memref<!tpu.dma_semaphore, #tpu.memory_space<semaphore_mem>>) attributes {dimension_semantics = [#tpu.dimension_semantics<core_parallel>, #tpu.dimension_semantics<subcore_parallel>], iteration_bounds = array<i64: 2, 16>, scalar_prefetch = 0 : i64, scratch_operands = 4 : i64, tpu.core_type = #tpu.core_type<sc_vector_subcore>, window_params = [{transform_indices = #map}, {transform_indices = #map1}, {transform_indices = #map}]} {
    %mul3A = arith.constant 2 : i32
    %mul3A_0 = arith.muli %arg1, %mul3A : i32
    %add3A = arith.addi %mul3A_0, %arg0 : i32
    %scan3A = arith.constant 0 : i32
    %scan3A_1 = arith.constant 0 : i32
    %scan3A_2 = arith.constant 64 : i32
    %scan3A_3 = arith.addi %scan3A_1, %scan3A_2 : i32
    %scan3A_4 = arith.constant 1 : i32
    scf.for %scan3A_6 = %scan3A_1 to %scan3A_3 step %scan3A_4  : i32 {
      %mul3A_7 = arith.constant 512 : i32
      %mul3A_8 = arith.muli %add3A, %mul3A_7 : i32
      %mul3A_9 = arith.constant 8 : i32
      %mul3A_10 = arith.muli %scan3A_6, %mul3A_9 : i32
      %add3A_11 = arith.addi %mul3A_8, %mul3A_10 : i32
      %mul3A_12 = arith.constant 20 : i32
      %mul3A_13 = arith.muli %add3A_11, %mul3A_12 : i32
      "tpu.region"() ({
        %run_scoped3A = tpu.sem_alloc : memref<!tpu.dma_semaphore, #tpu.memory_space<semaphore_mem>>
        %dma_start3A_42 = tpu.memref_slice %arg3[%mul3A_13] : memref<327680xi32, #tpu.memory_space<hbm>> -> memref<80xi32, #tpu.memory_space<hbm>>
        %dma_start3A_43 = tpu.memref_slice %arg3[%mul3A_13] : memref<327680xi32, #tpu.memory_space<hbm>> -> memref<80xi32, #tpu.memory_space<hbm>>
        tpu.enqueue_dma source(%dma_start3A_43 : memref<80xi32, #tpu.memory_space<hbm>>) target(%arg5 : memref<80xi32, #tpu.memory_space<vmem>>) target_semaphore(%run_scoped3A : memref<!tpu.dma_semaphore, #tpu.memory_space<semaphore_mem>>)
        %dma_wait3A_44 = tpu.memref_slice %arg3[%mul3A_13] : memref<327680xi32, #tpu.memory_space<hbm>> -> memref<80xi32, #tpu.memory_space<hbm>>
        %dma_wait3A_45 = tpu.memref_slice %arg3[%mul3A_13] : memref<327680xi32, #tpu.memory_space<hbm>> -> memref<80xi32, #tpu.memory_space<hbm>>
        tpu.wait_dma2 semaphore(%run_scoped3A : memref<!tpu.dma_semaphore, #tpu.memory_space<semaphore_mem>>) src(%dma_wait3A_45 : memref<80xi32, #tpu.memory_space<hbm>>) dst(%arg5 : memref<80xi32, #tpu.memory_space<vmem>>)
        tpu.yield
      }) : () -> ()
      %mul3A_14 = arith.constant 20 : i32
      %mul3A_15 = arith.muli %add3A_11, %mul3A_14 : i32
      %add3A_16 = arith.constant 80 : i32
      %add3A_17 = arith.addi %mul3A_15, %add3A_16 : i32
      "tpu.region"() ({
        %run_scoped3A = tpu.sem_alloc : memref<!tpu.dma_semaphore, #tpu.memory_space<semaphore_mem>>
        %dma_start3A_42 = tpu.memref_slice %arg3[%add3A_17] : memref<327680xi32, #tpu.memory_space<hbm>> -> memref<80xi32, #tpu.memory_space<hbm>>
        %dma_start3A_43 = tpu.memref_slice %arg3[%add3A_17] : memref<327680xi32, #tpu.memory_space<hbm>> -> memref<80xi32, #tpu.memory_space<hbm>>
        tpu.enqueue_dma source(%dma_start3A_43 : memref<80xi32, #tpu.memory_space<hbm>>) target(%arg6 : memref<80xi32, #tpu.memory_space<vmem>>) target_semaphore(%run_scoped3A : memref<!tpu.dma_semaphore, #tpu.memory_space<semaphore_mem>>)
        %dma_wait3A_44 = tpu.memref_slice %arg3[%add3A_17] : memref<327680xi32, #tpu.memory_space<hbm>> -> memref<80xi32, #tpu.memory_space<hbm>>
        %dma_wait3A_45 = tpu.memref_slice %arg3[%add3A_17] : memref<327680xi32, #tpu.memory_space<hbm>> -> memref<80xi32, #tpu.memory_space<hbm>>
        tpu.wait_dma2 semaphore(%run_scoped3A : memref<!tpu.dma_semaphore, #tpu.memory_space<semaphore_mem>>) src(%dma_wait3A_45 : memref<80xi32, #tpu.memory_space<hbm>>) dst(%arg6 : memref<80xi32, #tpu.memory_space<vmem>>)
        tpu.yield
      }) : () -> ()
      %dma_start3A = arith.constant 0 : i32
      %dma_start3A_18 = arith.constant 0 : i32
      %dma_start3A_19 = tpu.memref_slice %arg7[%dma_start3A, %dma_start3A_18] : memref<160x64xf32, #tpu.memory_space<vmem>> -> memref<80x64xf32, #tpu.memory_space<vmem>>
      %dma_start3A_20 = arith.constant 0 : i32
      %dma_start3A_21 = arith.constant 0 : i32
      %dma_start3A_22 = tpu.memref_slice %arg2[%dma_start3A_20, %dma_start3A_21] : memref<16384x64xf32, #tpu.memory_space<hbm>> -> memref<16384x64xf32, #tpu.memory_space<hbm>>
      tpu.enqueue_indirect_dma source(%dma_start3A_22 : memref<16384x64xf32, #tpu.memory_space<hbm>>) target(%dma_start3A_19 : memref<80x64xf32, #tpu.memory_space<vmem>>) offsets(%arg5 : memref<80xi32, #tpu.memory_space<vmem>>) semaphore(%arg8 : memref<!tpu.dma_semaphore, #tpu.memory_space<semaphore_mem>>)
      %dma_start3A_23 = arith.constant 80 : i32
      %dma_start3A_24 = arith.constant 0 : i32
      %dma_start3A_25 = tpu.memref_slice %arg7[%dma_start3A_23, %dma_start3A_24] : memref<160x64xf32, #tpu.memory_space<vmem>> -> memref<80x64xf32, #tpu.memory_space<vmem>>
      %dma_start3A_26 = arith.constant 0 : i32
      %dma_start3A_27 = arith.constant 0 : i32
      %dma_start3A_28 = tpu.memref_slice %arg2[%dma_start3A_26, %dma_start3A_27] : memref<16384x64xf32, #tpu.memory_space<hbm>> -> memref<16384x64xf32, #tpu.memory_space<hbm>>
      tpu.enqueue_indirect_dma source(%dma_start3A_28 : memref<16384x64xf32, #tpu.memory_space<hbm>>) target(%dma_start3A_25 : memref<80x64xf32, #tpu.memory_space<vmem>>) offsets(%arg6 : memref<80xi32, #tpu.memory_space<vmem>>) semaphore(%arg8 : memref<!tpu.dma_semaphore, #tpu.memory_space<semaphore_mem>>)
      %dma_wait3A = arith.constant 0 : i32
      %dma_wait3A_29 = arith.constant 0 : i32
      %dma_wait3A_30 = tpu.memref_slice %arg7[%dma_wait3A, %dma_wait3A_29] : memref<160x64xf32, #tpu.memory_space<vmem>> -> memref<80x64xf32, #tpu.memory_space<vmem>>
      %dma_wait3A_31 = arith.constant 0 : i32
      %dma_wait3A_32 = arith.constant 0 : i32
      %dma_wait3A_33 = tpu.memref_slice %arg2[%dma_wait3A_31, %dma_wait3A_32] : memref<16384x64xf32, #tpu.memory_space<hbm>> -> memref<16384x64xf32, #tpu.memory_space<hbm>>
      tpu.wait_indirect_dma semaphore(%arg8 : memref<!tpu.dma_semaphore, #tpu.memory_space<semaphore_mem>>) src(%dma_wait3A_33 : memref<16384x64xf32, #tpu.memory_space<hbm>>) dst(%dma_wait3A_30 : memref<80x64xf32, #tpu.memory_space<vmem>>)
      %dma_wait3A_34 = arith.constant 80 : i32
      %dma_wait3A_35 = arith.constant 0 : i32
      %dma_wait3A_36 = tpu.memref_slice %arg7[%dma_wait3A_34, %dma_wait3A_35] : memref<160x64xf32, #tpu.memory_space<vmem>> -> memref<80x64xf32, #tpu.memory_space<vmem>>
      %dma_wait3A_37 = arith.constant 0 : i32
      %dma_wait3A_38 = arith.constant 0 : i32
      %dma_wait3A_39 = tpu.memref_slice %arg2[%dma_wait3A_37, %dma_wait3A_38] : memref<16384x64xf32, #tpu.memory_space<hbm>> -> memref<16384x64xf32, #tpu.memory_space<hbm>>
      tpu.wait_indirect_dma semaphore(%arg8 : memref<!tpu.dma_semaphore, #tpu.memory_space<semaphore_mem>>) src(%dma_wait3A_39 : memref<16384x64xf32, #tpu.memory_space<hbm>>) dst(%dma_wait3A_36 : memref<80x64xf32, #tpu.memory_space<vmem>>)
      %mul3A_40 = arith.constant 20 : i32
      %mul3A_41 = arith.muli %add3A_11, %mul3A_40 : i32
      "tpu.region"() ({
        %run_scoped3A = tpu.sem_alloc : memref<!tpu.dma_semaphore, #tpu.memory_space<semaphore_mem>>
        %dma_start3A_42 = arith.constant 0 : i32
        %dma_start3A_43 = tpu.memref_slice %arg4[%mul3A_41, %dma_start3A_42] : memref<327680x64xf32, #tpu.memory_space<hbm>> -> memref<160x64xf32, #tpu.memory_space<hbm>>
        %dma_start3A_44 = arith.constant 0 : i32
        %dma_start3A_45 = tpu.memref_slice %arg4[%mul3A_41, %dma_start3A_44] : memref<327680x64xf32, #tpu.memory_space<hbm>> -> memref<160x64xf32, #tpu.memory_space<hbm>>
        tpu.enqueue_dma source(%arg7 : memref<160x64xf32, #tpu.memory_space<vmem>>) target(%dma_start3A_45 : memref<160x64xf32, #tpu.memory_space<hbm>>) target_semaphore(%run_scoped3A : memref<!tpu.dma_semaphore, #tpu.memory_space<semaphore_mem>>)
        %dma_wait3A_46 = arith.constant 0 : i32
        %dma_wait3A_47 = tpu.memref_slice %arg4[%mul3A_41, %dma_wait3A_46] : memref<327680x64xf32, #tpu.memory_space<hbm>> -> memref<160x64xf32, #tpu.memory_space<hbm>>
        %dma_wait3A_48 = arith.constant 0 : i32
        %dma_wait3A_49 = tpu.memref_slice %arg4[%mul3A_41, %dma_wait3A_48] : memref<327680x64xf32, #tpu.memory_space<hbm>> -> memref<160x64xf32, #tpu.memory_space<hbm>>
        tpu.wait_dma2 semaphore(%run_scoped3A : memref<!tpu.dma_semaphore, #tpu.memory_space<semaphore_mem>>) src(%arg7 : memref<160x64xf32, #tpu.memory_space<vmem>>) dst(%dma_wait3A_49 : memref<160x64xf32, #tpu.memory_space<hbm>>)
        tpu.yield
      }) : () -> ()
    }
    %scan3A_5 = arith.constant 64 : i32
    return
  }
}

#map = affine_map<(d0, d1) -> (0, 0)>
#map1 = affine_map<(d0, d1) -> (0)>
module attributes {stable_mosaic.version = 14 : i64} {
  func.func @body(%arg0: i32, %arg1: i32, %arg2: memref<16384x128xf32, #tpu.memory_space<hbm>>, %arg3: memref<327680xi32, #tpu.memory_space<hbm>>, %arg4: memref<327680x128xf32, #tpu.memory_space<hbm>>, %arg5: memref<80xi32, #tpu.memory_space<vmem>>, %arg6: memref<80xi32, #tpu.memory_space<vmem>>, %arg7: memref<160x128xf32, #tpu.memory_space<vmem>>, %arg8: memref<!tpu.dma_semaphore, #tpu.memory_space<semaphore_mem>>) attributes {dimension_semantics = [#tpu.dimension_semantics<core_parallel>, #tpu.dimension_semantics<subcore_parallel>], iteration_bounds = array<i64: 2, 16>, scalar_prefetch = 0 : i64, scratch_operands = 4 : i64, tpu.core_type = #tpu.core_type<sc_vector_subcore>, window_params = [{transform_indices = #map}, {transform_indices = #map1}, {transform_indices = #map}]} {
    %mul3A = arith.constant 2 : i32
    %mul3A_0 = arith.muli %arg1, %mul3A : i32
    %add3A = arith.addi %mul3A_0, %arg0 : i32
    %scan3A = arith.constant 0 : i32
    %scan3A_1 = arith.constant 0 : i32
    %scan3A_2 = arith.constant 64 : i32
    %scan3A_3 = arith.addi %scan3A_1, %scan3A_2 : i32
    %scan3A_4 = arith.constant 1 : i32
    scf.for %scan3A_6 = %scan3A_1 to %scan3A_3 step %scan3A_4  : i32 {
      %mul3A_7 = arith.constant 512 : i32
      %mul3A_8 = arith.muli %add3A, %mul3A_7 : i32
      %mul3A_9 = arith.constant 8 : i32
      %mul3A_10 = arith.muli %scan3A_6, %mul3A_9 : i32
      %add3A_11 = arith.addi %mul3A_8, %mul3A_10 : i32
      %mul3A_12 = arith.constant 20 : i32
      %mul3A_13 = arith.muli %add3A_11, %mul3A_12 : i32
      "tpu.region"() ({
        %run_scoped3A = tpu.sem_alloc : memref<!tpu.dma_semaphore, #tpu.memory_space<semaphore_mem>>
        %dma_start3A_42 = tpu.memref_slice %arg3[%mul3A_13] : memref<327680xi32, #tpu.memory_space<hbm>> -> memref<80xi32, #tpu.memory_space<hbm>>
        %dma_start3A_43 = tpu.memref_slice %arg3[%mul3A_13] : memref<327680xi32, #tpu.memory_space<hbm>> -> memref<80xi32, #tpu.memory_space<hbm>>
        tpu.enqueue_dma source(%dma_start3A_43 : memref<80xi32, #tpu.memory_space<hbm>>) target(%arg5 : memref<80xi32, #tpu.memory_space<vmem>>) target_semaphore(%run_scoped3A : memref<!tpu.dma_semaphore, #tpu.memory_space<semaphore_mem>>)
        %dma_wait3A_44 = tpu.memref_slice %arg3[%mul3A_13] : memref<327680xi32, #tpu.memory_space<hbm>> -> memref<80xi32, #tpu.memory_space<hbm>>
        %dma_wait3A_45 = tpu.memref_slice %arg3[%mul3A_13] : memref<327680xi32, #tpu.memory_space<hbm>> -> memref<80xi32, #tpu.memory_space<hbm>>
        tpu.wait_dma2 semaphore(%run_scoped3A : memref<!tpu.dma_semaphore, #tpu.memory_space<semaphore_mem>>) src(%dma_wait3A_45 : memref<80xi32, #tpu.memory_space<hbm>>) dst(%arg5 : memref<80xi32, #tpu.memory_space<vmem>>)
        tpu.yield
      }) : () -> ()
      %mul3A_14 = arith.constant 20 : i32
      %mul3A_15 = arith.muli %add3A_11, %mul3A_14 : i32
      %add3A_16 = arith.constant 80 : i32
      %add3A_17 = arith.addi %mul3A_15, %add3A_16 : i32
      "tpu.region"() ({
        %run_scoped3A = tpu.sem_alloc : memref<!tpu.dma_semaphore, #tpu.memory_space<semaphore_mem>>
        %dma_start3A_42 = tpu.memref_slice %arg3[%add3A_17] : memref<327680xi32, #tpu.memory_space<hbm>> -> memref<80xi32, #tpu.memory_space<hbm>>
        %dma_start3A_43 = tpu.memref_slice %arg3[%add3A_17] : memref<327680xi32, #tpu.memory_space<hbm>> -> memref<80xi32, #tpu.memory_space<hbm>>
        tpu.enqueue_dma source(%dma_start3A_43 : memref<80xi32, #tpu.memory_space<hbm>>) target(%arg6 : memref<80xi32, #tpu.memory_space<vmem>>) target_semaphore(%run_scoped3A : memref<!tpu.dma_semaphore, #tpu.memory_space<semaphore_mem>>)
        %dma_wait3A_44 = tpu.memref_slice %arg3[%add3A_17] : memref<327680xi32, #tpu.memory_space<hbm>> -> memref<80xi32, #tpu.memory_space<hbm>>
        %dma_wait3A_45 = tpu.memref_slice %arg3[%add3A_17] : memref<327680xi32, #tpu.memory_space<hbm>> -> memref<80xi32, #tpu.memory_space<hbm>>
        tpu.wait_dma2 semaphore(%run_scoped3A : memref<!tpu.dma_semaphore, #tpu.memory_space<semaphore_mem>>) src(%dma_wait3A_45 : memref<80xi32, #tpu.memory_space<hbm>>) dst(%arg6 : memref<80xi32, #tpu.memory_space<vmem>>)
        tpu.yield
      }) : () -> ()
      %dma_start3A = arith.constant 0 : i32
      %dma_start3A_18 = arith.constant 0 : i32
      %dma_start3A_19 = tpu.memref_slice %arg7[%dma_start3A, %dma_start3A_18] : memref<160x128xf32, #tpu.memory_space<vmem>> -> memref<80x128xf32, #tpu.memory_space<vmem>>
      %dma_start3A_20 = arith.constant 0 : i32
      %dma_start3A_21 = arith.constant 0 : i32
      %dma_start3A_22 = tpu.memref_slice %arg2[%dma_start3A_20, %dma_start3A_21] : memref<16384x128xf32, #tpu.memory_space<hbm>> -> memref<16384x128xf32, #tpu.memory_space<hbm>>
      tpu.enqueue_indirect_dma source(%dma_start3A_22 : memref<16384x128xf32, #tpu.memory_space<hbm>>) target(%dma_start3A_19 : memref<80x128xf32, #tpu.memory_space<vmem>>) offsets(%arg5 : memref<80xi32, #tpu.memory_space<vmem>>) semaphore(%arg8 : memref<!tpu.dma_semaphore, #tpu.memory_space<semaphore_mem>>)
      %dma_start3A_23 = arith.constant 80 : i32
      %dma_start3A_24 = arith.constant 0 : i32
      %dma_start3A_25 = tpu.memref_slice %arg7[%dma_start3A_23, %dma_start3A_24] : memref<160x128xf32, #tpu.memory_space<vmem>> -> memref<80x128xf32, #tpu.memory_space<vmem>>
      %dma_start3A_26 = arith.constant 0 : i32
      %dma_start3A_27 = arith.constant 0 : i32
      %dma_start3A_28 = tpu.memref_slice %arg2[%dma_start3A_26, %dma_start3A_27] : memref<16384x128xf32, #tpu.memory_space<hbm>> -> memref<16384x128xf32, #tpu.memory_space<hbm>>
      tpu.enqueue_indirect_dma source(%dma_start3A_28 : memref<16384x128xf32, #tpu.memory_space<hbm>>) target(%dma_start3A_25 : memref<80x128xf32, #tpu.memory_space<vmem>>) offsets(%arg6 : memref<80xi32, #tpu.memory_space<vmem>>) semaphore(%arg8 : memref<!tpu.dma_semaphore, #tpu.memory_space<semaphore_mem>>)
      %dma_wait3A = arith.constant 0 : i32
      %dma_wait3A_29 = arith.constant 0 : i32
      %dma_wait3A_30 = tpu.memref_slice %arg7[%dma_wait3A, %dma_wait3A_29] : memref<160x128xf32, #tpu.memory_space<vmem>> -> memref<80x128xf32, #tpu.memory_space<vmem>>
      %dma_wait3A_31 = arith.constant 0 : i32
      %dma_wait3A_32 = arith.constant 0 : i32
      %dma_wait3A_33 = tpu.memref_slice %arg2[%dma_wait3A_31, %dma_wait3A_32] : memref<16384x128xf32, #tpu.memory_space<hbm>> -> memref<16384x128xf32, #tpu.memory_space<hbm>>
      tpu.wait_indirect_dma semaphore(%arg8 : memref<!tpu.dma_semaphore, #tpu.memory_space<semaphore_mem>>) src(%dma_wait3A_33 : memref<16384x128xf32, #tpu.memory_space<hbm>>) dst(%dma_wait3A_30 : memref<80x128xf32, #tpu.memory_space<vmem>>)
      %dma_wait3A_34 = arith.constant 80 : i32
      %dma_wait3A_35 = arith.constant 0 : i32
      %dma_wait3A_36 = tpu.memref_slice %arg7[%dma_wait3A_34, %dma_wait3A_35] : memref<160x128xf32, #tpu.memory_space<vmem>> -> memref<80x128xf32, #tpu.memory_space<vmem>>
      %dma_wait3A_37 = arith.constant 0 : i32
      %dma_wait3A_38 = arith.constant 0 : i32
      %dma_wait3A_39 = tpu.memref_slice %arg2[%dma_wait3A_37, %dma_wait3A_38] : memref<16384x128xf32, #tpu.memory_space<hbm>> -> memref<16384x128xf32, #tpu.memory_space<hbm>>
      tpu.wait_indirect_dma semaphore(%arg8 : memref<!tpu.dma_semaphore, #tpu.memory_space<semaphore_mem>>) src(%dma_wait3A_39 : memref<16384x128xf32, #tpu.memory_space<hbm>>) dst(%dma_wait3A_36 : memref<80x128xf32, #tpu.memory_space<vmem>>)
      %mul3A_40 = arith.constant 20 : i32
      %mul3A_41 = arith.muli %add3A_11, %mul3A_40 : i32
      "tpu.region"() ({
        %run_scoped3A = tpu.sem_alloc : memref<!tpu.dma_semaphore, #tpu.memory_space<semaphore_mem>>
        %dma_start3A_42 = arith.constant 0 : i32
        %dma_start3A_43 = tpu.memref_slice %arg4[%mul3A_41, %dma_start3A_42] : memref<327680x128xf32, #tpu.memory_space<hbm>> -> memref<160x128xf32, #tpu.memory_space<hbm>>
        %dma_start3A_44 = arith.constant 0 : i32
        %dma_start3A_45 = tpu.memref_slice %arg4[%mul3A_41, %dma_start3A_44] : memref<327680x128xf32, #tpu.memory_space<hbm>> -> memref<160x128xf32, #tpu.memory_space<hbm>>
        tpu.enqueue_dma source(%arg7 : memref<160x128xf32, #tpu.memory_space<vmem>>) target(%dma_start3A_45 : memref<160x128xf32, #tpu.memory_space<hbm>>) target_semaphore(%run_scoped3A : memref<!tpu.dma_semaphore, #tpu.memory_space<semaphore_mem>>)
        %dma_wait3A_46 = arith.constant 0 : i32
        %dma_wait3A_47 = tpu.memref_slice %arg4[%mul3A_41, %dma_wait3A_46] : memref<327680x128xf32, #tpu.memory_space<hbm>> -> memref<160x128xf32, #tpu.memory_space<hbm>>
        %dma_wait3A_48 = arith.constant 0 : i32
        %dma_wait3A_49 = tpu.memref_slice %arg4[%mul3A_41, %dma_wait3A_48] : memref<327680x128xf32, #tpu.memory_space<hbm>> -> memref<160x128xf32, #tpu.memory_space<hbm>>
        tpu.wait_dma2 semaphore(%run_scoped3A : memref<!tpu.dma_semaphore, #tpu.memory_space<semaphore_mem>>) src(%arg7 : memref<160x128xf32, #tpu.memory_space<vmem>>) dst(%dma_wait3A_49 : memref<160x128xf32, #tpu.memory_space<hbm>>)
        tpu.yield
      }) : () -> ()
    }
    %scan3A_5 = arith.constant 64 : i32
    return
  }
}

module attributes {stable_mosaic.version = 14 : i64} {
  func.func @_knn_body(%arg0: i32, %arg1: i32, %arg2: memref<1x256x3xf32, #tpu.memory_space<vmem>>, %arg3: memref<1x3x2048xf32, #tpu.memory_space<vmem>>, %arg4: memref<1x1x2048xf32, #tpu.memory_space<vmem>>, %arg5: memref<1x256x1xf32, #tpu.memory_space<vmem>>, %arg6: memref<1x256x20xi32, #tpu.memory_space<vmem>>) attributes {dimension_semantics = [#tpu.dimension_semantics<arbitrary>, #tpu.dimension_semantics<arbitrary>], iteration_bounds = array<i64: 8, 8>, scalar_prefetch = 0 : i64, scratch_operands = 0 : i64, tpu.core_type = #tpu.core_type<tc>, window_params = [{transform_indices = @transform_0, window_bounds = array<i64: 1, 256, 3>}, {transform_indices = @transform_1, window_bounds = array<i64: 1, 3, 2048>}, {transform_indices = @transform_2, window_bounds = array<i64: 1, 1, 2048>}, {transform_indices = @transform_3, window_bounds = array<i64: 1, 256, 1>}, {transform_indices = @transform_4, window_bounds = array<i64: 1, 256, 20>}]} {
    %get3A = arith.constant 0 : index
    %get3A_0 = arith.constant 0 : index
    %get3A_1 = arith.constant 0 : index
    %get3A_2 = vector.load %arg2[%get3A, %get3A_0, %get3A_1] : memref<1x256x3xf32, #tpu.memory_space<vmem>>, vector<1x256x3xf32>
    %get3A_3 = vector.shape_cast %get3A_2 : vector<1x256x3xf32> to vector<256x3xf32>
    %get3A_4 = arith.constant 0 : index
    %get3A_5 = arith.constant 0 : index
    %get3A_6 = arith.constant 0 : index
    %get3A_7 = vector.load %arg3[%get3A_4, %get3A_5, %get3A_6] : memref<1x3x2048xf32, #tpu.memory_space<vmem>>, vector<1x3x2048xf32>
    %get3A_8 = vector.shape_cast %get3A_7 : vector<1x3x2048xf32> to vector<3x2048xf32>
    %dot_general3A = arith.constant dense<0.000000e+00> : vector<256x2048xf32>
    %dot_general3A_9 = tpu.matmul %get3A_3, %get3A_8, %dot_general3A {dimension_numbers = #tpu.dot_dimension_numbers<[1], [0], [0], [1], [0, 0, 1, 1], [], []>, transpose_lhs_hint = false} : vector<256x3xf32>, vector<3x2048xf32>, vector<256x2048xf32> -> vector<256x2048xf32>
    %mul3A = arith.constant -2.000000e+00 : f32
    %mul3A_10 = vector.broadcast %mul3A : f32 to vector<256x2048xf32>
    %mul3A_11 = arith.mulf %mul3A_10, %dot_general3A_9 : vector<256x2048xf32>
    %get3A_12 = arith.constant 0 : index
    %get3A_13 = arith.constant 0 : index
    %get3A_14 = arith.constant 0 : index
    %get3A_15 = vector.load %arg4[%get3A_12, %get3A_13, %get3A_14] : memref<1x1x2048xf32, #tpu.memory_space<vmem>>, vector<1x1x2048xf32>
    %get3A_16 = vector.shape_cast %get3A_15 : vector<1x1x2048xf32> to vector<1x2048xf32>
    %neg3A = arith.constant 0.000000e+00 : f32
    %neg3A_17 = vector.broadcast %neg3A : f32 to vector<1x2048xf32>
    %neg3A_18 = arith.subf %neg3A_17, %get3A_16 : vector<1x2048xf32>
    %sub3A = vector.broadcast %neg3A_18 : vector<1x2048xf32> to vector<256x2048xf32>
    %sub3A_19 = arith.subf %sub3A, %mul3A_11 : vector<256x2048xf32>
    %get3A_20 = arith.constant 0 : index
    %get3A_21 = arith.constant 0 : index
    %get3A_22 = arith.constant 0 : index
    %get3A_23 = vector.load %arg5[%get3A_20, %get3A_21, %get3A_22] : memref<1x256x1xf32, #tpu.memory_space<vmem>>, vector<1x256x1xf32>
    %get3A_24 = vector.shape_cast %get3A_23 : vector<1x256x1xf32> to vector<256x1xf32>
    %sub3A_25 = vector.broadcast %get3A_24 : vector<256x1xf32> to vector<256x2048xf32>
    %sub3A_26 = arith.subf %sub3A_19, %sub3A_25 : vector<256x2048xf32>
    %iota3A = tpu.iota {dimensions = array<i32: 1>} : vector<256x2048xi32>
    %mul3A_27 = arith.constant 2048 : i32
    %mul3A_28 = arith.muli %arg0, %mul3A_27 : i32
    %reduce_max3A = arith.constant dense<0xFF800000> : vector<256xf32>
    %reduce_max3A_29 = vector.multi_reduction <maximumf>, %sub3A_26, %reduce_max3A [1] : vector<256x2048xf32> to vector<256xf32>
    %broadcast_in_dim3A = vector.shape_cast %reduce_max3A_29 : vector<256xf32> to vector<256x1xf32>
    %eq3A = vector.broadcast %broadcast_in_dim3A : vector<256x1xf32> to vector<256x2048xf32>
    %eq3A_30 = arith.cmpf oeq, %sub3A_26, %eq3A : vector<256x2048xf32>
    %jit3A = arith.constant 2048 : i32
    %broadcast_in_dim3A_31 = vector.broadcast %jit3A : i32 to vector<256x2048xi32>
    %select_n3A = arith.select %eq3A_30, %iota3A, %broadcast_in_dim3A_31 : vector<256x2048xi1>, vector<256x2048xi32>
    %reduce_min3A = arith.constant dense<2147483647> : vector<256xi32>
    %reduce_min3A_32 = vector.multi_reduction <minsi>, %select_n3A, %reduce_min3A [1] : vector<256x2048xi32> to vector<256xi32>
    %broadcast_in_dim3A_33 = vector.shape_cast %reduce_min3A_32 : vector<256xi32> to vector<256x1xi32>
    %eq3A_34 = vector.broadcast %broadcast_in_dim3A_33 : vector<256x1xi32> to vector<256x2048xi32>
    %eq3A_35 = arith.cmpi eq, %iota3A, %eq3A_34 : vector<256x2048xi32>
    %jit3A_36 = arith.constant 0xFF800000 : f32
    %broadcast_in_dim3A_37 = vector.broadcast %jit3A_36 : f32 to vector<256x2048xf32>
    %select_n3A_38 = arith.select %eq3A_35, %broadcast_in_dim3A_37, %sub3A_26 : vector<256x2048xi1>, vector<256x2048xf32>
    %reduce_max3A_39 = arith.constant dense<0xFF800000> : vector<256xf32>
    %reduce_max3A_40 = vector.multi_reduction <maximumf>, %select_n3A_38, %reduce_max3A_39 [1] : vector<256x2048xf32> to vector<256xf32>
    %broadcast_in_dim3A_41 = vector.shape_cast %reduce_max3A_40 : vector<256xf32> to vector<256x1xf32>
    %eq3A_42 = vector.broadcast %broadcast_in_dim3A_41 : vector<256x1xf32> to vector<256x2048xf32>
    %eq3A_43 = arith.cmpf oeq, %select_n3A_38, %eq3A_42 : vector<256x2048xf32>
    %jit3A_44 = arith.constant 2048 : i32
    %broadcast_in_dim3A_45 = vector.broadcast %jit3A_44 : i32 to vector<256x2048xi32>
    %select_n3A_46 = arith.select %eq3A_43, %iota3A, %broadcast_in_dim3A_45 : vector<256x2048xi1>, vector<256x2048xi32>
    %reduce_min3A_47 = arith.constant dense<2147483647> : vector<256xi32>
    %reduce_min3A_48 = vector.multi_reduction <minsi>, %select_n3A_46, %reduce_min3A_47 [1] : vector<256x2048xi32> to vector<256xi32>
    %broadcast_in_dim3A_49 = vector.shape_cast %reduce_min3A_48 : vector<256xi32> to vector<256x1xi32>
    %eq3A_50 = vector.broadcast %broadcast_in_dim3A_49 : vector<256x1xi32> to vector<256x2048xi32>
    %eq3A_51 = arith.cmpi eq, %iota3A, %eq3A_50 : vector<256x2048xi32>
    %jit3A_52 = arith.constant 0xFF800000 : f32
    %broadcast_in_dim3A_53 = vector.broadcast %jit3A_52 : f32 to vector<256x2048xf32>
    %select_n3A_54 = arith.select %eq3A_51, %broadcast_in_dim3A_53, %select_n3A_38 : vector<256x2048xi1>, vector<256x2048xf32>
    %reduce_max3A_55 = arith.constant dense<0xFF800000> : vector<256xf32>
    %reduce_max3A_56 = vector.multi_reduction <maximumf>, %select_n3A_54, %reduce_max3A_55 [1] : vector<256x2048xf32> to vector<256xf32>
    %broadcast_in_dim3A_57 = vector.shape_cast %reduce_max3A_56 : vector<256xf32> to vector<256x1xf32>
    %eq3A_58 = vector.broadcast %broadcast_in_dim3A_57 : vector<256x1xf32> to vector<256x2048xf32>
    %eq3A_59 = arith.cmpf oeq, %select_n3A_54, %eq3A_58 : vector<256x2048xf32>
    %jit3A_60 = arith.constant 2048 : i32
    %broadcast_in_dim3A_61 = vector.broadcast %jit3A_60 : i32 to vector<256x2048xi32>
    %select_n3A_62 = arith.select %eq3A_59, %iota3A, %broadcast_in_dim3A_61 : vector<256x2048xi1>, vector<256x2048xi32>
    %reduce_min3A_63 = arith.constant dense<2147483647> : vector<256xi32>
    %reduce_min3A_64 = vector.multi_reduction <minsi>, %select_n3A_62, %reduce_min3A_63 [1] : vector<256x2048xi32> to vector<256xi32>
    %broadcast_in_dim3A_65 = vector.shape_cast %reduce_min3A_64 : vector<256xi32> to vector<256x1xi32>
    %eq3A_66 = vector.broadcast %broadcast_in_dim3A_65 : vector<256x1xi32> to vector<256x2048xi32>
    %eq3A_67 = arith.cmpi eq, %iota3A, %eq3A_66 : vector<256x2048xi32>
    %jit3A_68 = arith.constant 0xFF800000 : f32
    %broadcast_in_dim3A_69 = vector.broadcast %jit3A_68 : f32 to vector<256x2048xf32>
    %select_n3A_70 = arith.select %eq3A_67, %broadcast_in_dim3A_69, %select_n3A_54 : vector<256x2048xi1>, vector<256x2048xf32>
    %reduce_max3A_71 = arith.constant dense<0xFF800000> : vector<256xf32>
    %reduce_max3A_72 = vector.multi_reduction <maximumf>, %select_n3A_70, %reduce_max3A_71 [1] : vector<256x2048xf32> to vector<256xf32>
    %broadcast_in_dim3A_73 = vector.shape_cast %reduce_max3A_72 : vector<256xf32> to vector<256x1xf32>
    %eq3A_74 = vector.broadcast %broadcast_in_dim3A_73 : vector<256x1xf32> to vector<256x2048xf32>
    %eq3A_75 = arith.cmpf oeq, %select_n3A_70, %eq3A_74 : vector<256x2048xf32>
    %jit3A_76 = arith.constant 2048 : i32
    %broadcast_in_dim3A_77 = vector.broadcast %jit3A_76 : i32 to vector<256x2048xi32>
    %select_n3A_78 = arith.select %eq3A_75, %iota3A, %broadcast_in_dim3A_77 : vector<256x2048xi1>, vector<256x2048xi32>
    %reduce_min3A_79 = arith.constant dense<2147483647> : vector<256xi32>
    %reduce_min3A_80 = vector.multi_reduction <minsi>, %select_n3A_78, %reduce_min3A_79 [1] : vector<256x2048xi32> to vector<256xi32>
    %broadcast_in_dim3A_81 = vector.shape_cast %reduce_min3A_80 : vector<256xi32> to vector<256x1xi32>
    %eq3A_82 = vector.broadcast %broadcast_in_dim3A_81 : vector<256x1xi32> to vector<256x2048xi32>
    %eq3A_83 = arith.cmpi eq, %iota3A, %eq3A_82 : vector<256x2048xi32>
    %jit3A_84 = arith.constant 0xFF800000 : f32
    %broadcast_in_dim3A_85 = vector.broadcast %jit3A_84 : f32 to vector<256x2048xf32>
    %select_n3A_86 = arith.select %eq3A_83, %broadcast_in_dim3A_85, %select_n3A_70 : vector<256x2048xi1>, vector<256x2048xf32>
    %reduce_max3A_87 = arith.constant dense<0xFF800000> : vector<256xf32>
    %reduce_max3A_88 = vector.multi_reduction <maximumf>, %select_n3A_86, %reduce_max3A_87 [1] : vector<256x2048xf32> to vector<256xf32>
    %broadcast_in_dim3A_89 = vector.shape_cast %reduce_max3A_88 : vector<256xf32> to vector<256x1xf32>
    %eq3A_90 = vector.broadcast %broadcast_in_dim3A_89 : vector<256x1xf32> to vector<256x2048xf32>
    %eq3A_91 = arith.cmpf oeq, %select_n3A_86, %eq3A_90 : vector<256x2048xf32>
    %jit3A_92 = arith.constant 2048 : i32
    %broadcast_in_dim3A_93 = vector.broadcast %jit3A_92 : i32 to vector<256x2048xi32>
    %select_n3A_94 = arith.select %eq3A_91, %iota3A, %broadcast_in_dim3A_93 : vector<256x2048xi1>, vector<256x2048xi32>
    %reduce_min3A_95 = arith.constant dense<2147483647> : vector<256xi32>
    %reduce_min3A_96 = vector.multi_reduction <minsi>, %select_n3A_94, %reduce_min3A_95 [1] : vector<256x2048xi32> to vector<256xi32>
    %broadcast_in_dim3A_97 = vector.shape_cast %reduce_min3A_96 : vector<256xi32> to vector<256x1xi32>
    %eq3A_98 = vector.broadcast %broadcast_in_dim3A_97 : vector<256x1xi32> to vector<256x2048xi32>
    %eq3A_99 = arith.cmpi eq, %iota3A, %eq3A_98 : vector<256x2048xi32>
    %jit3A_100 = arith.constant 0xFF800000 : f32
    %broadcast_in_dim3A_101 = vector.broadcast %jit3A_100 : f32 to vector<256x2048xf32>
    %select_n3A_102 = arith.select %eq3A_99, %broadcast_in_dim3A_101, %select_n3A_86 : vector<256x2048xi1>, vector<256x2048xf32>
    %reduce_max3A_103 = arith.constant dense<0xFF800000> : vector<256xf32>
    %reduce_max3A_104 = vector.multi_reduction <maximumf>, %select_n3A_102, %reduce_max3A_103 [1] : vector<256x2048xf32> to vector<256xf32>
    %broadcast_in_dim3A_105 = vector.shape_cast %reduce_max3A_104 : vector<256xf32> to vector<256x1xf32>
    %eq3A_106 = vector.broadcast %broadcast_in_dim3A_105 : vector<256x1xf32> to vector<256x2048xf32>
    %eq3A_107 = arith.cmpf oeq, %select_n3A_102, %eq3A_106 : vector<256x2048xf32>
    %jit3A_108 = arith.constant 2048 : i32
    %broadcast_in_dim3A_109 = vector.broadcast %jit3A_108 : i32 to vector<256x2048xi32>
    %select_n3A_110 = arith.select %eq3A_107, %iota3A, %broadcast_in_dim3A_109 : vector<256x2048xi1>, vector<256x2048xi32>
    %reduce_min3A_111 = arith.constant dense<2147483647> : vector<256xi32>
    %reduce_min3A_112 = vector.multi_reduction <minsi>, %select_n3A_110, %reduce_min3A_111 [1] : vector<256x2048xi32> to vector<256xi32>
    %broadcast_in_dim3A_113 = vector.shape_cast %reduce_min3A_112 : vector<256xi32> to vector<256x1xi32>
    %eq3A_114 = vector.broadcast %broadcast_in_dim3A_113 : vector<256x1xi32> to vector<256x2048xi32>
    %eq3A_115 = arith.cmpi eq, %iota3A, %eq3A_114 : vector<256x2048xi32>
    %jit3A_116 = arith.constant 0xFF800000 : f32
    %broadcast_in_dim3A_117 = vector.broadcast %jit3A_116 : f32 to vector<256x2048xf32>
    %select_n3A_118 = arith.select %eq3A_115, %broadcast_in_dim3A_117, %select_n3A_102 : vector<256x2048xi1>, vector<256x2048xf32>
    %reduce_max3A_119 = arith.constant dense<0xFF800000> : vector<256xf32>
    %reduce_max3A_120 = vector.multi_reduction <maximumf>, %select_n3A_118, %reduce_max3A_119 [1] : vector<256x2048xf32> to vector<256xf32>
    %broadcast_in_dim3A_121 = vector.shape_cast %reduce_max3A_120 : vector<256xf32> to vector<256x1xf32>
    %eq3A_122 = vector.broadcast %broadcast_in_dim3A_121 : vector<256x1xf32> to vector<256x2048xf32>
    %eq3A_123 = arith.cmpf oeq, %select_n3A_118, %eq3A_122 : vector<256x2048xf32>
    %jit3A_124 = arith.constant 2048 : i32
    %broadcast_in_dim3A_125 = vector.broadcast %jit3A_124 : i32 to vector<256x2048xi32>
    %select_n3A_126 = arith.select %eq3A_123, %iota3A, %broadcast_in_dim3A_125 : vector<256x2048xi1>, vector<256x2048xi32>
    %reduce_min3A_127 = arith.constant dense<2147483647> : vector<256xi32>
    %reduce_min3A_128 = vector.multi_reduction <minsi>, %select_n3A_126, %reduce_min3A_127 [1] : vector<256x2048xi32> to vector<256xi32>
    %broadcast_in_dim3A_129 = vector.shape_cast %reduce_min3A_128 : vector<256xi32> to vector<256x1xi32>
    %eq3A_130 = vector.broadcast %broadcast_in_dim3A_129 : vector<256x1xi32> to vector<256x2048xi32>
    %eq3A_131 = arith.cmpi eq, %iota3A, %eq3A_130 : vector<256x2048xi32>
    %jit3A_132 = arith.constant 0xFF800000 : f32
    %broadcast_in_dim3A_133 = vector.broadcast %jit3A_132 : f32 to vector<256x2048xf32>
    %select_n3A_134 = arith.select %eq3A_131, %broadcast_in_dim3A_133, %select_n3A_118 : vector<256x2048xi1>, vector<256x2048xf32>
    %reduce_max3A_135 = arith.constant dense<0xFF800000> : vector<256xf32>
    %reduce_max3A_136 = vector.multi_reduction <maximumf>, %select_n3A_134, %reduce_max3A_135 [1] : vector<256x2048xf32> to vector<256xf32>
    %broadcast_in_dim3A_137 = vector.shape_cast %reduce_max3A_136 : vector<256xf32> to vector<256x1xf32>
    %eq3A_138 = vector.broadcast %broadcast_in_dim3A_137 : vector<256x1xf32> to vector<256x2048xf32>
    %eq3A_139 = arith.cmpf oeq, %select_n3A_134, %eq3A_138 : vector<256x2048xf32>
    %jit3A_140 = arith.constant 2048 : i32
    %broadcast_in_dim3A_141 = vector.broadcast %jit3A_140 : i32 to vector<256x2048xi32>
    %select_n3A_142 = arith.select %eq3A_139, %iota3A, %broadcast_in_dim3A_141 : vector<256x2048xi1>, vector<256x2048xi32>
    %reduce_min3A_143 = arith.constant dense<2147483647> : vector<256xi32>
    %reduce_min3A_144 = vector.multi_reduction <minsi>, %select_n3A_142, %reduce_min3A_143 [1] : vector<256x2048xi32> to vector<256xi32>
    %broadcast_in_dim3A_145 = vector.shape_cast %reduce_min3A_144 : vector<256xi32> to vector<256x1xi32>
    %eq3A_146 = vector.broadcast %broadcast_in_dim3A_145 : vector<256x1xi32> to vector<256x2048xi32>
    %eq3A_147 = arith.cmpi eq, %iota3A, %eq3A_146 : vector<256x2048xi32>
    %jit3A_148 = arith.constant 0xFF800000 : f32
    %broadcast_in_dim3A_149 = vector.broadcast %jit3A_148 : f32 to vector<256x2048xf32>
    %select_n3A_150 = arith.select %eq3A_147, %broadcast_in_dim3A_149, %select_n3A_134 : vector<256x2048xi1>, vector<256x2048xf32>
    %reduce_max3A_151 = arith.constant dense<0xFF800000> : vector<256xf32>
    %reduce_max3A_152 = vector.multi_reduction <maximumf>, %select_n3A_150, %reduce_max3A_151 [1] : vector<256x2048xf32> to vector<256xf32>
    %broadcast_in_dim3A_153 = vector.shape_cast %reduce_max3A_152 : vector<256xf32> to vector<256x1xf32>
    %eq3A_154 = vector.broadcast %broadcast_in_dim3A_153 : vector<256x1xf32> to vector<256x2048xf32>
    %eq3A_155 = arith.cmpf oeq, %select_n3A_150, %eq3A_154 : vector<256x2048xf32>
    %jit3A_156 = arith.constant 2048 : i32
    %broadcast_in_dim3A_157 = vector.broadcast %jit3A_156 : i32 to vector<256x2048xi32>
    %select_n3A_158 = arith.select %eq3A_155, %iota3A, %broadcast_in_dim3A_157 : vector<256x2048xi1>, vector<256x2048xi32>
    %reduce_min3A_159 = arith.constant dense<2147483647> : vector<256xi32>
    %reduce_min3A_160 = vector.multi_reduction <minsi>, %select_n3A_158, %reduce_min3A_159 [1] : vector<256x2048xi32> to vector<256xi32>
    %broadcast_in_dim3A_161 = vector.shape_cast %reduce_min3A_160 : vector<256xi32> to vector<256x1xi32>
    %eq3A_162 = vector.broadcast %broadcast_in_dim3A_161 : vector<256x1xi32> to vector<256x2048xi32>
    %eq3A_163 = arith.cmpi eq, %iota3A, %eq3A_162 : vector<256x2048xi32>
    %jit3A_164 = arith.constant 0xFF800000 : f32
    %broadcast_in_dim3A_165 = vector.broadcast %jit3A_164 : f32 to vector<256x2048xf32>
    %select_n3A_166 = arith.select %eq3A_163, %broadcast_in_dim3A_165, %select_n3A_150 : vector<256x2048xi1>, vector<256x2048xf32>
    %reduce_max3A_167 = arith.constant dense<0xFF800000> : vector<256xf32>
    %reduce_max3A_168 = vector.multi_reduction <maximumf>, %select_n3A_166, %reduce_max3A_167 [1] : vector<256x2048xf32> to vector<256xf32>
    %broadcast_in_dim3A_169 = vector.shape_cast %reduce_max3A_168 : vector<256xf32> to vector<256x1xf32>
    %eq3A_170 = vector.broadcast %broadcast_in_dim3A_169 : vector<256x1xf32> to vector<256x2048xf32>
    %eq3A_171 = arith.cmpf oeq, %select_n3A_166, %eq3A_170 : vector<256x2048xf32>
    %jit3A_172 = arith.constant 2048 : i32
    %broadcast_in_dim3A_173 = vector.broadcast %jit3A_172 : i32 to vector<256x2048xi32>
    %select_n3A_174 = arith.select %eq3A_171, %iota3A, %broadcast_in_dim3A_173 : vector<256x2048xi1>, vector<256x2048xi32>
    %reduce_min3A_175 = arith.constant dense<2147483647> : vector<256xi32>
    %reduce_min3A_176 = vector.multi_reduction <minsi>, %select_n3A_174, %reduce_min3A_175 [1] : vector<256x2048xi32> to vector<256xi32>
    %broadcast_in_dim3A_177 = vector.shape_cast %reduce_min3A_176 : vector<256xi32> to vector<256x1xi32>
    %eq3A_178 = vector.broadcast %broadcast_in_dim3A_177 : vector<256x1xi32> to vector<256x2048xi32>
    %eq3A_179 = arith.cmpi eq, %iota3A, %eq3A_178 : vector<256x2048xi32>
    %jit3A_180 = arith.constant 0xFF800000 : f32
    %broadcast_in_dim3A_181 = vector.broadcast %jit3A_180 : f32 to vector<256x2048xf32>
    %select_n3A_182 = arith.select %eq3A_179, %broadcast_in_dim3A_181, %select_n3A_166 : vector<256x2048xi1>, vector<256x2048xf32>
    %reduce_max3A_183 = arith.constant dense<0xFF800000> : vector<256xf32>
    %reduce_max3A_184 = vector.multi_reduction <maximumf>, %select_n3A_182, %reduce_max3A_183 [1] : vector<256x2048xf32> to vector<256xf32>
    %broadcast_in_dim3A_185 = vector.shape_cast %reduce_max3A_184 : vector<256xf32> to vector<256x1xf32>
    %eq3A_186 = vector.broadcast %broadcast_in_dim3A_185 : vector<256x1xf32> to vector<256x2048xf32>
    %eq3A_187 = arith.cmpf oeq, %select_n3A_182, %eq3A_186 : vector<256x2048xf32>
    %jit3A_188 = arith.constant 2048 : i32
    %broadcast_in_dim3A_189 = vector.broadcast %jit3A_188 : i32 to vector<256x2048xi32>
    %select_n3A_190 = arith.select %eq3A_187, %iota3A, %broadcast_in_dim3A_189 : vector<256x2048xi1>, vector<256x2048xi32>
    %reduce_min3A_191 = arith.constant dense<2147483647> : vector<256xi32>
    %reduce_min3A_192 = vector.multi_reduction <minsi>, %select_n3A_190, %reduce_min3A_191 [1] : vector<256x2048xi32> to vector<256xi32>
    %broadcast_in_dim3A_193 = vector.shape_cast %reduce_min3A_192 : vector<256xi32> to vector<256x1xi32>
    %eq3A_194 = vector.broadcast %broadcast_in_dim3A_193 : vector<256x1xi32> to vector<256x2048xi32>
    %eq3A_195 = arith.cmpi eq, %iota3A, %eq3A_194 : vector<256x2048xi32>
    %jit3A_196 = arith.constant 0xFF800000 : f32
    %broadcast_in_dim3A_197 = vector.broadcast %jit3A_196 : f32 to vector<256x2048xf32>
    %select_n3A_198 = arith.select %eq3A_195, %broadcast_in_dim3A_197, %select_n3A_182 : vector<256x2048xi1>, vector<256x2048xf32>
    %reduce_max3A_199 = arith.constant dense<0xFF800000> : vector<256xf32>
    %reduce_max3A_200 = vector.multi_reduction <maximumf>, %select_n3A_198, %reduce_max3A_199 [1] : vector<256x2048xf32> to vector<256xf32>
    %broadcast_in_dim3A_201 = vector.shape_cast %reduce_max3A_200 : vector<256xf32> to vector<256x1xf32>
    %eq3A_202 = vector.broadcast %broadcast_in_dim3A_201 : vector<256x1xf32> to vector<256x2048xf32>
    %eq3A_203 = arith.cmpf oeq, %select_n3A_198, %eq3A_202 : vector<256x2048xf32>
    %jit3A_204 = arith.constant 2048 : i32
    %broadcast_in_dim3A_205 = vector.broadcast %jit3A_204 : i32 to vector<256x2048xi32>
    %select_n3A_206 = arith.select %eq3A_203, %iota3A, %broadcast_in_dim3A_205 : vector<256x2048xi1>, vector<256x2048xi32>
    %reduce_min3A_207 = arith.constant dense<2147483647> : vector<256xi32>
    %reduce_min3A_208 = vector.multi_reduction <minsi>, %select_n3A_206, %reduce_min3A_207 [1] : vector<256x2048xi32> to vector<256xi32>
    %broadcast_in_dim3A_209 = vector.shape_cast %reduce_min3A_208 : vector<256xi32> to vector<256x1xi32>
    %eq3A_210 = vector.broadcast %broadcast_in_dim3A_209 : vector<256x1xi32> to vector<256x2048xi32>
    %eq3A_211 = arith.cmpi eq, %iota3A, %eq3A_210 : vector<256x2048xi32>
    %jit3A_212 = arith.constant 0xFF800000 : f32
    %broadcast_in_dim3A_213 = vector.broadcast %jit3A_212 : f32 to vector<256x2048xf32>
    %select_n3A_214 = arith.select %eq3A_211, %broadcast_in_dim3A_213, %select_n3A_198 : vector<256x2048xi1>, vector<256x2048xf32>
    %reduce_max3A_215 = arith.constant dense<0xFF800000> : vector<256xf32>
    %reduce_max3A_216 = vector.multi_reduction <maximumf>, %select_n3A_214, %reduce_max3A_215 [1] : vector<256x2048xf32> to vector<256xf32>
    %broadcast_in_dim3A_217 = vector.shape_cast %reduce_max3A_216 : vector<256xf32> to vector<256x1xf32>
    %eq3A_218 = vector.broadcast %broadcast_in_dim3A_217 : vector<256x1xf32> to vector<256x2048xf32>
    %eq3A_219 = arith.cmpf oeq, %select_n3A_214, %eq3A_218 : vector<256x2048xf32>
    %jit3A_220 = arith.constant 2048 : i32
    %broadcast_in_dim3A_221 = vector.broadcast %jit3A_220 : i32 to vector<256x2048xi32>
    %select_n3A_222 = arith.select %eq3A_219, %iota3A, %broadcast_in_dim3A_221 : vector<256x2048xi1>, vector<256x2048xi32>
    %reduce_min3A_223 = arith.constant dense<2147483647> : vector<256xi32>
    %reduce_min3A_224 = vector.multi_reduction <minsi>, %select_n3A_222, %reduce_min3A_223 [1] : vector<256x2048xi32> to vector<256xi32>
    %broadcast_in_dim3A_225 = vector.shape_cast %reduce_min3A_224 : vector<256xi32> to vector<256x1xi32>
    %eq3A_226 = vector.broadcast %broadcast_in_dim3A_225 : vector<256x1xi32> to vector<256x2048xi32>
    %eq3A_227 = arith.cmpi eq, %iota3A, %eq3A_226 : vector<256x2048xi32>
    %jit3A_228 = arith.constant 0xFF800000 : f32
    %broadcast_in_dim3A_229 = vector.broadcast %jit3A_228 : f32 to vector<256x2048xf32>
    %select_n3A_230 = arith.select %eq3A_227, %broadcast_in_dim3A_229, %select_n3A_214 : vector<256x2048xi1>, vector<256x2048xf32>
    %reduce_max3A_231 = arith.constant dense<0xFF800000> : vector<256xf32>
    %reduce_max3A_232 = vector.multi_reduction <maximumf>, %select_n3A_230, %reduce_max3A_231 [1] : vector<256x2048xf32> to vector<256xf32>
    %broadcast_in_dim3A_233 = vector.shape_cast %reduce_max3A_232 : vector<256xf32> to vector<256x1xf32>
    %eq3A_234 = vector.broadcast %broadcast_in_dim3A_233 : vector<256x1xf32> to vector<256x2048xf32>
    %eq3A_235 = arith.cmpf oeq, %select_n3A_230, %eq3A_234 : vector<256x2048xf32>
    %jit3A_236 = arith.constant 2048 : i32
    %broadcast_in_dim3A_237 = vector.broadcast %jit3A_236 : i32 to vector<256x2048xi32>
    %select_n3A_238 = arith.select %eq3A_235, %iota3A, %broadcast_in_dim3A_237 : vector<256x2048xi1>, vector<256x2048xi32>
    %reduce_min3A_239 = arith.constant dense<2147483647> : vector<256xi32>
    %reduce_min3A_240 = vector.multi_reduction <minsi>, %select_n3A_238, %reduce_min3A_239 [1] : vector<256x2048xi32> to vector<256xi32>
    %broadcast_in_dim3A_241 = vector.shape_cast %reduce_min3A_240 : vector<256xi32> to vector<256x1xi32>
    %eq3A_242 = vector.broadcast %broadcast_in_dim3A_241 : vector<256x1xi32> to vector<256x2048xi32>
    %eq3A_243 = arith.cmpi eq, %iota3A, %eq3A_242 : vector<256x2048xi32>
    %jit3A_244 = arith.constant 0xFF800000 : f32
    %broadcast_in_dim3A_245 = vector.broadcast %jit3A_244 : f32 to vector<256x2048xf32>
    %select_n3A_246 = arith.select %eq3A_243, %broadcast_in_dim3A_245, %select_n3A_230 : vector<256x2048xi1>, vector<256x2048xf32>
    %reduce_max3A_247 = arith.constant dense<0xFF800000> : vector<256xf32>
    %reduce_max3A_248 = vector.multi_reduction <maximumf>, %select_n3A_246, %reduce_max3A_247 [1] : vector<256x2048xf32> to vector<256xf32>
    %broadcast_in_dim3A_249 = vector.shape_cast %reduce_max3A_248 : vector<256xf32> to vector<256x1xf32>
    %eq3A_250 = vector.broadcast %broadcast_in_dim3A_249 : vector<256x1xf32> to vector<256x2048xf32>
    %eq3A_251 = arith.cmpf oeq, %select_n3A_246, %eq3A_250 : vector<256x2048xf32>
    %jit3A_252 = arith.constant 2048 : i32
    %broadcast_in_dim3A_253 = vector.broadcast %jit3A_252 : i32 to vector<256x2048xi32>
    %select_n3A_254 = arith.select %eq3A_251, %iota3A, %broadcast_in_dim3A_253 : vector<256x2048xi1>, vector<256x2048xi32>
    %reduce_min3A_255 = arith.constant dense<2147483647> : vector<256xi32>
    %reduce_min3A_256 = vector.multi_reduction <minsi>, %select_n3A_254, %reduce_min3A_255 [1] : vector<256x2048xi32> to vector<256xi32>
    %broadcast_in_dim3A_257 = vector.shape_cast %reduce_min3A_256 : vector<256xi32> to vector<256x1xi32>
    %eq3A_258 = vector.broadcast %broadcast_in_dim3A_257 : vector<256x1xi32> to vector<256x2048xi32>
    %eq3A_259 = arith.cmpi eq, %iota3A, %eq3A_258 : vector<256x2048xi32>
    %jit3A_260 = arith.constant 0xFF800000 : f32
    %broadcast_in_dim3A_261 = vector.broadcast %jit3A_260 : f32 to vector<256x2048xf32>
    %select_n3A_262 = arith.select %eq3A_259, %broadcast_in_dim3A_261, %select_n3A_246 : vector<256x2048xi1>, vector<256x2048xf32>
    %reduce_max3A_263 = arith.constant dense<0xFF800000> : vector<256xf32>
    %reduce_max3A_264 = vector.multi_reduction <maximumf>, %select_n3A_262, %reduce_max3A_263 [1] : vector<256x2048xf32> to vector<256xf32>
    %broadcast_in_dim3A_265 = vector.shape_cast %reduce_max3A_264 : vector<256xf32> to vector<256x1xf32>
    %eq3A_266 = vector.broadcast %broadcast_in_dim3A_265 : vector<256x1xf32> to vector<256x2048xf32>
    %eq3A_267 = arith.cmpf oeq, %select_n3A_262, %eq3A_266 : vector<256x2048xf32>
    %jit3A_268 = arith.constant 2048 : i32
    %broadcast_in_dim3A_269 = vector.broadcast %jit3A_268 : i32 to vector<256x2048xi32>
    %select_n3A_270 = arith.select %eq3A_267, %iota3A, %broadcast_in_dim3A_269 : vector<256x2048xi1>, vector<256x2048xi32>
    %reduce_min3A_271 = arith.constant dense<2147483647> : vector<256xi32>
    %reduce_min3A_272 = vector.multi_reduction <minsi>, %select_n3A_270, %reduce_min3A_271 [1] : vector<256x2048xi32> to vector<256xi32>
    %broadcast_in_dim3A_273 = vector.shape_cast %reduce_min3A_272 : vector<256xi32> to vector<256x1xi32>
    %eq3A_274 = vector.broadcast %broadcast_in_dim3A_273 : vector<256x1xi32> to vector<256x2048xi32>
    %eq3A_275 = arith.cmpi eq, %iota3A, %eq3A_274 : vector<256x2048xi32>
    %jit3A_276 = arith.constant 0xFF800000 : f32
    %broadcast_in_dim3A_277 = vector.broadcast %jit3A_276 : f32 to vector<256x2048xf32>
    %select_n3A_278 = arith.select %eq3A_275, %broadcast_in_dim3A_277, %select_n3A_262 : vector<256x2048xi1>, vector<256x2048xf32>
    %reduce_max3A_279 = arith.constant dense<0xFF800000> : vector<256xf32>
    %reduce_max3A_280 = vector.multi_reduction <maximumf>, %select_n3A_278, %reduce_max3A_279 [1] : vector<256x2048xf32> to vector<256xf32>
    %broadcast_in_dim3A_281 = vector.shape_cast %reduce_max3A_280 : vector<256xf32> to vector<256x1xf32>
    %eq3A_282 = vector.broadcast %broadcast_in_dim3A_281 : vector<256x1xf32> to vector<256x2048xf32>
    %eq3A_283 = arith.cmpf oeq, %select_n3A_278, %eq3A_282 : vector<256x2048xf32>
    %jit3A_284 = arith.constant 2048 : i32
    %broadcast_in_dim3A_285 = vector.broadcast %jit3A_284 : i32 to vector<256x2048xi32>
    %select_n3A_286 = arith.select %eq3A_283, %iota3A, %broadcast_in_dim3A_285 : vector<256x2048xi1>, vector<256x2048xi32>
    %reduce_min3A_287 = arith.constant dense<2147483647> : vector<256xi32>
    %reduce_min3A_288 = vector.multi_reduction <minsi>, %select_n3A_286, %reduce_min3A_287 [1] : vector<256x2048xi32> to vector<256xi32>
    %broadcast_in_dim3A_289 = vector.shape_cast %reduce_min3A_288 : vector<256xi32> to vector<256x1xi32>
    %eq3A_290 = vector.broadcast %broadcast_in_dim3A_289 : vector<256x1xi32> to vector<256x2048xi32>
    %eq3A_291 = arith.cmpi eq, %iota3A, %eq3A_290 : vector<256x2048xi32>
    %jit3A_292 = arith.constant 0xFF800000 : f32
    %broadcast_in_dim3A_293 = vector.broadcast %jit3A_292 : f32 to vector<256x2048xf32>
    %select_n3A_294 = arith.select %eq3A_291, %broadcast_in_dim3A_293, %select_n3A_278 : vector<256x2048xi1>, vector<256x2048xf32>
    %reduce_max3A_295 = arith.constant dense<0xFF800000> : vector<256xf32>
    %reduce_max3A_296 = vector.multi_reduction <maximumf>, %select_n3A_294, %reduce_max3A_295 [1] : vector<256x2048xf32> to vector<256xf32>
    %broadcast_in_dim3A_297 = vector.shape_cast %reduce_max3A_296 : vector<256xf32> to vector<256x1xf32>
    %eq3A_298 = vector.broadcast %broadcast_in_dim3A_297 : vector<256x1xf32> to vector<256x2048xf32>
    %eq3A_299 = arith.cmpf oeq, %select_n3A_294, %eq3A_298 : vector<256x2048xf32>
    %jit3A_300 = arith.constant 2048 : i32
    %broadcast_in_dim3A_301 = vector.broadcast %jit3A_300 : i32 to vector<256x2048xi32>
    %select_n3A_302 = arith.select %eq3A_299, %iota3A, %broadcast_in_dim3A_301 : vector<256x2048xi1>, vector<256x2048xi32>
    %reduce_min3A_303 = arith.constant dense<2147483647> : vector<256xi32>
    %reduce_min3A_304 = vector.multi_reduction <minsi>, %select_n3A_302, %reduce_min3A_303 [1] : vector<256x2048xi32> to vector<256xi32>
    %broadcast_in_dim3A_305 = vector.shape_cast %reduce_min3A_304 : vector<256xi32> to vector<256x1xi32>
    %eq3A_306 = vector.broadcast %broadcast_in_dim3A_305 : vector<256x1xi32> to vector<256x2048xi32>
    %eq3A_307 = arith.cmpi eq, %iota3A, %eq3A_306 : vector<256x2048xi32>
    %jit3A_308 = arith.constant 0xFF800000 : f32
    %broadcast_in_dim3A_309 = vector.broadcast %jit3A_308 : f32 to vector<256x2048xf32>
    %select_n3A_310 = arith.select %eq3A_307, %broadcast_in_dim3A_309, %select_n3A_294 : vector<256x2048xi1>, vector<256x2048xf32>
    %reduce_max3A_311 = arith.constant dense<0xFF800000> : vector<256xf32>
    %reduce_max3A_312 = vector.multi_reduction <maximumf>, %select_n3A_310, %reduce_max3A_311 [1] : vector<256x2048xf32> to vector<256xf32>
    %broadcast_in_dim3A_313 = vector.shape_cast %reduce_max3A_312 : vector<256xf32> to vector<256x1xf32>
    %eq3A_314 = vector.broadcast %broadcast_in_dim3A_313 : vector<256x1xf32> to vector<256x2048xf32>
    %eq3A_315 = arith.cmpf oeq, %select_n3A_310, %eq3A_314 : vector<256x2048xf32>
    %jit3A_316 = arith.constant 2048 : i32
    %broadcast_in_dim3A_317 = vector.broadcast %jit3A_316 : i32 to vector<256x2048xi32>
    %select_n3A_318 = arith.select %eq3A_315, %iota3A, %broadcast_in_dim3A_317 : vector<256x2048xi1>, vector<256x2048xi32>
    %reduce_min3A_319 = arith.constant dense<2147483647> : vector<256xi32>
    %reduce_min3A_320 = vector.multi_reduction <minsi>, %select_n3A_318, %reduce_min3A_319 [1] : vector<256x2048xi32> to vector<256xi32>
    %broadcast_in_dim3A_321 = vector.shape_cast %reduce_min3A_320 : vector<256xi32> to vector<256x1xi32>
    %eq3A_322 = vector.broadcast %broadcast_in_dim3A_321 : vector<256x1xi32> to vector<256x2048xi32>
    %eq3A_323 = arith.cmpi eq, %iota3A, %eq3A_322 : vector<256x2048xi32>
    %jit3A_324 = arith.constant 0xFF800000 : f32
    %broadcast_in_dim3A_325 = vector.broadcast %jit3A_324 : f32 to vector<256x2048xf32>
    %select_n3A_326 = arith.select %eq3A_323, %broadcast_in_dim3A_325, %select_n3A_310 : vector<256x2048xi1>, vector<256x2048xf32>
    %reduce_max3A_327 = arith.constant dense<0xFF800000> : vector<256xf32>
    %reduce_max3A_328 = vector.multi_reduction <maximumf>, %select_n3A_326, %reduce_max3A_327 [1] : vector<256x2048xf32> to vector<256xf32>
    %broadcast_in_dim3A_329 = vector.shape_cast %reduce_max3A_328 : vector<256xf32> to vector<256x1xf32>
    %eq3A_330 = vector.broadcast %broadcast_in_dim3A_329 : vector<256x1xf32> to vector<256x2048xf32>
    %eq3A_331 = arith.cmpf oeq, %select_n3A_326, %eq3A_330 : vector<256x2048xf32>
    %jit3A_332 = arith.constant 2048 : i32
    %broadcast_in_dim3A_333 = vector.broadcast %jit3A_332 : i32 to vector<256x2048xi32>
    %select_n3A_334 = arith.select %eq3A_331, %iota3A, %broadcast_in_dim3A_333 : vector<256x2048xi1>, vector<256x2048xi32>
    %reduce_min3A_335 = arith.constant dense<2147483647> : vector<256xi32>
    %reduce_min3A_336 = vector.multi_reduction <minsi>, %select_n3A_334, %reduce_min3A_335 [1] : vector<256x2048xi32> to vector<256xi32>
    %broadcast_in_dim3A_337 = vector.shape_cast %reduce_min3A_336 : vector<256xi32> to vector<256x1xi32>
    %concatenate3A = tpu.concatenate %broadcast_in_dim3A_33, %broadcast_in_dim3A_49, %broadcast_in_dim3A_65, %broadcast_in_dim3A_81, %broadcast_in_dim3A_97, %broadcast_in_dim3A_113, %broadcast_in_dim3A_129, %broadcast_in_dim3A_145, %broadcast_in_dim3A_161, %broadcast_in_dim3A_177, %broadcast_in_dim3A_193, %broadcast_in_dim3A_209, %broadcast_in_dim3A_225, %broadcast_in_dim3A_241, %broadcast_in_dim3A_257, %broadcast_in_dim3A_273, %broadcast_in_dim3A_289, %broadcast_in_dim3A_305, %broadcast_in_dim3A_321, %broadcast_in_dim3A_337 in 1 : vector<256x1xi32>, vector<256x1xi32>, vector<256x1xi32>, vector<256x1xi32>, vector<256x1xi32>, vector<256x1xi32>, vector<256x1xi32>, vector<256x1xi32>, vector<256x1xi32>, vector<256x1xi32>, vector<256x1xi32>, vector<256x1xi32>, vector<256x1xi32>, vector<256x1xi32>, vector<256x1xi32>, vector<256x1xi32>, vector<256x1xi32>, vector<256x1xi32>, vector<256x1xi32>, vector<256x1xi32> -> vector<256x20xi32>
    %add3A = vector.broadcast %mul3A_28 : i32 to vector<256x20xi32>
    %add3A_338 = arith.addi %concatenate3A, %add3A : vector<256x20xi32>
    %swap3A = arith.constant 0 : index
    %swap3A_339 = arith.constant 0 : index
    %swap3A_340 = arith.constant 0 : index
    %swap3A_341 = vector.load %arg6[%swap3A, %swap3A_339, %swap3A_340] : memref<1x256x20xi32, #tpu.memory_space<vmem>>, vector<1x256x20xi32>
    %swap3A_342 = vector.shape_cast %swap3A_341 : vector<1x256x20xi32> to vector<256x20xi32>
    %swap3A_343 = vector.shape_cast %add3A_338 : vector<256x20xi32> to vector<1x256x20xi32>
    tpu.vector_store %arg6[%swap3A, %swap3A_339, %swap3A_340], %swap3A_343 {strides = array<i32>} : memref<1x256x20xi32, #tpu.memory_space<vmem>>, vector<1x256x20xi32>,
    return
  }
  func.func @transform_0(%arg0: i32, %arg1: i32) -> (i32, i32, i32) {
    %c0_i32 = arith.constant 0 : i32
    %c0_i32_0 = arith.constant 0 : i32
    return %arg0, %arg1, %c0_i32 : i32, i32, i32
  }
  func.func @transform_1(%arg0: i32, %arg1: i32) -> (i32, i32, i32) {
    %c0_i32 = arith.constant 0 : i32
    %c0_i32_0 = arith.constant 0 : i32
    %c0_i32_1 = arith.constant 0 : i32
    return %arg0, %c0_i32, %c0_i32_0 : i32, i32, i32
  }
  func.func @transform_2(%arg0: i32, %arg1: i32) -> (i32, i32, i32) {
    %c0_i32 = arith.constant 0 : i32
    %c0_i32_0 = arith.constant 0 : i32
    %c0_i32_1 = arith.constant 0 : i32
    return %arg0, %c0_i32, %c0_i32_0 : i32, i32, i32
  }
  func.func @transform_3(%arg0: i32, %arg1: i32) -> (i32, i32, i32) {
    %c0_i32 = arith.constant 0 : i32
    %c0_i32_0 = arith.constant 0 : i32
    return %arg0, %arg1, %c0_i32 : i32, i32, i32
  }
  func.func @transform_4(%arg0: i32, %arg1: i32) -> (i32, i32, i32) {
    %c0_i32 = arith.constant 0 : i32
    %c0_i32_0 = arith.constant 0 : i32
    return %arg0, %arg1, %c0_i32 : i32, i32, i32
  }
}

module attributes {stable_mosaic.version = 14 : i64} {
  func.func @_conv_body(%arg0: i32, %arg1: memref<2560x16xf32, #tpu.memory_space<vmem>>, %arg2: memref<128x16xf32, #tpu.memory_space<vmem>>, %arg3: memref<6x64xf32, #tpu.memory_space<vmem>>, %arg4: memref<128x64xf32, #tpu.memory_space<vmem>>, %arg5: memref<1x64x2560xf32, #tpu.memory_space<vmem>>) attributes {dimension_semantics = [#tpu.dimension_semantics<arbitrary>], iteration_bounds = array<i64: 128>, scalar_prefetch = 0 : i64, scratch_operands = 0 : i64, tpu.core_type = #tpu.core_type<tc>, window_params = [{transform_indices = @transform_0, window_bounds = array<i64: 2560, 16>}, {transform_indices = @transform_1, window_bounds = array<i64: 128, 16>}, {pipeline_mode = #tpu.pipeline_mode<synchronous>, transform_indices = @transform_2, window_bounds = array<i64: 6, 64>}, {transform_indices = @transform_3, window_bounds = array<i64: 128, 64>}, {transform_indices = @transform_4, window_bounds = array<i64: 1, 64, 2560>}]} {
    %get3A = arith.constant 0 : index
    %get3A_0 = arith.constant 0 : index
    %get3A_1 = vector.load %arg1[%get3A, %get3A_0] : memref<2560x16xf32, #tpu.memory_space<vmem>>, vector<2560x16xf32>
    %get3A_2 = arith.constant 0 : index
    %get3A_3 = arith.constant 0 : index
    %get3A_4 = vector.load %arg2[%get3A_2, %get3A_3] : memref<128x16xf32, #tpu.memory_space<vmem>>, vector<128x16xf32>
    %broadcast_in_dim3A = vector.shape_cast %get3A_4 : vector<128x16xf32> to vector<128x1x16xf32>
    %broadcast_in_dim3A_5 = vector.shape_cast %broadcast_in_dim3A : vector<128x1x16xf32> to vector<128x1x16xf32>
    %broadcast_in_dim3A_6 = vector.broadcast %broadcast_in_dim3A_5 : vector<128x1x16xf32> to vector<128x20x16xf32>
    %reshape3A = vector.shape_cast %broadcast_in_dim3A_6 : vector<128x20x16xf32> to vector<2560x16xf32>
    %sub3A = arith.subf %get3A_1, %reshape3A : vector<2560x16xf32>
    %slice3A = vector.extract_strided_slice %sub3A {offsets = [0, 0], sizes = [2560, 3], strides = [1, 1]} : vector<2560x16xf32> to vector<2560x3xf32>
    %slice3A_7 = vector.extract_strided_slice %reshape3A {offsets = [0, 0], sizes = [2560, 3], strides = [1, 1]} : vector<2560x16xf32> to vector<2560x3xf32>
    %concatenate3A = tpu.concatenate %slice3A, %slice3A_7 in 1 : vector<2560x3xf32>, vector<2560x3xf32> -> vector<2560x6xf32>
    %get3A_8 = arith.constant 0 : index
    %get3A_9 = arith.constant 0 : index
    %get3A_10 = vector.load %arg3[%get3A_8, %get3A_9] : memref<6x64xf32, #tpu.memory_space<vmem>>, vector<6x64xf32>
    %dot_general3A = arith.constant dense<0.000000e+00> : vector<2560x64xf32>
    %dot_general3A_11 = tpu.matmul %concatenate3A, %get3A_10, %dot_general3A {dimension_numbers = #tpu.dot_dimension_numbers<[1], [0], [0], [1], [0, 0, 1, 1], [], []>, transpose_lhs_hint = false} : vector<2560x6xf32>, vector<6x64xf32>, vector<2560x64xf32> -> vector<2560x64xf32>
    %reshape3A_12 = vector.shape_cast %dot_general3A_11 : vector<2560x64xf32> to vector<128x20x64xf32>
    %reduce_max3A = arith.constant dense<0xFF800000> : vector<128x64xf32>
    %reduce_max3A_13 = vector.multi_reduction <maximumf>, %reshape3A_12, %reduce_max3A [1] : vector<128x20x64xf32> to vector<128x64xf32>
    %swap3A = arith.constant 0 : index
    %swap3A_14 = arith.constant 0 : index
    %swap3A_15 = vector.load %arg4[%swap3A, %swap3A_14] : memref<128x64xf32, #tpu.memory_space<vmem>>, vector<128x64xf32>
    tpu.vector_store %arg4[%swap3A, %swap3A_14], %reduce_max3A_13 {strides = array<i32>} : memref<128x64xf32, #tpu.memory_space<vmem>>, vector<128x64xf32>,
    %get3A_16 = arith.constant 0 : index
    %get3A_17 = arith.constant 0 : index
    %get3A_18 = vector.load %arg3[%get3A_16, %get3A_17] : memref<6x64xf32, #tpu.memory_space<vmem>>, vector<6x64xf32>
    %dot_general3A_19 = arith.constant dense<0.000000e+00> : vector<64x2560xf32>
    %dot_general3A_20 = tpu.matmul %get3A_18, %concatenate3A, %dot_general3A_19 {dimension_numbers = #tpu.dot_dimension_numbers<[0], [1], [1], [0], [0, 1, 1, 0], [], []>, transpose_lhs_hint = false} : vector<6x64xf32>, vector<2560x6xf32>, vector<64x2560xf32> -> vector<64x2560xf32>
    %broadcast_in_dim3A_21 = vector.shape_cast %dot_general3A_20 : vector<64x2560xf32> to vector<1x64x2560xf32>
    %swap3A_22 = arith.constant 0 : index
    %swap3A_23 = arith.constant 0 : index
    %swap3A_24 = arith.constant 0 : index
    %swap3A_25 = vector.load %arg5[%swap3A_22, %swap3A_23, %swap3A_24] : memref<1x64x2560xf32, #tpu.memory_space<vmem>>, vector<1x64x2560xf32>
    tpu.vector_store %arg5[%swap3A_22, %swap3A_23, %swap3A_24], %broadcast_in_dim3A_21 {strides = array<i32>} : memref<1x64x2560xf32, #tpu.memory_space<vmem>>, vector<1x64x2560xf32>,
    return
  }
  func.func @transform_0(%arg0: i32) -> (i32, i32) {
    %c0_i32 = arith.constant 0 : i32
    %c0_i32_0 = arith.constant 0 : i32
    return %arg0, %c0_i32 : i32, i32
  }
  func.func @transform_1(%arg0: i32) -> (i32, i32) {
    %c0_i32 = arith.constant 0 : i32
    %c0_i32_0 = arith.constant 0 : i32
    return %arg0, %c0_i32 : i32, i32
  }
  func.func @transform_2(%arg0: i32) -> (i32, i32) {
    %c0_i32 = arith.constant 0 : i32
    %c0_i32_0 = arith.constant 0 : i32
    %c0_i32_1 = arith.constant 0 : i32
    return %c0_i32, %c0_i32_0 : i32, i32
  }
  func.func @transform_3(%arg0: i32) -> (i32, i32) {
    %c0_i32 = arith.constant 0 : i32
    %c0_i32_0 = arith.constant 0 : i32
    return %arg0, %c0_i32 : i32, i32
  }
  func.func @transform_4(%arg0: i32) -> (i32, i32, i32) {
    %jit3A = arith.constant 16 : i32
    %div3A = arith.divsi %arg0, %jit3A : i32
    %sign3A = arith.constant 0 : i32
    %sign3A_0 = arith.cmpi sgt, %arg0, %sign3A : i32
    %sign3A_1 = arith.extui %sign3A_0 : i1 to i32
    %sign3A_2 = arith.constant 0 : i32
    %sign3A_3 = arith.cmpi slt, %arg0, %sign3A_2 : i32
    %sign3A_4 = arith.extui %sign3A_3 : i1 to i32
    %sign3A_5 = arith.subi %sign3A_1, %sign3A_4 : i32
    %sign3A_6 = arith.constant 0 : i32
    %sign3A_7 = arith.cmpi sgt, %jit3A, %sign3A_6 : i32
    %sign3A_8 = arith.extui %sign3A_7 : i1 to i32
    %sign3A_9 = arith.constant 0 : i32
    %sign3A_10 = arith.cmpi slt, %jit3A, %sign3A_9 : i32
    %sign3A_11 = arith.extui %sign3A_10 : i1 to i32
    %sign3A_12 = arith.subi %sign3A_8, %sign3A_11 : i32
    %ne3A = arith.cmpi ne, %sign3A_5, %sign3A_12 : i32
    %rem3A = arith.remsi %arg0, %jit3A : i32
    %ne3A_13 = arith.constant 0 : i32
    %ne3A_14 = arith.cmpi ne, %rem3A, %ne3A_13 : i32
    %and3A = arith.andi %ne3A, %ne3A_14 : i1
    %sub3A = arith.constant 1 : i32
    %sub3A_15 = arith.subi %div3A, %sub3A : i32
    %select_n3A = arith.select %and3A, %sub3A_15, %div3A : i32
    %jit3A_16 = arith.constant 16 : i32
    %eq3A = arith.constant 0 : i32
    %eq3A_17 = arith.cmpi eq, %jit3A_16, %eq3A : i32
    %jit3A_18 = arith.constant 1 : i32
    %select_n3A_19 = arith.select %eq3A_17, %jit3A_18, %jit3A_16 : i32
    %rem3A_20 = arith.remsi %arg0, %select_n3A_19 : i32
    %ne3A_21 = arith.constant 0 : i32
    %ne3A_22 = arith.cmpi ne, %rem3A_20, %ne3A_21 : i32
    %lt3A = arith.constant 0 : i32
    %lt3A_23 = arith.cmpi slt, %rem3A_20, %lt3A : i32
    %lt3A_24 = arith.constant 0 : i32
    %lt3A_25 = arith.cmpi slt, %select_n3A_19, %lt3A_24 : i32
    %ne3A_26 = arith.xori %lt3A_23, %lt3A_25 : i1
    %and3A_27 = arith.andi %ne3A_26, %ne3A_22 : i1
    %add3A = arith.addi %rem3A_20, %select_n3A_19 : i32
    %select_n3A_28 = arith.select %and3A_27, %add3A, %rem3A_20 : i32
    %c0_i32 = arith.constant 0 : i32
    %c0_i32_29 = arith.constant 0 : i32
    return %select_n3A, %c0_i32, %select_n3A_28 : i32, i32, i32
  }
}

module attributes {stable_mosaic.version = 14 : i64} {
  func.func @_edge_norm_body(%arg0: i32, %arg1: memref<2048x64xf32, #tpu.memory_space<vmem>>, %arg2: memref<64xf32, #tpu.memory_space<vmem>>, %arg3: memref<64xf32, #tpu.memory_space<vmem>>, %arg4: memref<64xf32, #tpu.memory_space<vmem>>, %arg5: memref<64xf32, #tpu.memory_space<vmem>>, %arg6: memref<2048x64xf32, #tpu.memory_space<vmem>>) attributes {dimension_semantics = [#tpu.dimension_semantics<arbitrary>], iteration_bounds = array<i64: 8>, scalar_prefetch = 0 : i64, scratch_operands = 0 : i64, tpu.core_type = #tpu.core_type<tc>, window_params = [{transform_indices = @transform_0, window_bounds = array<i64: 2048, 64>}, {pipeline_mode = #tpu.pipeline_mode<synchronous>, transform_indices = @transform_1, window_bounds = array<i64: 64>}, {pipeline_mode = #tpu.pipeline_mode<synchronous>, transform_indices = @transform_2, window_bounds = array<i64: 64>}, {pipeline_mode = #tpu.pipeline_mode<synchronous>, transform_indices = @transform_3, window_bounds = array<i64: 64>}, {pipeline_mode = #tpu.pipeline_mode<synchronous>, transform_indices = @transform_4, window_bounds = array<i64: 64>}, {transform_indices = @transform_5, window_bounds = array<i64: 2048, 64>}]} {
    %get3A = arith.constant 0 : index
    %get3A_0 = arith.constant 0 : index
    %get3A_1 = vector.load %arg1[%get3A, %get3A_0] : memref<2048x64xf32, #tpu.memory_space<vmem>>, vector<2048x64xf32>
    %get3A_2 = arith.constant 0 : index
    %get3A_3 = vector.load %arg2[%get3A_2] : memref<64xf32, #tpu.memory_space<vmem>>, vector<64xf32>
    %broadcast_in_dim3A = vector.shape_cast %get3A_3 : vector<64xf32> to vector<1x64xf32>
    %sub3A = vector.broadcast %broadcast_in_dim3A : vector<1x64xf32> to vector<2048x64xf32>
    %sub3A_4 = arith.subf %get3A_1, %sub3A : vector<2048x64xf32>
    %get3A_5 = arith.constant 0 : index
    %get3A_6 = vector.load %arg3[%get3A_5] : memref<64xf32, #tpu.memory_space<vmem>>, vector<64xf32>
    %broadcast_in_dim3A_7 = vector.shape_cast %get3A_6 : vector<64xf32> to vector<1x64xf32>
    %add3A = arith.constant 9.99999974E-6 : f32
    %add3A_8 = vector.broadcast %add3A : f32 to vector<1x64xf32>
    %add3A_9 = arith.addf %broadcast_in_dim3A_7, %add3A_8 : vector<1x64xf32>
    %sqrt3A = math.sqrt %add3A_9 : vector<1x64xf32>
    %div3A = vector.broadcast %sqrt3A : vector<1x64xf32> to vector<2048x64xf32>
    %div3A_10 = arith.divf %sub3A_4, %div3A : vector<2048x64xf32>
    %get3A_11 = arith.constant 0 : index
    %get3A_12 = vector.load %arg4[%get3A_11] : memref<64xf32, #tpu.memory_space<vmem>>, vector<64xf32>
    %broadcast_in_dim3A_13 = vector.shape_cast %get3A_12 : vector<64xf32> to vector<1x64xf32>
    %mul3A = vector.broadcast %broadcast_in_dim3A_13 : vector<1x64xf32> to vector<2048x64xf32>
    %mul3A_14 = arith.mulf %div3A_10, %mul3A : vector<2048x64xf32>
    %get3A_15 = arith.constant 0 : index
    %get3A_16 = vector.load %arg5[%get3A_15] : memref<64xf32, #tpu.memory_space<vmem>>, vector<64xf32>
    %broadcast_in_dim3A_17 = vector.shape_cast %get3A_16 : vector<64xf32> to vector<1x64xf32>
    %add3A_18 = vector.broadcast %broadcast_in_dim3A_17 : vector<1x64xf32> to vector<2048x64xf32>
    %add3A_19 = arith.addf %mul3A_14, %add3A_18 : vector<2048x64xf32>
    %ge3A = arith.constant 0.000000e+00 : f32
    %ge3A_20 = vector.broadcast %ge3A : f32 to vector<2048x64xf32>
    %ge3A_21 = arith.cmpf oge, %add3A_19, %ge3A_20 : vector<2048x64xf32>
    %mul3A_22 = arith.constant 2.000000e-01 : f32
    %mul3A_23 = vector.broadcast %mul3A_22 : f32 to vector<2048x64xf32>
    %mul3A_24 = arith.mulf %mul3A_23, %add3A_19 : vector<2048x64xf32>
    %select_n3A = arith.select %ge3A_21, %add3A_19, %mul3A_24 : vector<2048x64xi1>, vector<2048x64xf32>
    %swap3A = arith.constant 0 : index
    %swap3A_25 = arith.constant 0 : index
    %swap3A_26 = vector.load %arg6[%swap3A, %swap3A_25] : memref<2048x64xf32, #tpu.memory_space<vmem>>, vector<2048x64xf32>
    tpu.vector_store %arg6[%swap3A, %swap3A_25], %select_n3A {strides = array<i32>} : memref<2048x64xf32, #tpu.memory_space<vmem>>, vector<2048x64xf32>,
    return
  }
  func.func @transform_0(%arg0: i32) -> (i32, i32) {
    %c0_i32 = arith.constant 0 : i32
    %c0_i32_0 = arith.constant 0 : i32
    return %arg0, %c0_i32 : i32, i32
  }
  func.func @transform_1(%arg0: i32) -> i32 {
    %c0_i32 = arith.constant 0 : i32
    %c0_i32_0 = arith.constant 0 : i32
    return %c0_i32 : i32
  }
  func.func @transform_2(%arg0: i32) -> i32 {
    %c0_i32 = arith.constant 0 : i32
    %c0_i32_0 = arith.constant 0 : i32
    return %c0_i32 : i32
  }
  func.func @transform_3(%arg0: i32) -> i32 {
    %c0_i32 = arith.constant 0 : i32
    %c0_i32_0 = arith.constant 0 : i32
    return %c0_i32 : i32
  }
  func.func @transform_4(%arg0: i32) -> i32 {
    %c0_i32 = arith.constant 0 : i32
    %c0_i32_0 = arith.constant 0 : i32
    return %c0_i32 : i32
  }
  func.func @transform_5(%arg0: i32) -> (i32, i32) {
    %c0_i32 = arith.constant 0 : i32
    %c0_i32_0 = arith.constant 0 : i32
    return %arg0, %c0_i32 : i32, i32
  }
}

module attributes {stable_mosaic.version = 14 : i64} {
  func.func @_knn_body(%arg0: i32, %arg1: i32, %arg2: memref<1x256x64xf32, #tpu.memory_space<vmem>>, %arg3: memref<1x64x2048xf32, #tpu.memory_space<vmem>>, %arg4: memref<1x1x2048xf32, #tpu.memory_space<vmem>>, %arg5: memref<1x256x1xf32, #tpu.memory_space<vmem>>, %arg6: memref<1x256x20xi32, #tpu.memory_space<vmem>>) attributes {dimension_semantics = [#tpu.dimension_semantics<arbitrary>, #tpu.dimension_semantics<arbitrary>], iteration_bounds = array<i64: 8, 8>, scalar_prefetch = 0 : i64, scratch_operands = 0 : i64, tpu.core_type = #tpu.core_type<tc>, window_params = [{transform_indices = @transform_0, window_bounds = array<i64: 1, 256, 64>}, {transform_indices = @transform_1, window_bounds = array<i64: 1, 64, 2048>}, {transform_indices = @transform_2, window_bounds = array<i64: 1, 1, 2048>}, {transform_indices = @transform_3, window_bounds = array<i64: 1, 256, 1>}, {transform_indices = @transform_4, window_bounds = array<i64: 1, 256, 20>}]} {
    %get3A = arith.constant 0 : index
    %get3A_0 = arith.constant 0 : index
    %get3A_1 = arith.constant 0 : index
    %get3A_2 = vector.load %arg2[%get3A, %get3A_0, %get3A_1] : memref<1x256x64xf32, #tpu.memory_space<vmem>>, vector<1x256x64xf32>
    %get3A_3 = vector.shape_cast %get3A_2 : vector<1x256x64xf32> to vector<256x64xf32>
    %get3A_4 = arith.constant 0 : index
    %get3A_5 = arith.constant 0 : index
    %get3A_6 = arith.constant 0 : index
    %get3A_7 = vector.load %arg3[%get3A_4, %get3A_5, %get3A_6] : memref<1x64x2048xf32, #tpu.memory_space<vmem>>, vector<1x64x2048xf32>
    %get3A_8 = vector.shape_cast %get3A_7 : vector<1x64x2048xf32> to vector<64x2048xf32>
    %dot_general3A = arith.constant dense<0.000000e+00> : vector<256x2048xf32>
    %dot_general3A_9 = tpu.matmul %get3A_3, %get3A_8, %dot_general3A {dimension_numbers = #tpu.dot_dimension_numbers<[1], [0], [0], [1], [0, 0, 1, 1], [], []>, transpose_lhs_hint = false} : vector<256x64xf32>, vector<64x2048xf32>, vector<256x2048xf32> -> vector<256x2048xf32>
    %mul3A = arith.constant -2.000000e+00 : f32
    %mul3A_10 = vector.broadcast %mul3A : f32 to vector<256x2048xf32>
    %mul3A_11 = arith.mulf %mul3A_10, %dot_general3A_9 : vector<256x2048xf32>
    %get3A_12 = arith.constant 0 : index
    %get3A_13 = arith.constant 0 : index
    %get3A_14 = arith.constant 0 : index
    %get3A_15 = vector.load %arg4[%get3A_12, %get3A_13, %get3A_14] : memref<1x1x2048xf32, #tpu.memory_space<vmem>>, vector<1x1x2048xf32>
    %get3A_16 = vector.shape_cast %get3A_15 : vector<1x1x2048xf32> to vector<1x2048xf32>
    %neg3A = arith.constant 0.000000e+00 : f32
    %neg3A_17 = vector.broadcast %neg3A : f32 to vector<1x2048xf32>
    %neg3A_18 = arith.subf %neg3A_17, %get3A_16 : vector<1x2048xf32>
    %sub3A = vector.broadcast %neg3A_18 : vector<1x2048xf32> to vector<256x2048xf32>
    %sub3A_19 = arith.subf %sub3A, %mul3A_11 : vector<256x2048xf32>
    %get3A_20 = arith.constant 0 : index
    %get3A_21 = arith.constant 0 : index
    %get3A_22 = arith.constant 0 : index
    %get3A_23 = vector.load %arg5[%get3A_20, %get3A_21, %get3A_22] : memref<1x256x1xf32, #tpu.memory_space<vmem>>, vector<1x256x1xf32>
    %get3A_24 = vector.shape_cast %get3A_23 : vector<1x256x1xf32> to vector<256x1xf32>
    %sub3A_25 = vector.broadcast %get3A_24 : vector<256x1xf32> to vector<256x2048xf32>
    %sub3A_26 = arith.subf %sub3A_19, %sub3A_25 : vector<256x2048xf32>
    %iota3A = tpu.iota {dimensions = array<i32: 1>} : vector<256x2048xi32>
    %mul3A_27 = arith.constant 2048 : i32
    %mul3A_28 = arith.muli %arg0, %mul3A_27 : i32
    %reduce_max3A = arith.constant dense<0xFF800000> : vector<256xf32>
    %reduce_max3A_29 = vector.multi_reduction <maximumf>, %sub3A_26, %reduce_max3A [1] : vector<256x2048xf32> to vector<256xf32>
    %broadcast_in_dim3A = vector.shape_cast %reduce_max3A_29 : vector<256xf32> to vector<256x1xf32>
    %eq3A = vector.broadcast %broadcast_in_dim3A : vector<256x1xf32> to vector<256x2048xf32>
    %eq3A_30 = arith.cmpf oeq, %sub3A_26, %eq3A : vector<256x2048xf32>
    %jit3A = arith.constant 2048 : i32
    %broadcast_in_dim3A_31 = vector.broadcast %jit3A : i32 to vector<256x2048xi32>
    %select_n3A = arith.select %eq3A_30, %iota3A, %broadcast_in_dim3A_31 : vector<256x2048xi1>, vector<256x2048xi32>
    %reduce_min3A = arith.constant dense<2147483647> : vector<256xi32>
    %reduce_min3A_32 = vector.multi_reduction <minsi>, %select_n3A, %reduce_min3A [1] : vector<256x2048xi32> to vector<256xi32>
    %broadcast_in_dim3A_33 = vector.shape_cast %reduce_min3A_32 : vector<256xi32> to vector<256x1xi32>
    %eq3A_34 = vector.broadcast %broadcast_in_dim3A_33 : vector<256x1xi32> to vector<256x2048xi32>
    %eq3A_35 = arith.cmpi eq, %iota3A, %eq3A_34 : vector<256x2048xi32>
    %jit3A_36 = arith.constant 0xFF800000 : f32
    %broadcast_in_dim3A_37 = vector.broadcast %jit3A_36 : f32 to vector<256x2048xf32>
    %select_n3A_38 = arith.select %eq3A_35, %broadcast_in_dim3A_37, %sub3A_26 : vector<256x2048xi1>, vector<256x2048xf32>
    %reduce_max3A_39 = arith.constant dense<0xFF800000> : vector<256xf32>
    %reduce_max3A_40 = vector.multi_reduction <maximumf>, %select_n3A_38, %reduce_max3A_39 [1] : vector<256x2048xf32> to vector<256xf32>
    %broadcast_in_dim3A_41 = vector.shape_cast %reduce_max3A_40 : vector<256xf32> to vector<256x1xf32>
    %eq3A_42 = vector.broadcast %broadcast_in_dim3A_41 : vector<256x1xf32> to vector<256x2048xf32>
    %eq3A_43 = arith.cmpf oeq, %select_n3A_38, %eq3A_42 : vector<256x2048xf32>
    %jit3A_44 = arith.constant 2048 : i32
    %broadcast_in_dim3A_45 = vector.broadcast %jit3A_44 : i32 to vector<256x2048xi32>
    %select_n3A_46 = arith.select %eq3A_43, %iota3A, %broadcast_in_dim3A_45 : vector<256x2048xi1>, vector<256x2048xi32>
    %reduce_min3A_47 = arith.constant dense<2147483647> : vector<256xi32>
    %reduce_min3A_48 = vector.multi_reduction <minsi>, %select_n3A_46, %reduce_min3A_47 [1] : vector<256x2048xi32> to vector<256xi32>
    %broadcast_in_dim3A_49 = vector.shape_cast %reduce_min3A_48 : vector<256xi32> to vector<256x1xi32>
    %eq3A_50 = vector.broadcast %broadcast_in_dim3A_49 : vector<256x1xi32> to vector<256x2048xi32>
    %eq3A_51 = arith.cmpi eq, %iota3A, %eq3A_50 : vector<256x2048xi32>
    %jit3A_52 = arith.constant 0xFF800000 : f32
    %broadcast_in_dim3A_53 = vector.broadcast %jit3A_52 : f32 to vector<256x2048xf32>
    %select_n3A_54 = arith.select %eq3A_51, %broadcast_in_dim3A_53, %select_n3A_38 : vector<256x2048xi1>, vector<256x2048xf32>
    %reduce_max3A_55 = arith.constant dense<0xFF800000> : vector<256xf32>
    %reduce_max3A_56 = vector.multi_reduction <maximumf>, %select_n3A_54, %reduce_max3A_55 [1] : vector<256x2048xf32> to vector<256xf32>
    %broadcast_in_dim3A_57 = vector.shape_cast %reduce_max3A_56 : vector<256xf32> to vector<256x1xf32>
    %eq3A_58 = vector.broadcast %broadcast_in_dim3A_57 : vector<256x1xf32> to vector<256x2048xf32>
    %eq3A_59 = arith.cmpf oeq, %select_n3A_54, %eq3A_58 : vector<256x2048xf32>
    %jit3A_60 = arith.constant 2048 : i32
    %broadcast_in_dim3A_61 = vector.broadcast %jit3A_60 : i32 to vector<256x2048xi32>
    %select_n3A_62 = arith.select %eq3A_59, %iota3A, %broadcast_in_dim3A_61 : vector<256x2048xi1>, vector<256x2048xi32>
    %reduce_min3A_63 = arith.constant dense<2147483647> : vector<256xi32>
    %reduce_min3A_64 = vector.multi_reduction <minsi>, %select_n3A_62, %reduce_min3A_63 [1] : vector<256x2048xi32> to vector<256xi32>
    %broadcast_in_dim3A_65 = vector.shape_cast %reduce_min3A_64 : vector<256xi32> to vector<256x1xi32>
    %eq3A_66 = vector.broadcast %broadcast_in_dim3A_65 : vector<256x1xi32> to vector<256x2048xi32>
    %eq3A_67 = arith.cmpi eq, %iota3A, %eq3A_66 : vector<256x2048xi32>
    %jit3A_68 = arith.constant 0xFF800000 : f32
    %broadcast_in_dim3A_69 = vector.broadcast %jit3A_68 : f32 to vector<256x2048xf32>
    %select_n3A_70 = arith.select %eq3A_67, %broadcast_in_dim3A_69, %select_n3A_54 : vector<256x2048xi1>, vector<256x2048xf32>
    %reduce_max3A_71 = arith.constant dense<0xFF800000> : vector<256xf32>
    %reduce_max3A_72 = vector.multi_reduction <maximumf>, %select_n3A_70, %reduce_max3A_71 [1] : vector<256x2048xf32> to vector<256xf32>
    %broadcast_in_dim3A_73 = vector.shape_cast %reduce_max3A_72 : vector<256xf32> to vector<256x1xf32>
    %eq3A_74 = vector.broadcast %broadcast_in_dim3A_73 : vector<256x1xf32> to vector<256x2048xf32>
    %eq3A_75 = arith.cmpf oeq, %select_n3A_70, %eq3A_74 : vector<256x2048xf32>
    %jit3A_76 = arith.constant 2048 : i32
    %broadcast_in_dim3A_77 = vector.broadcast %jit3A_76 : i32 to vector<256x2048xi32>
    %select_n3A_78 = arith.select %eq3A_75, %iota3A, %broadcast_in_dim3A_77 : vector<256x2048xi1>, vector<256x2048xi32>
    %reduce_min3A_79 = arith.constant dense<2147483647> : vector<256xi32>
    %reduce_min3A_80 = vector.multi_reduction <minsi>, %select_n3A_78, %reduce_min3A_79 [1] : vector<256x2048xi32> to vector<256xi32>
    %broadcast_in_dim3A_81 = vector.shape_cast %reduce_min3A_80 : vector<256xi32> to vector<256x1xi32>
    %eq3A_82 = vector.broadcast %broadcast_in_dim3A_81 : vector<256x1xi32> to vector<256x2048xi32>
    %eq3A_83 = arith.cmpi eq, %iota3A, %eq3A_82 : vector<256x2048xi32>
    %jit3A_84 = arith.constant 0xFF800000 : f32
    %broadcast_in_dim3A_85 = vector.broadcast %jit3A_84 : f32 to vector<256x2048xf32>
    %select_n3A_86 = arith.select %eq3A_83, %broadcast_in_dim3A_85, %select_n3A_70 : vector<256x2048xi1>, vector<256x2048xf32>
    %reduce_max3A_87 = arith.constant dense<0xFF800000> : vector<256xf32>
    %reduce_max3A_88 = vector.multi_reduction <maximumf>, %select_n3A_86, %reduce_max3A_87 [1] : vector<256x2048xf32> to vector<256xf32>
    %broadcast_in_dim3A_89 = vector.shape_cast %reduce_max3A_88 : vector<256xf32> to vector<256x1xf32>
    %eq3A_90 = vector.broadcast %broadcast_in_dim3A_89 : vector<256x1xf32> to vector<256x2048xf32>
    %eq3A_91 = arith.cmpf oeq, %select_n3A_86, %eq3A_90 : vector<256x2048xf32>
    %jit3A_92 = arith.constant 2048 : i32
    %broadcast_in_dim3A_93 = vector.broadcast %jit3A_92 : i32 to vector<256x2048xi32>
    %select_n3A_94 = arith.select %eq3A_91, %iota3A, %broadcast_in_dim3A_93 : vector<256x2048xi1>, vector<256x2048xi32>
    %reduce_min3A_95 = arith.constant dense<2147483647> : vector<256xi32>
    %reduce_min3A_96 = vector.multi_reduction <minsi>, %select_n3A_94, %reduce_min3A_95 [1] : vector<256x2048xi32> to vector<256xi32>
    %broadcast_in_dim3A_97 = vector.shape_cast %reduce_min3A_96 : vector<256xi32> to vector<256x1xi32>
    %eq3A_98 = vector.broadcast %broadcast_in_dim3A_97 : vector<256x1xi32> to vector<256x2048xi32>
    %eq3A_99 = arith.cmpi eq, %iota3A, %eq3A_98 : vector<256x2048xi32>
    %jit3A_100 = arith.constant 0xFF800000 : f32
    %broadcast_in_dim3A_101 = vector.broadcast %jit3A_100 : f32 to vector<256x2048xf32>
    %select_n3A_102 = arith.select %eq3A_99, %broadcast_in_dim3A_101, %select_n3A_86 : vector<256x2048xi1>, vector<256x2048xf32>
    %reduce_max3A_103 = arith.constant dense<0xFF800000> : vector<256xf32>
    %reduce_max3A_104 = vector.multi_reduction <maximumf>, %select_n3A_102, %reduce_max3A_103 [1] : vector<256x2048xf32> to vector<256xf32>
    %broadcast_in_dim3A_105 = vector.shape_cast %reduce_max3A_104 : vector<256xf32> to vector<256x1xf32>
    %eq3A_106 = vector.broadcast %broadcast_in_dim3A_105 : vector<256x1xf32> to vector<256x2048xf32>
    %eq3A_107 = arith.cmpf oeq, %select_n3A_102, %eq3A_106 : vector<256x2048xf32>
    %jit3A_108 = arith.constant 2048 : i32
    %broadcast_in_dim3A_109 = vector.broadcast %jit3A_108 : i32 to vector<256x2048xi32>
    %select_n3A_110 = arith.select %eq3A_107, %iota3A, %broadcast_in_dim3A_109 : vector<256x2048xi1>, vector<256x2048xi32>
    %reduce_min3A_111 = arith.constant dense<2147483647> : vector<256xi32>
    %reduce_min3A_112 = vector.multi_reduction <minsi>, %select_n3A_110, %reduce_min3A_111 [1] : vector<256x2048xi32> to vector<256xi32>
    %broadcast_in_dim3A_113 = vector.shape_cast %reduce_min3A_112 : vector<256xi32> to vector<256x1xi32>
    %eq3A_114 = vector.broadcast %broadcast_in_dim3A_113 : vector<256x1xi32> to vector<256x2048xi32>
    %eq3A_115 = arith.cmpi eq, %iota3A, %eq3A_114 : vector<256x2048xi32>
    %jit3A_116 = arith.constant 0xFF800000 : f32
    %broadcast_in_dim3A_117 = vector.broadcast %jit3A_116 : f32 to vector<256x2048xf32>
    %select_n3A_118 = arith.select %eq3A_115, %broadcast_in_dim3A_117, %select_n3A_102 : vector<256x2048xi1>, vector<256x2048xf32>
    %reduce_max3A_119 = arith.constant dense<0xFF800000> : vector<256xf32>
    %reduce_max3A_120 = vector.multi_reduction <maximumf>, %select_n3A_118, %reduce_max3A_119 [1] : vector<256x2048xf32> to vector<256xf32>
    %broadcast_in_dim3A_121 = vector.shape_cast %reduce_max3A_120 : vector<256xf32> to vector<256x1xf32>
    %eq3A_122 = vector.broadcast %broadcast_in_dim3A_121 : vector<256x1xf32> to vector<256x2048xf32>
    %eq3A_123 = arith.cmpf oeq, %select_n3A_118, %eq3A_122 : vector<256x2048xf32>
    %jit3A_124 = arith.constant 2048 : i32
    %broadcast_in_dim3A_125 = vector.broadcast %jit3A_124 : i32 to vector<256x2048xi32>
    %select_n3A_126 = arith.select %eq3A_123, %iota3A, %broadcast_in_dim3A_125 : vector<256x2048xi1>, vector<256x2048xi32>
    %reduce_min3A_127 = arith.constant dense<2147483647> : vector<256xi32>
    %reduce_min3A_128 = vector.multi_reduction <minsi>, %select_n3A_126, %reduce_min3A_127 [1] : vector<256x2048xi32> to vector<256xi32>
    %broadcast_in_dim3A_129 = vector.shape_cast %reduce_min3A_128 : vector<256xi32> to vector<256x1xi32>
    %eq3A_130 = vector.broadcast %broadcast_in_dim3A_129 : vector<256x1xi32> to vector<256x2048xi32>
    %eq3A_131 = arith.cmpi eq, %iota3A, %eq3A_130 : vector<256x2048xi32>
    %jit3A_132 = arith.constant 0xFF800000 : f32
    %broadcast_in_dim3A_133 = vector.broadcast %jit3A_132 : f32 to vector<256x2048xf32>
    %select_n3A_134 = arith.select %eq3A_131, %broadcast_in_dim3A_133, %select_n3A_118 : vector<256x2048xi1>, vector<256x2048xf32>
    %reduce_max3A_135 = arith.constant dense<0xFF800000> : vector<256xf32>
    %reduce_max3A_136 = vector.multi_reduction <maximumf>, %select_n3A_134, %reduce_max3A_135 [1] : vector<256x2048xf32> to vector<256xf32>
    %broadcast_in_dim3A_137 = vector.shape_cast %reduce_max3A_136 : vector<256xf32> to vector<256x1xf32>
    %eq3A_138 = vector.broadcast %broadcast_in_dim3A_137 : vector<256x1xf32> to vector<256x2048xf32>
    %eq3A_139 = arith.cmpf oeq, %select_n3A_134, %eq3A_138 : vector<256x2048xf32>
    %jit3A_140 = arith.constant 2048 : i32
    %broadcast_in_dim3A_141 = vector.broadcast %jit3A_140 : i32 to vector<256x2048xi32>
    %select_n3A_142 = arith.select %eq3A_139, %iota3A, %broadcast_in_dim3A_141 : vector<256x2048xi1>, vector<256x2048xi32>
    %reduce_min3A_143 = arith.constant dense<2147483647> : vector<256xi32>
    %reduce_min3A_144 = vector.multi_reduction <minsi>, %select_n3A_142, %reduce_min3A_143 [1] : vector<256x2048xi32> to vector<256xi32>
    %broadcast_in_dim3A_145 = vector.shape_cast %reduce_min3A_144 : vector<256xi32> to vector<256x1xi32>
    %eq3A_146 = vector.broadcast %broadcast_in_dim3A_145 : vector<256x1xi32> to vector<256x2048xi32>
    %eq3A_147 = arith.cmpi eq, %iota3A, %eq3A_146 : vector<256x2048xi32>
    %jit3A_148 = arith.constant 0xFF800000 : f32
    %broadcast_in_dim3A_149 = vector.broadcast %jit3A_148 : f32 to vector<256x2048xf32>
    %select_n3A_150 = arith.select %eq3A_147, %broadcast_in_dim3A_149, %select_n3A_134 : vector<256x2048xi1>, vector<256x2048xf32>
    %reduce_max3A_151 = arith.constant dense<0xFF800000> : vector<256xf32>
    %reduce_max3A_152 = vector.multi_reduction <maximumf>, %select_n3A_150, %reduce_max3A_151 [1] : vector<256x2048xf32> to vector<256xf32>
    %broadcast_in_dim3A_153 = vector.shape_cast %reduce_max3A_152 : vector<256xf32> to vector<256x1xf32>
    %eq3A_154 = vector.broadcast %broadcast_in_dim3A_153 : vector<256x1xf32> to vector<256x2048xf32>
    %eq3A_155 = arith.cmpf oeq, %select_n3A_150, %eq3A_154 : vector<256x2048xf32>
    %jit3A_156 = arith.constant 2048 : i32
    %broadcast_in_dim3A_157 = vector.broadcast %jit3A_156 : i32 to vector<256x2048xi32>
    %select_n3A_158 = arith.select %eq3A_155, %iota3A, %broadcast_in_dim3A_157 : vector<256x2048xi1>, vector<256x2048xi32>
    %reduce_min3A_159 = arith.constant dense<2147483647> : vector<256xi32>
    %reduce_min3A_160 = vector.multi_reduction <minsi>, %select_n3A_158, %reduce_min3A_159 [1] : vector<256x2048xi32> to vector<256xi32>
    %broadcast_in_dim3A_161 = vector.shape_cast %reduce_min3A_160 : vector<256xi32> to vector<256x1xi32>
    %eq3A_162 = vector.broadcast %broadcast_in_dim3A_161 : vector<256x1xi32> to vector<256x2048xi32>
    %eq3A_163 = arith.cmpi eq, %iota3A, %eq3A_162 : vector<256x2048xi32>
    %jit3A_164 = arith.constant 0xFF800000 : f32
    %broadcast_in_dim3A_165 = vector.broadcast %jit3A_164 : f32 to vector<256x2048xf32>
    %select_n3A_166 = arith.select %eq3A_163, %broadcast_in_dim3A_165, %select_n3A_150 : vector<256x2048xi1>, vector<256x2048xf32>
    %reduce_max3A_167 = arith.constant dense<0xFF800000> : vector<256xf32>
    %reduce_max3A_168 = vector.multi_reduction <maximumf>, %select_n3A_166, %reduce_max3A_167 [1] : vector<256x2048xf32> to vector<256xf32>
    %broadcast_in_dim3A_169 = vector.shape_cast %reduce_max3A_168 : vector<256xf32> to vector<256x1xf32>
    %eq3A_170 = vector.broadcast %broadcast_in_dim3A_169 : vector<256x1xf32> to vector<256x2048xf32>
    %eq3A_171 = arith.cmpf oeq, %select_n3A_166, %eq3A_170 : vector<256x2048xf32>
    %jit3A_172 = arith.constant 2048 : i32
    %broadcast_in_dim3A_173 = vector.broadcast %jit3A_172 : i32 to vector<256x2048xi32>
    %select_n3A_174 = arith.select %eq3A_171, %iota3A, %broadcast_in_dim3A_173 : vector<256x2048xi1>, vector<256x2048xi32>
    %reduce_min3A_175 = arith.constant dense<2147483647> : vector<256xi32>
    %reduce_min3A_176 = vector.multi_reduction <minsi>, %select_n3A_174, %reduce_min3A_175 [1] : vector<256x2048xi32> to vector<256xi32>
    %broadcast_in_dim3A_177 = vector.shape_cast %reduce_min3A_176 : vector<256xi32> to vector<256x1xi32>
    %eq3A_178 = vector.broadcast %broadcast_in_dim3A_177 : vector<256x1xi32> to vector<256x2048xi32>
    %eq3A_179 = arith.cmpi eq, %iota3A, %eq3A_178 : vector<256x2048xi32>
    %jit3A_180 = arith.constant 0xFF800000 : f32
    %broadcast_in_dim3A_181 = vector.broadcast %jit3A_180 : f32 to vector<256x2048xf32>
    %select_n3A_182 = arith.select %eq3A_179, %broadcast_in_dim3A_181, %select_n3A_166 : vector<256x2048xi1>, vector<256x2048xf32>
    %reduce_max3A_183 = arith.constant dense<0xFF800000> : vector<256xf32>
    %reduce_max3A_184 = vector.multi_reduction <maximumf>, %select_n3A_182, %reduce_max3A_183 [1] : vector<256x2048xf32> to vector<256xf32>
    %broadcast_in_dim3A_185 = vector.shape_cast %reduce_max3A_184 : vector<256xf32> to vector<256x1xf32>
    %eq3A_186 = vector.broadcast %broadcast_in_dim3A_185 : vector<256x1xf32> to vector<256x2048xf32>
    %eq3A_187 = arith.cmpf oeq, %select_n3A_182, %eq3A_186 : vector<256x2048xf32>
    %jit3A_188 = arith.constant 2048 : i32
    %broadcast_in_dim3A_189 = vector.broadcast %jit3A_188 : i32 to vector<256x2048xi32>
    %select_n3A_190 = arith.select %eq3A_187, %iota3A, %broadcast_in_dim3A_189 : vector<256x2048xi1>, vector<256x2048xi32>
    %reduce_min3A_191 = arith.constant dense<2147483647> : vector<256xi32>
    %reduce_min3A_192 = vector.multi_reduction <minsi>, %select_n3A_190, %reduce_min3A_191 [1] : vector<256x2048xi32> to vector<256xi32>
    %broadcast_in_dim3A_193 = vector.shape_cast %reduce_min3A_192 : vector<256xi32> to vector<256x1xi32>
    %eq3A_194 = vector.broadcast %broadcast_in_dim3A_193 : vector<256x1xi32> to vector<256x2048xi32>
    %eq3A_195 = arith.cmpi eq, %iota3A, %eq3A_194 : vector<256x2048xi32>
    %jit3A_196 = arith.constant 0xFF800000 : f32
    %broadcast_in_dim3A_197 = vector.broadcast %jit3A_196 : f32 to vector<256x2048xf32>
    %select_n3A_198 = arith.select %eq3A_195, %broadcast_in_dim3A_197, %select_n3A_182 : vector<256x2048xi1>, vector<256x2048xf32>
    %reduce_max3A_199 = arith.constant dense<0xFF800000> : vector<256xf32>
    %reduce_max3A_200 = vector.multi_reduction <maximumf>, %select_n3A_198, %reduce_max3A_199 [1] : vector<256x2048xf32> to vector<256xf32>
    %broadcast_in_dim3A_201 = vector.shape_cast %reduce_max3A_200 : vector<256xf32> to vector<256x1xf32>
    %eq3A_202 = vector.broadcast %broadcast_in_dim3A_201 : vector<256x1xf32> to vector<256x2048xf32>
    %eq3A_203 = arith.cmpf oeq, %select_n3A_198, %eq3A_202 : vector<256x2048xf32>
    %jit3A_204 = arith.constant 2048 : i32
    %broadcast_in_dim3A_205 = vector.broadcast %jit3A_204 : i32 to vector<256x2048xi32>
    %select_n3A_206 = arith.select %eq3A_203, %iota3A, %broadcast_in_dim3A_205 : vector<256x2048xi1>, vector<256x2048xi32>
    %reduce_min3A_207 = arith.constant dense<2147483647> : vector<256xi32>
    %reduce_min3A_208 = vector.multi_reduction <minsi>, %select_n3A_206, %reduce_min3A_207 [1] : vector<256x2048xi32> to vector<256xi32>
    %broadcast_in_dim3A_209 = vector.shape_cast %reduce_min3A_208 : vector<256xi32> to vector<256x1xi32>
    %eq3A_210 = vector.broadcast %broadcast_in_dim3A_209 : vector<256x1xi32> to vector<256x2048xi32>
    %eq3A_211 = arith.cmpi eq, %iota3A, %eq3A_210 : vector<256x2048xi32>
    %jit3A_212 = arith.constant 0xFF800000 : f32
    %broadcast_in_dim3A_213 = vector.broadcast %jit3A_212 : f32 to vector<256x2048xf32>
    %select_n3A_214 = arith.select %eq3A_211, %broadcast_in_dim3A_213, %select_n3A_198 : vector<256x2048xi1>, vector<256x2048xf32>
    %reduce_max3A_215 = arith.constant dense<0xFF800000> : vector<256xf32>
    %reduce_max3A_216 = vector.multi_reduction <maximumf>, %select_n3A_214, %reduce_max3A_215 [1] : vector<256x2048xf32> to vector<256xf32>
    %broadcast_in_dim3A_217 = vector.shape_cast %reduce_max3A_216 : vector<256xf32> to vector<256x1xf32>
    %eq3A_218 = vector.broadcast %broadcast_in_dim3A_217 : vector<256x1xf32> to vector<256x2048xf32>
    %eq3A_219 = arith.cmpf oeq, %select_n3A_214, %eq3A_218 : vector<256x2048xf32>
    %jit3A_220 = arith.constant 2048 : i32
    %broadcast_in_dim3A_221 = vector.broadcast %jit3A_220 : i32 to vector<256x2048xi32>
    %select_n3A_222 = arith.select %eq3A_219, %iota3A, %broadcast_in_dim3A_221 : vector<256x2048xi1>, vector<256x2048xi32>
    %reduce_min3A_223 = arith.constant dense<2147483647> : vector<256xi32>
    %reduce_min3A_224 = vector.multi_reduction <minsi>, %select_n3A_222, %reduce_min3A_223 [1] : vector<256x2048xi32> to vector<256xi32>
    %broadcast_in_dim3A_225 = vector.shape_cast %reduce_min3A_224 : vector<256xi32> to vector<256x1xi32>
    %eq3A_226 = vector.broadcast %broadcast_in_dim3A_225 : vector<256x1xi32> to vector<256x2048xi32>
    %eq3A_227 = arith.cmpi eq, %iota3A, %eq3A_226 : vector<256x2048xi32>
    %jit3A_228 = arith.constant 0xFF800000 : f32
    %broadcast_in_dim3A_229 = vector.broadcast %jit3A_228 : f32 to vector<256x2048xf32>
    %select_n3A_230 = arith.select %eq3A_227, %broadcast_in_dim3A_229, %select_n3A_214 : vector<256x2048xi1>, vector<256x2048xf32>
    %reduce_max3A_231 = arith.constant dense<0xFF800000> : vector<256xf32>
    %reduce_max3A_232 = vector.multi_reduction <maximumf>, %select_n3A_230, %reduce_max3A_231 [1] : vector<256x2048xf32> to vector<256xf32>
    %broadcast_in_dim3A_233 = vector.shape_cast %reduce_max3A_232 : vector<256xf32> to vector<256x1xf32>
    %eq3A_234 = vector.broadcast %broadcast_in_dim3A_233 : vector<256x1xf32> to vector<256x2048xf32>
    %eq3A_235 = arith.cmpf oeq, %select_n3A_230, %eq3A_234 : vector<256x2048xf32>
    %jit3A_236 = arith.constant 2048 : i32
    %broadcast_in_dim3A_237 = vector.broadcast %jit3A_236 : i32 to vector<256x2048xi32>
    %select_n3A_238 = arith.select %eq3A_235, %iota3A, %broadcast_in_dim3A_237 : vector<256x2048xi1>, vector<256x2048xi32>
    %reduce_min3A_239 = arith.constant dense<2147483647> : vector<256xi32>
    %reduce_min3A_240 = vector.multi_reduction <minsi>, %select_n3A_238, %reduce_min3A_239 [1] : vector<256x2048xi32> to vector<256xi32>
    %broadcast_in_dim3A_241 = vector.shape_cast %reduce_min3A_240 : vector<256xi32> to vector<256x1xi32>
    %eq3A_242 = vector.broadcast %broadcast_in_dim3A_241 : vector<256x1xi32> to vector<256x2048xi32>
    %eq3A_243 = arith.cmpi eq, %iota3A, %eq3A_242 : vector<256x2048xi32>
    %jit3A_244 = arith.constant 0xFF800000 : f32
    %broadcast_in_dim3A_245 = vector.broadcast %jit3A_244 : f32 to vector<256x2048xf32>
    %select_n3A_246 = arith.select %eq3A_243, %broadcast_in_dim3A_245, %select_n3A_230 : vector<256x2048xi1>, vector<256x2048xf32>
    %reduce_max3A_247 = arith.constant dense<0xFF800000> : vector<256xf32>
    %reduce_max3A_248 = vector.multi_reduction <maximumf>, %select_n3A_246, %reduce_max3A_247 [1] : vector<256x2048xf32> to vector<256xf32>
    %broadcast_in_dim3A_249 = vector.shape_cast %reduce_max3A_248 : vector<256xf32> to vector<256x1xf32>
    %eq3A_250 = vector.broadcast %broadcast_in_dim3A_249 : vector<256x1xf32> to vector<256x2048xf32>
    %eq3A_251 = arith.cmpf oeq, %select_n3A_246, %eq3A_250 : vector<256x2048xf32>
    %jit3A_252 = arith.constant 2048 : i32
    %broadcast_in_dim3A_253 = vector.broadcast %jit3A_252 : i32 to vector<256x2048xi32>
    %select_n3A_254 = arith.select %eq3A_251, %iota3A, %broadcast_in_dim3A_253 : vector<256x2048xi1>, vector<256x2048xi32>
    %reduce_min3A_255 = arith.constant dense<2147483647> : vector<256xi32>
    %reduce_min3A_256 = vector.multi_reduction <minsi>, %select_n3A_254, %reduce_min3A_255 [1] : vector<256x2048xi32> to vector<256xi32>
    %broadcast_in_dim3A_257 = vector.shape_cast %reduce_min3A_256 : vector<256xi32> to vector<256x1xi32>
    %eq3A_258 = vector.broadcast %broadcast_in_dim3A_257 : vector<256x1xi32> to vector<256x2048xi32>
    %eq3A_259 = arith.cmpi eq, %iota3A, %eq3A_258 : vector<256x2048xi32>
    %jit3A_260 = arith.constant 0xFF800000 : f32
    %broadcast_in_dim3A_261 = vector.broadcast %jit3A_260 : f32 to vector<256x2048xf32>
    %select_n3A_262 = arith.select %eq3A_259, %broadcast_in_dim3A_261, %select_n3A_246 : vector<256x2048xi1>, vector<256x2048xf32>
    %reduce_max3A_263 = arith.constant dense<0xFF800000> : vector<256xf32>
    %reduce_max3A_264 = vector.multi_reduction <maximumf>, %select_n3A_262, %reduce_max3A_263 [1] : vector<256x2048xf32> to vector<256xf32>
    %broadcast_in_dim3A_265 = vector.shape_cast %reduce_max3A_264 : vector<256xf32> to vector<256x1xf32>
    %eq3A_266 = vector.broadcast %broadcast_in_dim3A_265 : vector<256x1xf32> to vector<256x2048xf32>
    %eq3A_267 = arith.cmpf oeq, %select_n3A_262, %eq3A_266 : vector<256x2048xf32>
    %jit3A_268 = arith.constant 2048 : i32
    %broadcast_in_dim3A_269 = vector.broadcast %jit3A_268 : i32 to vector<256x2048xi32>
    %select_n3A_270 = arith.select %eq3A_267, %iota3A, %broadcast_in_dim3A_269 : vector<256x2048xi1>, vector<256x2048xi32>
    %reduce_min3A_271 = arith.constant dense<2147483647> : vector<256xi32>
    %reduce_min3A_272 = vector.multi_reduction <minsi>, %select_n3A_270, %reduce_min3A_271 [1] : vector<256x2048xi32> to vector<256xi32>
    %broadcast_in_dim3A_273 = vector.shape_cast %reduce_min3A_272 : vector<256xi32> to vector<256x1xi32>
    %eq3A_274 = vector.broadcast %broadcast_in_dim3A_273 : vector<256x1xi32> to vector<256x2048xi32>
    %eq3A_275 = arith.cmpi eq, %iota3A, %eq3A_274 : vector<256x2048xi32>
    %jit3A_276 = arith.constant 0xFF800000 : f32
    %broadcast_in_dim3A_277 = vector.broadcast %jit3A_276 : f32 to vector<256x2048xf32>
    %select_n3A_278 = arith.select %eq3A_275, %broadcast_in_dim3A_277, %select_n3A_262 : vector<256x2048xi1>, vector<256x2048xf32>
    %reduce_max3A_279 = arith.constant dense<0xFF800000> : vector<256xf32>
    %reduce_max3A_280 = vector.multi_reduction <maximumf>, %select_n3A_278, %reduce_max3A_279 [1] : vector<256x2048xf32> to vector<256xf32>
    %broadcast_in_dim3A_281 = vector.shape_cast %reduce_max3A_280 : vector<256xf32> to vector<256x1xf32>
    %eq3A_282 = vector.broadcast %broadcast_in_dim3A_281 : vector<256x1xf32> to vector<256x2048xf32>
    %eq3A_283 = arith.cmpf oeq, %select_n3A_278, %eq3A_282 : vector<256x2048xf32>
    %jit3A_284 = arith.constant 2048 : i32
    %broadcast_in_dim3A_285 = vector.broadcast %jit3A_284 : i32 to vector<256x2048xi32>
    %select_n3A_286 = arith.select %eq3A_283, %iota3A, %broadcast_in_dim3A_285 : vector<256x2048xi1>, vector<256x2048xi32>
    %reduce_min3A_287 = arith.constant dense<2147483647> : vector<256xi32>
    %reduce_min3A_288 = vector.multi_reduction <minsi>, %select_n3A_286, %reduce_min3A_287 [1] : vector<256x2048xi32> to vector<256xi32>
    %broadcast_in_dim3A_289 = vector.shape_cast %reduce_min3A_288 : vector<256xi32> to vector<256x1xi32>
    %eq3A_290 = vector.broadcast %broadcast_in_dim3A_289 : vector<256x1xi32> to vector<256x2048xi32>
    %eq3A_291 = arith.cmpi eq, %iota3A, %eq3A_290 : vector<256x2048xi32>
    %jit3A_292 = arith.constant 0xFF800000 : f32
    %broadcast_in_dim3A_293 = vector.broadcast %jit3A_292 : f32 to vector<256x2048xf32>
    %select_n3A_294 = arith.select %eq3A_291, %broadcast_in_dim3A_293, %select_n3A_278 : vector<256x2048xi1>, vector<256x2048xf32>
    %reduce_max3A_295 = arith.constant dense<0xFF800000> : vector<256xf32>
    %reduce_max3A_296 = vector.multi_reduction <maximumf>, %select_n3A_294, %reduce_max3A_295 [1] : vector<256x2048xf32> to vector<256xf32>
    %broadcast_in_dim3A_297 = vector.shape_cast %reduce_max3A_296 : vector<256xf32> to vector<256x1xf32>
    %eq3A_298 = vector.broadcast %broadcast_in_dim3A_297 : vector<256x1xf32> to vector<256x2048xf32>
    %eq3A_299 = arith.cmpf oeq, %select_n3A_294, %eq3A_298 : vector<256x2048xf32>
    %jit3A_300 = arith.constant 2048 : i32
    %broadcast_in_dim3A_301 = vector.broadcast %jit3A_300 : i32 to vector<256x2048xi32>
    %select_n3A_302 = arith.select %eq3A_299, %iota3A, %broadcast_in_dim3A_301 : vector<256x2048xi1>, vector<256x2048xi32>
    %reduce_min3A_303 = arith.constant dense<2147483647> : vector<256xi32>
    %reduce_min3A_304 = vector.multi_reduction <minsi>, %select_n3A_302, %reduce_min3A_303 [1] : vector<256x2048xi32> to vector<256xi32>
    %broadcast_in_dim3A_305 = vector.shape_cast %reduce_min3A_304 : vector<256xi32> to vector<256x1xi32>
    %eq3A_306 = vector.broadcast %broadcast_in_dim3A_305 : vector<256x1xi32> to vector<256x2048xi32>
    %eq3A_307 = arith.cmpi eq, %iota3A, %eq3A_306 : vector<256x2048xi32>
    %jit3A_308 = arith.constant 0xFF800000 : f32
    %broadcast_in_dim3A_309 = vector.broadcast %jit3A_308 : f32 to vector<256x2048xf32>
    %select_n3A_310 = arith.select %eq3A_307, %broadcast_in_dim3A_309, %select_n3A_294 : vector<256x2048xi1>, vector<256x2048xf32>
    %reduce_max3A_311 = arith.constant dense<0xFF800000> : vector<256xf32>
    %reduce_max3A_312 = vector.multi_reduction <maximumf>, %select_n3A_310, %reduce_max3A_311 [1] : vector<256x2048xf32> to vector<256xf32>
    %broadcast_in_dim3A_313 = vector.shape_cast %reduce_max3A_312 : vector<256xf32> to vector<256x1xf32>
    %eq3A_314 = vector.broadcast %broadcast_in_dim3A_313 : vector<256x1xf32> to vector<256x2048xf32>
    %eq3A_315 = arith.cmpf oeq, %select_n3A_310, %eq3A_314 : vector<256x2048xf32>
    %jit3A_316 = arith.constant 2048 : i32
    %broadcast_in_dim3A_317 = vector.broadcast %jit3A_316 : i32 to vector<256x2048xi32>
    %select_n3A_318 = arith.select %eq3A_315, %iota3A, %broadcast_in_dim3A_317 : vector<256x2048xi1>, vector<256x2048xi32>
    %reduce_min3A_319 = arith.constant dense<2147483647> : vector<256xi32>
    %reduce_min3A_320 = vector.multi_reduction <minsi>, %select_n3A_318, %reduce_min3A_319 [1] : vector<256x2048xi32> to vector<256xi32>
    %broadcast_in_dim3A_321 = vector.shape_cast %reduce_min3A_320 : vector<256xi32> to vector<256x1xi32>
    %eq3A_322 = vector.broadcast %broadcast_in_dim3A_321 : vector<256x1xi32> to vector<256x2048xi32>
    %eq3A_323 = arith.cmpi eq, %iota3A, %eq3A_322 : vector<256x2048xi32>
    %jit3A_324 = arith.constant 0xFF800000 : f32
    %broadcast_in_dim3A_325 = vector.broadcast %jit3A_324 : f32 to vector<256x2048xf32>
    %select_n3A_326 = arith.select %eq3A_323, %broadcast_in_dim3A_325, %select_n3A_310 : vector<256x2048xi1>, vector<256x2048xf32>
    %reduce_max3A_327 = arith.constant dense<0xFF800000> : vector<256xf32>
    %reduce_max3A_328 = vector.multi_reduction <maximumf>, %select_n3A_326, %reduce_max3A_327 [1] : vector<256x2048xf32> to vector<256xf32>
    %broadcast_in_dim3A_329 = vector.shape_cast %reduce_max3A_328 : vector<256xf32> to vector<256x1xf32>
    %eq3A_330 = vector.broadcast %broadcast_in_dim3A_329 : vector<256x1xf32> to vector<256x2048xf32>
    %eq3A_331 = arith.cmpf oeq, %select_n3A_326, %eq3A_330 : vector<256x2048xf32>
    %jit3A_332 = arith.constant 2048 : i32
    %broadcast_in_dim3A_333 = vector.broadcast %jit3A_332 : i32 to vector<256x2048xi32>
    %select_n3A_334 = arith.select %eq3A_331, %iota3A, %broadcast_in_dim3A_333 : vector<256x2048xi1>, vector<256x2048xi32>
    %reduce_min3A_335 = arith.constant dense<2147483647> : vector<256xi32>
    %reduce_min3A_336 = vector.multi_reduction <minsi>, %select_n3A_334, %reduce_min3A_335 [1] : vector<256x2048xi32> to vector<256xi32>
    %broadcast_in_dim3A_337 = vector.shape_cast %reduce_min3A_336 : vector<256xi32> to vector<256x1xi32>
    %concatenate3A = tpu.concatenate %broadcast_in_dim3A_33, %broadcast_in_dim3A_49, %broadcast_in_dim3A_65, %broadcast_in_dim3A_81, %broadcast_in_dim3A_97, %broadcast_in_dim3A_113, %broadcast_in_dim3A_129, %broadcast_in_dim3A_145, %broadcast_in_dim3A_161, %broadcast_in_dim3A_177, %broadcast_in_dim3A_193, %broadcast_in_dim3A_209, %broadcast_in_dim3A_225, %broadcast_in_dim3A_241, %broadcast_in_dim3A_257, %broadcast_in_dim3A_273, %broadcast_in_dim3A_289, %broadcast_in_dim3A_305, %broadcast_in_dim3A_321, %broadcast_in_dim3A_337 in 1 : vector<256x1xi32>, vector<256x1xi32>, vector<256x1xi32>, vector<256x1xi32>, vector<256x1xi32>, vector<256x1xi32>, vector<256x1xi32>, vector<256x1xi32>, vector<256x1xi32>, vector<256x1xi32>, vector<256x1xi32>, vector<256x1xi32>, vector<256x1xi32>, vector<256x1xi32>, vector<256x1xi32>, vector<256x1xi32>, vector<256x1xi32>, vector<256x1xi32>, vector<256x1xi32>, vector<256x1xi32> -> vector<256x20xi32>
    %add3A = vector.broadcast %mul3A_28 : i32 to vector<256x20xi32>
    %add3A_338 = arith.addi %concatenate3A, %add3A : vector<256x20xi32>
    %swap3A = arith.constant 0 : index
    %swap3A_339 = arith.constant 0 : index
    %swap3A_340 = arith.constant 0 : index
    %swap3A_341 = vector.load %arg6[%swap3A, %swap3A_339, %swap3A_340] : memref<1x256x20xi32, #tpu.memory_space<vmem>>, vector<1x256x20xi32>
    %swap3A_342 = vector.shape_cast %swap3A_341 : vector<1x256x20xi32> to vector<256x20xi32>
    %swap3A_343 = vector.shape_cast %add3A_338 : vector<256x20xi32> to vector<1x256x20xi32>
    tpu.vector_store %arg6[%swap3A, %swap3A_339, %swap3A_340], %swap3A_343 {strides = array<i32>} : memref<1x256x20xi32, #tpu.memory_space<vmem>>, vector<1x256x20xi32>,
    return
  }
  func.func @transform_0(%arg0: i32, %arg1: i32) -> (i32, i32, i32) {
    %c0_i32 = arith.constant 0 : i32
    %c0_i32_0 = arith.constant 0 : i32
    return %arg0, %arg1, %c0_i32 : i32, i32, i32
  }
  func.func @transform_1(%arg0: i32, %arg1: i32) -> (i32, i32, i32) {
    %c0_i32 = arith.constant 0 : i32
    %c0_i32_0 = arith.constant 0 : i32
    %c0_i32_1 = arith.constant 0 : i32
    return %arg0, %c0_i32, %c0_i32_0 : i32, i32, i32
  }
  func.func @transform_2(%arg0: i32, %arg1: i32) -> (i32, i32, i32) {
    %c0_i32 = arith.constant 0 : i32
    %c0_i32_0 = arith.constant 0 : i32
    %c0_i32_1 = arith.constant 0 : i32
    return %arg0, %c0_i32, %c0_i32_0 : i32, i32, i32
  }
  func.func @transform_3(%arg0: i32, %arg1: i32) -> (i32, i32, i32) {
    %c0_i32 = arith.constant 0 : i32
    %c0_i32_0 = arith.constant 0 : i32
    return %arg0, %arg1, %c0_i32 : i32, i32, i32
  }
  func.func @transform_4(%arg0: i32, %arg1: i32) -> (i32, i32, i32) {
    %c0_i32 = arith.constant 0 : i32
    %c0_i32_0 = arith.constant 0 : i32
    return %arg0, %arg1, %c0_i32 : i32, i32, i32
  }
}

module attributes {stable_mosaic.version = 14 : i64} {
  func.func @_conv_body(%arg0: i32, %arg1: memref<2560x64xf32, #tpu.memory_space<vmem>>, %arg2: memref<128x64xf32, #tpu.memory_space<vmem>>, %arg3: memref<128x64xf32, #tpu.memory_space<vmem>>, %arg4: memref<128x64xf32, #tpu.memory_space<vmem>>, %arg5: memref<1x64x2560xf32, #tpu.memory_space<vmem>>) attributes {dimension_semantics = [#tpu.dimension_semantics<arbitrary>], iteration_bounds = array<i64: 128>, scalar_prefetch = 0 : i64, scratch_operands = 0 : i64, tpu.core_type = #tpu.core_type<tc>, window_params = [{transform_indices = @transform_0, window_bounds = array<i64: 2560, 64>}, {transform_indices = @transform_1, window_bounds = array<i64: 128, 64>}, {pipeline_mode = #tpu.pipeline_mode<synchronous>, transform_indices = @transform_2, window_bounds = array<i64: 128, 64>}, {transform_indices = @transform_3, window_bounds = array<i64: 128, 64>}, {transform_indices = @transform_4, window_bounds = array<i64: 1, 64, 2560>}]} {
    %get3A = arith.constant 0 : index
    %get3A_0 = arith.constant 0 : index
    %get3A_1 = vector.load %arg1[%get3A, %get3A_0] : memref<2560x64xf32, #tpu.memory_space<vmem>>, vector<2560x64xf32>
    %get3A_2 = arith.constant 0 : index
    %get3A_3 = arith.constant 0 : index
    %get3A_4 = vector.load %arg2[%get3A_2, %get3A_3] : memref<128x64xf32, #tpu.memory_space<vmem>>, vector<128x64xf32>
    %broadcast_in_dim3A = vector.shape_cast %get3A_4 : vector<128x64xf32> to vector<128x1x64xf32>
    %broadcast_in_dim3A_5 = vector.shape_cast %broadcast_in_dim3A : vector<128x1x64xf32> to vector<128x1x64xf32>
    %broadcast_in_dim3A_6 = vector.broadcast %broadcast_in_dim3A_5 : vector<128x1x64xf32> to vector<128x20x64xf32>
    %reshape3A = vector.shape_cast %broadcast_in_dim3A_6 : vector<128x20x64xf32> to vector<2560x64xf32>
    %sub3A = arith.subf %get3A_1, %reshape3A : vector<2560x64xf32>
    %concatenate3A = tpu.concatenate %sub3A, %reshape3A in 1 : vector<2560x64xf32>, vector<2560x64xf32> -> vector<2560x128xf32>
    %get3A_7 = arith.constant 0 : index
    %get3A_8 = arith.constant 0 : index
    %get3A_9 = vector.load %arg3[%get3A_7, %get3A_8] : memref<128x64xf32, #tpu.memory_space<vmem>>, vector<128x64xf32>
    %dot_general3A = arith.constant dense<0.000000e+00> : vector<2560x64xf32>
    %dot_general3A_10 = tpu.matmul %concatenate3A, %get3A_9, %dot_general3A {dimension_numbers = #tpu.dot_dimension_numbers<[1], [0], [0], [1], [0, 0, 1, 1], [], []>, transpose_lhs_hint = false} : vector<2560x128xf32>, vector<128x64xf32>, vector<2560x64xf32> -> vector<2560x64xf32>
    %reshape3A_11 = vector.shape_cast %dot_general3A_10 : vector<2560x64xf32> to vector<128x20x64xf32>
    %reduce_max3A = arith.constant dense<0xFF800000> : vector<128x64xf32>
    %reduce_max3A_12 = vector.multi_reduction <maximumf>, %reshape3A_11, %reduce_max3A [1] : vector<128x20x64xf32> to vector<128x64xf32>
    %swap3A = arith.constant 0 : index
    %swap3A_13 = arith.constant 0 : index
    %swap3A_14 = vector.load %arg4[%swap3A, %swap3A_13] : memref<128x64xf32, #tpu.memory_space<vmem>>, vector<128x64xf32>
    tpu.vector_store %arg4[%swap3A, %swap3A_13], %reduce_max3A_12 {strides = array<i32>} : memref<128x64xf32, #tpu.memory_space<vmem>>, vector<128x64xf32>,
    %get3A_15 = arith.constant 0 : index
    %get3A_16 = arith.constant 0 : index
    %get3A_17 = vector.load %arg3[%get3A_15, %get3A_16] : memref<128x64xf32, #tpu.memory_space<vmem>>, vector<128x64xf32>
    %dot_general3A_18 = arith.constant dense<0.000000e+00> : vector<64x2560xf32>
    %dot_general3A_19 = tpu.matmul %get3A_17, %concatenate3A, %dot_general3A_18 {dimension_numbers = #tpu.dot_dimension_numbers<[0], [1], [1], [0], [0, 1, 1, 0], [], []>, transpose_lhs_hint = false} : vector<128x64xf32>, vector<2560x128xf32>, vector<64x2560xf32> -> vector<64x2560xf32>
    %broadcast_in_dim3A_20 = vector.shape_cast %dot_general3A_19 : vector<64x2560xf32> to vector<1x64x2560xf32>
    %swap3A_21 = arith.constant 0 : index
    %swap3A_22 = arith.constant 0 : index
    %swap3A_23 = arith.constant 0 : index
    %swap3A_24 = vector.load %arg5[%swap3A_21, %swap3A_22, %swap3A_23] : memref<1x64x2560xf32, #tpu.memory_space<vmem>>, vector<1x64x2560xf32>
    tpu.vector_store %arg5[%swap3A_21, %swap3A_22, %swap3A_23], %broadcast_in_dim3A_20 {strides = array<i32>} : memref<1x64x2560xf32, #tpu.memory_space<vmem>>, vector<1x64x2560xf32>,
    return
  }
  func.func @transform_0(%arg0: i32) -> (i32, i32) {
    %c0_i32 = arith.constant 0 : i32
    %c0_i32_0 = arith.constant 0 : i32
    return %arg0, %c0_i32 : i32, i32
  }
  func.func @transform_1(%arg0: i32) -> (i32, i32) {
    %c0_i32 = arith.constant 0 : i32
    %c0_i32_0 = arith.constant 0 : i32
    return %arg0, %c0_i32 : i32, i32
  }
  func.func @transform_2(%arg0: i32) -> (i32, i32) {
    %c0_i32 = arith.constant 0 : i32
    %c0_i32_0 = arith.constant 0 : i32
    %c0_i32_1 = arith.constant 0 : i32
    return %c0_i32, %c0_i32_0 : i32, i32
  }
  func.func @transform_3(%arg0: i32) -> (i32, i32) {
    %c0_i32 = arith.constant 0 : i32
    %c0_i32_0 = arith.constant 0 : i32
    return %arg0, %c0_i32 : i32, i32
  }
  func.func @transform_4(%arg0: i32) -> (i32, i32, i32) {
    %jit3A = arith.constant 16 : i32
    %div3A = arith.divsi %arg0, %jit3A : i32
    %sign3A = arith.constant 0 : i32
    %sign3A_0 = arith.cmpi sgt, %arg0, %sign3A : i32
    %sign3A_1 = arith.extui %sign3A_0 : i1 to i32
    %sign3A_2 = arith.constant 0 : i32
    %sign3A_3 = arith.cmpi slt, %arg0, %sign3A_2 : i32
    %sign3A_4 = arith.extui %sign3A_3 : i1 to i32
    %sign3A_5 = arith.subi %sign3A_1, %sign3A_4 : i32
    %sign3A_6 = arith.constant 0 : i32
    %sign3A_7 = arith.cmpi sgt, %jit3A, %sign3A_6 : i32
    %sign3A_8 = arith.extui %sign3A_7 : i1 to i32
    %sign3A_9 = arith.constant 0 : i32
    %sign3A_10 = arith.cmpi slt, %jit3A, %sign3A_9 : i32
    %sign3A_11 = arith.extui %sign3A_10 : i1 to i32
    %sign3A_12 = arith.subi %sign3A_8, %sign3A_11 : i32
    %ne3A = arith.cmpi ne, %sign3A_5, %sign3A_12 : i32
    %rem3A = arith.remsi %arg0, %jit3A : i32
    %ne3A_13 = arith.constant 0 : i32
    %ne3A_14 = arith.cmpi ne, %rem3A, %ne3A_13 : i32
    %and3A = arith.andi %ne3A, %ne3A_14 : i1
    %sub3A = arith.constant 1 : i32
    %sub3A_15 = arith.subi %div3A, %sub3A : i32
    %select_n3A = arith.select %and3A, %sub3A_15, %div3A : i32
    %jit3A_16 = arith.constant 16 : i32
    %eq3A = arith.constant 0 : i32
    %eq3A_17 = arith.cmpi eq, %jit3A_16, %eq3A : i32
    %jit3A_18 = arith.constant 1 : i32
    %select_n3A_19 = arith.select %eq3A_17, %jit3A_18, %jit3A_16 : i32
    %rem3A_20 = arith.remsi %arg0, %select_n3A_19 : i32
    %ne3A_21 = arith.constant 0 : i32
    %ne3A_22 = arith.cmpi ne, %rem3A_20, %ne3A_21 : i32
    %lt3A = arith.constant 0 : i32
    %lt3A_23 = arith.cmpi slt, %rem3A_20, %lt3A : i32
    %lt3A_24 = arith.constant 0 : i32
    %lt3A_25 = arith.cmpi slt, %select_n3A_19, %lt3A_24 : i32
    %ne3A_26 = arith.xori %lt3A_23, %lt3A_25 : i1
    %and3A_27 = arith.andi %ne3A_26, %ne3A_22 : i1
    %add3A = arith.addi %rem3A_20, %select_n3A_19 : i32
    %select_n3A_28 = arith.select %and3A_27, %add3A, %rem3A_20 : i32
    %c0_i32 = arith.constant 0 : i32
    %c0_i32_29 = arith.constant 0 : i32
    return %select_n3A, %c0_i32, %select_n3A_28 : i32, i32, i32
  }
}

module attributes {stable_mosaic.version = 14 : i64} {
  func.func @_conv_body(%arg0: i32, %arg1: memref<2560x64xf32, #tpu.memory_space<vmem>>, %arg2: memref<128x64xf32, #tpu.memory_space<vmem>>, %arg3: memref<128x128xf32, #tpu.memory_space<vmem>>, %arg4: memref<128x128xf32, #tpu.memory_space<vmem>>, %arg5: memref<1x128x2560xf32, #tpu.memory_space<vmem>>) attributes {dimension_semantics = [#tpu.dimension_semantics<arbitrary>], iteration_bounds = array<i64: 128>, scalar_prefetch = 0 : i64, scratch_operands = 0 : i64, tpu.core_type = #tpu.core_type<tc>, window_params = [{transform_indices = @transform_0, window_bounds = array<i64: 2560, 64>}, {transform_indices = @transform_1, window_bounds = array<i64: 128, 64>}, {pipeline_mode = #tpu.pipeline_mode<synchronous>, transform_indices = @transform_2, window_bounds = array<i64: 128, 128>}, {transform_indices = @transform_3, window_bounds = array<i64: 128, 128>}, {transform_indices = @transform_4, window_bounds = array<i64: 1, 128, 2560>}]} {
    %get3A = arith.constant 0 : index
    %get3A_0 = arith.constant 0 : index
    %get3A_1 = vector.load %arg1[%get3A, %get3A_0] : memref<2560x64xf32, #tpu.memory_space<vmem>>, vector<2560x64xf32>
    %get3A_2 = arith.constant 0 : index
    %get3A_3 = arith.constant 0 : index
    %get3A_4 = vector.load %arg2[%get3A_2, %get3A_3] : memref<128x64xf32, #tpu.memory_space<vmem>>, vector<128x64xf32>
    %broadcast_in_dim3A = vector.shape_cast %get3A_4 : vector<128x64xf32> to vector<128x1x64xf32>
    %broadcast_in_dim3A_5 = vector.shape_cast %broadcast_in_dim3A : vector<128x1x64xf32> to vector<128x1x64xf32>
    %broadcast_in_dim3A_6 = vector.broadcast %broadcast_in_dim3A_5 : vector<128x1x64xf32> to vector<128x20x64xf32>
    %reshape3A = vector.shape_cast %broadcast_in_dim3A_6 : vector<128x20x64xf32> to vector<2560x64xf32>
    %sub3A = arith.subf %get3A_1, %reshape3A : vector<2560x64xf32>
    %concatenate3A = tpu.concatenate %sub3A, %reshape3A in 1 : vector<2560x64xf32>, vector<2560x64xf32> -> vector<2560x128xf32>
    %get3A_7 = arith.constant 0 : index
    %get3A_8 = arith.constant 0 : index
    %get3A_9 = vector.load %arg3[%get3A_7, %get3A_8] : memref<128x128xf32, #tpu.memory_space<vmem>>, vector<128x128xf32>
    %dot_general3A = arith.constant dense<0.000000e+00> : vector<2560x128xf32>
    %dot_general3A_10 = tpu.matmul %concatenate3A, %get3A_9, %dot_general3A {dimension_numbers = #tpu.dot_dimension_numbers<[1], [0], [0], [1], [0, 0, 1, 1], [], []>, transpose_lhs_hint = false} : vector<2560x128xf32>, vector<128x128xf32>, vector<2560x128xf32> -> vector<2560x128xf32>
    %reshape3A_11 = vector.shape_cast %dot_general3A_10 : vector<2560x128xf32> to vector<128x20x128xf32>
    %reduce_max3A = arith.constant dense<0xFF800000> : vector<128x128xf32>
    %reduce_max3A_12 = vector.multi_reduction <maximumf>, %reshape3A_11, %reduce_max3A [1] : vector<128x20x128xf32> to vector<128x128xf32>
    %swap3A = arith.constant 0 : index
    %swap3A_13 = arith.constant 0 : index
    %swap3A_14 = vector.load %arg4[%swap3A, %swap3A_13] : memref<128x128xf32, #tpu.memory_space<vmem>>, vector<128x128xf32>
    tpu.vector_store %arg4[%swap3A, %swap3A_13], %reduce_max3A_12 {strides = array<i32>} : memref<128x128xf32, #tpu.memory_space<vmem>>, vector<128x128xf32>,
    %get3A_15 = arith.constant 0 : index
    %get3A_16 = arith.constant 0 : index
    %get3A_17 = vector.load %arg3[%get3A_15, %get3A_16] : memref<128x128xf32, #tpu.memory_space<vmem>>, vector<128x128xf32>
    %dot_general3A_18 = arith.constant dense<0.000000e+00> : vector<128x2560xf32>
    %dot_general3A_19 = tpu.matmul %get3A_17, %concatenate3A, %dot_general3A_18 {dimension_numbers = #tpu.dot_dimension_numbers<[0], [1], [1], [0], [0, 1, 1, 0], [], []>, transpose_lhs_hint = false} : vector<128x128xf32>, vector<2560x128xf32>, vector<128x2560xf32> -> vector<128x2560xf32>
    %broadcast_in_dim3A_20 = vector.shape_cast %dot_general3A_19 : vector<128x2560xf32> to vector<1x128x2560xf32>
    %swap3A_21 = arith.constant 0 : index
    %swap3A_22 = arith.constant 0 : index
    %swap3A_23 = arith.constant 0 : index
    %swap3A_24 = vector.load %arg5[%swap3A_21, %swap3A_22, %swap3A_23] : memref<1x128x2560xf32, #tpu.memory_space<vmem>>, vector<1x128x2560xf32>
    tpu.vector_store %arg5[%swap3A_21, %swap3A_22, %swap3A_23], %broadcast_in_dim3A_20 {strides = array<i32>} : memref<1x128x2560xf32, #tpu.memory_space<vmem>>, vector<1x128x2560xf32>,
    return
  }
  func.func @transform_0(%arg0: i32) -> (i32, i32) {
    %c0_i32 = arith.constant 0 : i32
    %c0_i32_0 = arith.constant 0 : i32
    return %arg0, %c0_i32 : i32, i32
  }
  func.func @transform_1(%arg0: i32) -> (i32, i32) {
    %c0_i32 = arith.constant 0 : i32
    %c0_i32_0 = arith.constant 0 : i32
    return %arg0, %c0_i32 : i32, i32
  }
  func.func @transform_2(%arg0: i32) -> (i32, i32) {
    %c0_i32 = arith.constant 0 : i32
    %c0_i32_0 = arith.constant 0 : i32
    %c0_i32_1 = arith.constant 0 : i32
    return %c0_i32, %c0_i32_0 : i32, i32
  }
  func.func @transform_3(%arg0: i32) -> (i32, i32) {
    %c0_i32 = arith.constant 0 : i32
    %c0_i32_0 = arith.constant 0 : i32
    return %arg0, %c0_i32 : i32, i32
  }
  func.func @transform_4(%arg0: i32) -> (i32, i32, i32) {
    %jit3A = arith.constant 16 : i32
    %div3A = arith.divsi %arg0, %jit3A : i32
    %sign3A = arith.constant 0 : i32
    %sign3A_0 = arith.cmpi sgt, %arg0, %sign3A : i32
    %sign3A_1 = arith.extui %sign3A_0 : i1 to i32
    %sign3A_2 = arith.constant 0 : i32
    %sign3A_3 = arith.cmpi slt, %arg0, %sign3A_2 : i32
    %sign3A_4 = arith.extui %sign3A_3 : i1 to i32
    %sign3A_5 = arith.subi %sign3A_1, %sign3A_4 : i32
    %sign3A_6 = arith.constant 0 : i32
    %sign3A_7 = arith.cmpi sgt, %jit3A, %sign3A_6 : i32
    %sign3A_8 = arith.extui %sign3A_7 : i1 to i32
    %sign3A_9 = arith.constant 0 : i32
    %sign3A_10 = arith.cmpi slt, %jit3A, %sign3A_9 : i32
    %sign3A_11 = arith.extui %sign3A_10 : i1 to i32
    %sign3A_12 = arith.subi %sign3A_8, %sign3A_11 : i32
    %ne3A = arith.cmpi ne, %sign3A_5, %sign3A_12 : i32
    %rem3A = arith.remsi %arg0, %jit3A : i32
    %ne3A_13 = arith.constant 0 : i32
    %ne3A_14 = arith.cmpi ne, %rem3A, %ne3A_13 : i32
    %and3A = arith.andi %ne3A, %ne3A_14 : i1
    %sub3A = arith.constant 1 : i32
    %sub3A_15 = arith.subi %div3A, %sub3A : i32
    %select_n3A = arith.select %and3A, %sub3A_15, %div3A : i32
    %jit3A_16 = arith.constant 16 : i32
    %eq3A = arith.constant 0 : i32
    %eq3A_17 = arith.cmpi eq, %jit3A_16, %eq3A : i32
    %jit3A_18 = arith.constant 1 : i32
    %select_n3A_19 = arith.select %eq3A_17, %jit3A_18, %jit3A_16 : i32
    %rem3A_20 = arith.remsi %arg0, %select_n3A_19 : i32
    %ne3A_21 = arith.constant 0 : i32
    %ne3A_22 = arith.cmpi ne, %rem3A_20, %ne3A_21 : i32
    %lt3A = arith.constant 0 : i32
    %lt3A_23 = arith.cmpi slt, %rem3A_20, %lt3A : i32
    %lt3A_24 = arith.constant 0 : i32
    %lt3A_25 = arith.cmpi slt, %select_n3A_19, %lt3A_24 : i32
    %ne3A_26 = arith.xori %lt3A_23, %lt3A_25 : i1
    %and3A_27 = arith.andi %ne3A_26, %ne3A_22 : i1
    %add3A = arith.addi %rem3A_20, %select_n3A_19 : i32
    %select_n3A_28 = arith.select %and3A_27, %add3A, %rem3A_20 : i32
    %c0_i32 = arith.constant 0 : i32
    %c0_i32_29 = arith.constant 0 : i32
    return %select_n3A, %c0_i32, %select_n3A_28 : i32, i32, i32
  }
}

module attributes {stable_mosaic.version = 14 : i64} {
  func.func @_edge_norm_body(%arg0: i32, %arg1: memref<2048x128xf32, #tpu.memory_space<vmem>>, %arg2: memref<128xf32, #tpu.memory_space<vmem>>, %arg3: memref<128xf32, #tpu.memory_space<vmem>>, %arg4: memref<128xf32, #tpu.memory_space<vmem>>, %arg5: memref<128xf32, #tpu.memory_space<vmem>>, %arg6: memref<2048x128xf32, #tpu.memory_space<vmem>>) attributes {dimension_semantics = [#tpu.dimension_semantics<arbitrary>], iteration_bounds = array<i64: 8>, scalar_prefetch = 0 : i64, scratch_operands = 0 : i64, tpu.core_type = #tpu.core_type<tc>, window_params = [{transform_indices = @transform_0, window_bounds = array<i64: 2048, 128>}, {pipeline_mode = #tpu.pipeline_mode<synchronous>, transform_indices = @transform_1, window_bounds = array<i64: 128>}, {pipeline_mode = #tpu.pipeline_mode<synchronous>, transform_indices = @transform_2, window_bounds = array<i64: 128>}, {pipeline_mode = #tpu.pipeline_mode<synchronous>, transform_indices = @transform_3, window_bounds = array<i64: 128>}, {pipeline_mode = #tpu.pipeline_mode<synchronous>, transform_indices = @transform_4, window_bounds = array<i64: 128>}, {transform_indices = @transform_5, window_bounds = array<i64: 2048, 128>}]} {
    %get3A = arith.constant 0 : index
    %get3A_0 = arith.constant 0 : index
    %get3A_1 = vector.load %arg1[%get3A, %get3A_0] : memref<2048x128xf32, #tpu.memory_space<vmem>>, vector<2048x128xf32>
    %get3A_2 = arith.constant 0 : index
    %get3A_3 = vector.load %arg2[%get3A_2] : memref<128xf32, #tpu.memory_space<vmem>>, vector<128xf32>
    %broadcast_in_dim3A = vector.shape_cast %get3A_3 : vector<128xf32> to vector<1x128xf32>
    %sub3A = vector.broadcast %broadcast_in_dim3A : vector<1x128xf32> to vector<2048x128xf32>
    %sub3A_4 = arith.subf %get3A_1, %sub3A : vector<2048x128xf32>
    %get3A_5 = arith.constant 0 : index
    %get3A_6 = vector.load %arg3[%get3A_5] : memref<128xf32, #tpu.memory_space<vmem>>, vector<128xf32>
    %broadcast_in_dim3A_7 = vector.shape_cast %get3A_6 : vector<128xf32> to vector<1x128xf32>
    %add3A = arith.constant 9.99999974E-6 : f32
    %add3A_8 = vector.broadcast %add3A : f32 to vector<1x128xf32>
    %add3A_9 = arith.addf %broadcast_in_dim3A_7, %add3A_8 : vector<1x128xf32>
    %sqrt3A = math.sqrt %add3A_9 : vector<1x128xf32>
    %div3A = vector.broadcast %sqrt3A : vector<1x128xf32> to vector<2048x128xf32>
    %div3A_10 = arith.divf %sub3A_4, %div3A : vector<2048x128xf32>
    %get3A_11 = arith.constant 0 : index
    %get3A_12 = vector.load %arg4[%get3A_11] : memref<128xf32, #tpu.memory_space<vmem>>, vector<128xf32>
    %broadcast_in_dim3A_13 = vector.shape_cast %get3A_12 : vector<128xf32> to vector<1x128xf32>
    %mul3A = vector.broadcast %broadcast_in_dim3A_13 : vector<1x128xf32> to vector<2048x128xf32>
    %mul3A_14 = arith.mulf %div3A_10, %mul3A : vector<2048x128xf32>
    %get3A_15 = arith.constant 0 : index
    %get3A_16 = vector.load %arg5[%get3A_15] : memref<128xf32, #tpu.memory_space<vmem>>, vector<128xf32>
    %broadcast_in_dim3A_17 = vector.shape_cast %get3A_16 : vector<128xf32> to vector<1x128xf32>
    %add3A_18 = vector.broadcast %broadcast_in_dim3A_17 : vector<1x128xf32> to vector<2048x128xf32>
    %add3A_19 = arith.addf %mul3A_14, %add3A_18 : vector<2048x128xf32>
    %ge3A = arith.constant 0.000000e+00 : f32
    %ge3A_20 = vector.broadcast %ge3A : f32 to vector<2048x128xf32>
    %ge3A_21 = arith.cmpf oge, %add3A_19, %ge3A_20 : vector<2048x128xf32>
    %mul3A_22 = arith.constant 2.000000e-01 : f32
    %mul3A_23 = vector.broadcast %mul3A_22 : f32 to vector<2048x128xf32>
    %mul3A_24 = arith.mulf %mul3A_23, %add3A_19 : vector<2048x128xf32>
    %select_n3A = arith.select %ge3A_21, %add3A_19, %mul3A_24 : vector<2048x128xi1>, vector<2048x128xf32>
    %swap3A = arith.constant 0 : index
    %swap3A_25 = arith.constant 0 : index
    %swap3A_26 = vector.load %arg6[%swap3A, %swap3A_25] : memref<2048x128xf32, #tpu.memory_space<vmem>>, vector<2048x128xf32>
    tpu.vector_store %arg6[%swap3A, %swap3A_25], %select_n3A {strides = array<i32>} : memref<2048x128xf32, #tpu.memory_space<vmem>>, vector<2048x128xf32>,
    return
  }
  func.func @transform_0(%arg0: i32) -> (i32, i32) {
    %c0_i32 = arith.constant 0 : i32
    %c0_i32_0 = arith.constant 0 : i32
    return %arg0, %c0_i32 : i32, i32
  }
  func.func @transform_1(%arg0: i32) -> i32 {
    %c0_i32 = arith.constant 0 : i32
    %c0_i32_0 = arith.constant 0 : i32
    return %c0_i32 : i32
  }
  func.func @transform_2(%arg0: i32) -> i32 {
    %c0_i32 = arith.constant 0 : i32
    %c0_i32_0 = arith.constant 0 : i32
    return %c0_i32 : i32
  }
  func.func @transform_3(%arg0: i32) -> i32 {
    %c0_i32 = arith.constant 0 : i32
    %c0_i32_0 = arith.constant 0 : i32
    return %c0_i32 : i32
  }
  func.func @transform_4(%arg0: i32) -> i32 {
    %c0_i32 = arith.constant 0 : i32
    %c0_i32_0 = arith.constant 0 : i32
    return %c0_i32 : i32
  }
  func.func @transform_5(%arg0: i32) -> (i32, i32) {
    %c0_i32 = arith.constant 0 : i32
    %c0_i32_0 = arith.constant 0 : i32
    return %arg0, %c0_i32 : i32, i32
  }
}

module attributes {stable_mosaic.version = 14 : i64} {
  func.func @_knn_body(%arg0: i32, %arg1: i32, %arg2: memref<1x256x128xf32, #tpu.memory_space<vmem>>, %arg3: memref<1x128x2048xf32, #tpu.memory_space<vmem>>, %arg4: memref<1x1x2048xf32, #tpu.memory_space<vmem>>, %arg5: memref<1x256x1xf32, #tpu.memory_space<vmem>>, %arg6: memref<1x256x20xi32, #tpu.memory_space<vmem>>) attributes {dimension_semantics = [#tpu.dimension_semantics<arbitrary>, #tpu.dimension_semantics<arbitrary>], iteration_bounds = array<i64: 8, 8>, scalar_prefetch = 0 : i64, scratch_operands = 0 : i64, tpu.core_type = #tpu.core_type<tc>, window_params = [{transform_indices = @transform_0, window_bounds = array<i64: 1, 256, 128>}, {transform_indices = @transform_1, window_bounds = array<i64: 1, 128, 2048>}, {transform_indices = @transform_2, window_bounds = array<i64: 1, 1, 2048>}, {transform_indices = @transform_3, window_bounds = array<i64: 1, 256, 1>}, {transform_indices = @transform_4, window_bounds = array<i64: 1, 256, 20>}]} {
    %get3A = arith.constant 0 : index
    %get3A_0 = arith.constant 0 : index
    %get3A_1 = arith.constant 0 : index
    %get3A_2 = vector.load %arg2[%get3A, %get3A_0, %get3A_1] : memref<1x256x128xf32, #tpu.memory_space<vmem>>, vector<1x256x128xf32>
    %get3A_3 = vector.shape_cast %get3A_2 : vector<1x256x128xf32> to vector<256x128xf32>
    %get3A_4 = arith.constant 0 : index
    %get3A_5 = arith.constant 0 : index
    %get3A_6 = arith.constant 0 : index
    %get3A_7 = vector.load %arg3[%get3A_4, %get3A_5, %get3A_6] : memref<1x128x2048xf32, #tpu.memory_space<vmem>>, vector<1x128x2048xf32>
    %get3A_8 = vector.shape_cast %get3A_7 : vector<1x128x2048xf32> to vector<128x2048xf32>
    %dot_general3A = arith.constant dense<0.000000e+00> : vector<256x2048xf32>
    %dot_general3A_9 = tpu.matmul %get3A_3, %get3A_8, %dot_general3A {dimension_numbers = #tpu.dot_dimension_numbers<[1], [0], [0], [1], [0, 0, 1, 1], [], []>, transpose_lhs_hint = false} : vector<256x128xf32>, vector<128x2048xf32>, vector<256x2048xf32> -> vector<256x2048xf32>
    %mul3A = arith.constant -2.000000e+00 : f32
    %mul3A_10 = vector.broadcast %mul3A : f32 to vector<256x2048xf32>
    %mul3A_11 = arith.mulf %mul3A_10, %dot_general3A_9 : vector<256x2048xf32>
    %get3A_12 = arith.constant 0 : index
    %get3A_13 = arith.constant 0 : index
    %get3A_14 = arith.constant 0 : index
    %get3A_15 = vector.load %arg4[%get3A_12, %get3A_13, %get3A_14] : memref<1x1x2048xf32, #tpu.memory_space<vmem>>, vector<1x1x2048xf32>
    %get3A_16 = vector.shape_cast %get3A_15 : vector<1x1x2048xf32> to vector<1x2048xf32>
    %neg3A = arith.constant 0.000000e+00 : f32
    %neg3A_17 = vector.broadcast %neg3A : f32 to vector<1x2048xf32>
    %neg3A_18 = arith.subf %neg3A_17, %get3A_16 : vector<1x2048xf32>
    %sub3A = vector.broadcast %neg3A_18 : vector<1x2048xf32> to vector<256x2048xf32>
    %sub3A_19 = arith.subf %sub3A, %mul3A_11 : vector<256x2048xf32>
    %get3A_20 = arith.constant 0 : index
    %get3A_21 = arith.constant 0 : index
    %get3A_22 = arith.constant 0 : index
    %get3A_23 = vector.load %arg5[%get3A_20, %get3A_21, %get3A_22] : memref<1x256x1xf32, #tpu.memory_space<vmem>>, vector<1x256x1xf32>
    %get3A_24 = vector.shape_cast %get3A_23 : vector<1x256x1xf32> to vector<256x1xf32>
    %sub3A_25 = vector.broadcast %get3A_24 : vector<256x1xf32> to vector<256x2048xf32>
    %sub3A_26 = arith.subf %sub3A_19, %sub3A_25 : vector<256x2048xf32>
    %iota3A = tpu.iota {dimensions = array<i32: 1>} : vector<256x2048xi32>
    %mul3A_27 = arith.constant 2048 : i32
    %mul3A_28 = arith.muli %arg0, %mul3A_27 : i32
    %reduce_max3A = arith.constant dense<0xFF800000> : vector<256xf32>
    %reduce_max3A_29 = vector.multi_reduction <maximumf>, %sub3A_26, %reduce_max3A [1] : vector<256x2048xf32> to vector<256xf32>
    %broadcast_in_dim3A = vector.shape_cast %reduce_max3A_29 : vector<256xf32> to vector<256x1xf32>
    %eq3A = vector.broadcast %broadcast_in_dim3A : vector<256x1xf32> to vector<256x2048xf32>
    %eq3A_30 = arith.cmpf oeq, %sub3A_26, %eq3A : vector<256x2048xf32>
    %jit3A = arith.constant 2048 : i32
    %broadcast_in_dim3A_31 = vector.broadcast %jit3A : i32 to vector<256x2048xi32>
    %select_n3A = arith.select %eq3A_30, %iota3A, %broadcast_in_dim3A_31 : vector<256x2048xi1>, vector<256x2048xi32>
    %reduce_min3A = arith.constant dense<2147483647> : vector<256xi32>
    %reduce_min3A_32 = vector.multi_reduction <minsi>, %select_n3A, %reduce_min3A [1] : vector<256x2048xi32> to vector<256xi32>
    %broadcast_in_dim3A_33 = vector.shape_cast %reduce_min3A_32 : vector<256xi32> to vector<256x1xi32>
    %eq3A_34 = vector.broadcast %broadcast_in_dim3A_33 : vector<256x1xi32> to vector<256x2048xi32>
    %eq3A_35 = arith.cmpi eq, %iota3A, %eq3A_34 : vector<256x2048xi32>
    %jit3A_36 = arith.constant 0xFF800000 : f32
    %broadcast_in_dim3A_37 = vector.broadcast %jit3A_36 : f32 to vector<256x2048xf32>
    %select_n3A_38 = arith.select %eq3A_35, %broadcast_in_dim3A_37, %sub3A_26 : vector<256x2048xi1>, vector<256x2048xf32>
    %reduce_max3A_39 = arith.constant dense<0xFF800000> : vector<256xf32>
    %reduce_max3A_40 = vector.multi_reduction <maximumf>, %select_n3A_38, %reduce_max3A_39 [1] : vector<256x2048xf32> to vector<256xf32>
    %broadcast_in_dim3A_41 = vector.shape_cast %reduce_max3A_40 : vector<256xf32> to vector<256x1xf32>
    %eq3A_42 = vector.broadcast %broadcast_in_dim3A_41 : vector<256x1xf32> to vector<256x2048xf32>
    %eq3A_43 = arith.cmpf oeq, %select_n3A_38, %eq3A_42 : vector<256x2048xf32>
    %jit3A_44 = arith.constant 2048 : i32
    %broadcast_in_dim3A_45 = vector.broadcast %jit3A_44 : i32 to vector<256x2048xi32>
    %select_n3A_46 = arith.select %eq3A_43, %iota3A, %broadcast_in_dim3A_45 : vector<256x2048xi1>, vector<256x2048xi32>
    %reduce_min3A_47 = arith.constant dense<2147483647> : vector<256xi32>
    %reduce_min3A_48 = vector.multi_reduction <minsi>, %select_n3A_46, %reduce_min3A_47 [1] : vector<256x2048xi32> to vector<256xi32>
    %broadcast_in_dim3A_49 = vector.shape_cast %reduce_min3A_48 : vector<256xi32> to vector<256x1xi32>
    %eq3A_50 = vector.broadcast %broadcast_in_dim3A_49 : vector<256x1xi32> to vector<256x2048xi32>
    %eq3A_51 = arith.cmpi eq, %iota3A, %eq3A_50 : vector<256x2048xi32>
    %jit3A_52 = arith.constant 0xFF800000 : f32
    %broadcast_in_dim3A_53 = vector.broadcast %jit3A_52 : f32 to vector<256x2048xf32>
    %select_n3A_54 = arith.select %eq3A_51, %broadcast_in_dim3A_53, %select_n3A_38 : vector<256x2048xi1>, vector<256x2048xf32>
    %reduce_max3A_55 = arith.constant dense<0xFF800000> : vector<256xf32>
    %reduce_max3A_56 = vector.multi_reduction <maximumf>, %select_n3A_54, %reduce_max3A_55 [1] : vector<256x2048xf32> to vector<256xf32>
    %broadcast_in_dim3A_57 = vector.shape_cast %reduce_max3A_56 : vector<256xf32> to vector<256x1xf32>
    %eq3A_58 = vector.broadcast %broadcast_in_dim3A_57 : vector<256x1xf32> to vector<256x2048xf32>
    %eq3A_59 = arith.cmpf oeq, %select_n3A_54, %eq3A_58 : vector<256x2048xf32>
    %jit3A_60 = arith.constant 2048 : i32
    %broadcast_in_dim3A_61 = vector.broadcast %jit3A_60 : i32 to vector<256x2048xi32>
    %select_n3A_62 = arith.select %eq3A_59, %iota3A, %broadcast_in_dim3A_61 : vector<256x2048xi1>, vector<256x2048xi32>
    %reduce_min3A_63 = arith.constant dense<2147483647> : vector<256xi32>
    %reduce_min3A_64 = vector.multi_reduction <minsi>, %select_n3A_62, %reduce_min3A_63 [1] : vector<256x2048xi32> to vector<256xi32>
    %broadcast_in_dim3A_65 = vector.shape_cast %reduce_min3A_64 : vector<256xi32> to vector<256x1xi32>
    %eq3A_66 = vector.broadcast %broadcast_in_dim3A_65 : vector<256x1xi32> to vector<256x2048xi32>
    %eq3A_67 = arith.cmpi eq, %iota3A, %eq3A_66 : vector<256x2048xi32>
    %jit3A_68 = arith.constant 0xFF800000 : f32
    %broadcast_in_dim3A_69 = vector.broadcast %jit3A_68 : f32 to vector<256x2048xf32>
    %select_n3A_70 = arith.select %eq3A_67, %broadcast_in_dim3A_69, %select_n3A_54 : vector<256x2048xi1>, vector<256x2048xf32>
    %reduce_max3A_71 = arith.constant dense<0xFF800000> : vector<256xf32>
    %reduce_max3A_72 = vector.multi_reduction <maximumf>, %select_n3A_70, %reduce_max3A_71 [1] : vector<256x2048xf32> to vector<256xf32>
    %broadcast_in_dim3A_73 = vector.shape_cast %reduce_max3A_72 : vector<256xf32> to vector<256x1xf32>
    %eq3A_74 = vector.broadcast %broadcast_in_dim3A_73 : vector<256x1xf32> to vector<256x2048xf32>
    %eq3A_75 = arith.cmpf oeq, %select_n3A_70, %eq3A_74 : vector<256x2048xf32>
    %jit3A_76 = arith.constant 2048 : i32
    %broadcast_in_dim3A_77 = vector.broadcast %jit3A_76 : i32 to vector<256x2048xi32>
    %select_n3A_78 = arith.select %eq3A_75, %iota3A, %broadcast_in_dim3A_77 : vector<256x2048xi1>, vector<256x2048xi32>
    %reduce_min3A_79 = arith.constant dense<2147483647> : vector<256xi32>
    %reduce_min3A_80 = vector.multi_reduction <minsi>, %select_n3A_78, %reduce_min3A_79 [1] : vector<256x2048xi32> to vector<256xi32>
    %broadcast_in_dim3A_81 = vector.shape_cast %reduce_min3A_80 : vector<256xi32> to vector<256x1xi32>
    %eq3A_82 = vector.broadcast %broadcast_in_dim3A_81 : vector<256x1xi32> to vector<256x2048xi32>
    %eq3A_83 = arith.cmpi eq, %iota3A, %eq3A_82 : vector<256x2048xi32>
    %jit3A_84 = arith.constant 0xFF800000 : f32
    %broadcast_in_dim3A_85 = vector.broadcast %jit3A_84 : f32 to vector<256x2048xf32>
    %select_n3A_86 = arith.select %eq3A_83, %broadcast_in_dim3A_85, %select_n3A_70 : vector<256x2048xi1>, vector<256x2048xf32>
    %reduce_max3A_87 = arith.constant dense<0xFF800000> : vector<256xf32>
    %reduce_max3A_88 = vector.multi_reduction <maximumf>, %select_n3A_86, %reduce_max3A_87 [1] : vector<256x2048xf32> to vector<256xf32>
    %broadcast_in_dim3A_89 = vector.shape_cast %reduce_max3A_88 : vector<256xf32> to vector<256x1xf32>
    %eq3A_90 = vector.broadcast %broadcast_in_dim3A_89 : vector<256x1xf32> to vector<256x2048xf32>
    %eq3A_91 = arith.cmpf oeq, %select_n3A_86, %eq3A_90 : vector<256x2048xf32>
    %jit3A_92 = arith.constant 2048 : i32
    %broadcast_in_dim3A_93 = vector.broadcast %jit3A_92 : i32 to vector<256x2048xi32>
    %select_n3A_94 = arith.select %eq3A_91, %iota3A, %broadcast_in_dim3A_93 : vector<256x2048xi1>, vector<256x2048xi32>
    %reduce_min3A_95 = arith.constant dense<2147483647> : vector<256xi32>
    %reduce_min3A_96 = vector.multi_reduction <minsi>, %select_n3A_94, %reduce_min3A_95 [1] : vector<256x2048xi32> to vector<256xi32>
    %broadcast_in_dim3A_97 = vector.shape_cast %reduce_min3A_96 : vector<256xi32> to vector<256x1xi32>
    %eq3A_98 = vector.broadcast %broadcast_in_dim3A_97 : vector<256x1xi32> to vector<256x2048xi32>
    %eq3A_99 = arith.cmpi eq, %iota3A, %eq3A_98 : vector<256x2048xi32>
    %jit3A_100 = arith.constant 0xFF800000 : f32
    %broadcast_in_dim3A_101 = vector.broadcast %jit3A_100 : f32 to vector<256x2048xf32>
    %select_n3A_102 = arith.select %eq3A_99, %broadcast_in_dim3A_101, %select_n3A_86 : vector<256x2048xi1>, vector<256x2048xf32>
    %reduce_max3A_103 = arith.constant dense<0xFF800000> : vector<256xf32>
    %reduce_max3A_104 = vector.multi_reduction <maximumf>, %select_n3A_102, %reduce_max3A_103 [1] : vector<256x2048xf32> to vector<256xf32>
    %broadcast_in_dim3A_105 = vector.shape_cast %reduce_max3A_104 : vector<256xf32> to vector<256x1xf32>
    %eq3A_106 = vector.broadcast %broadcast_in_dim3A_105 : vector<256x1xf32> to vector<256x2048xf32>
    %eq3A_107 = arith.cmpf oeq, %select_n3A_102, %eq3A_106 : vector<256x2048xf32>
    %jit3A_108 = arith.constant 2048 : i32
    %broadcast_in_dim3A_109 = vector.broadcast %jit3A_108 : i32 to vector<256x2048xi32>
    %select_n3A_110 = arith.select %eq3A_107, %iota3A, %broadcast_in_dim3A_109 : vector<256x2048xi1>, vector<256x2048xi32>
    %reduce_min3A_111 = arith.constant dense<2147483647> : vector<256xi32>
    %reduce_min3A_112 = vector.multi_reduction <minsi>, %select_n3A_110, %reduce_min3A_111 [1] : vector<256x2048xi32> to vector<256xi32>
    %broadcast_in_dim3A_113 = vector.shape_cast %reduce_min3A_112 : vector<256xi32> to vector<256x1xi32>
    %eq3A_114 = vector.broadcast %broadcast_in_dim3A_113 : vector<256x1xi32> to vector<256x2048xi32>
    %eq3A_115 = arith.cmpi eq, %iota3A, %eq3A_114 : vector<256x2048xi32>
    %jit3A_116 = arith.constant 0xFF800000 : f32
    %broadcast_in_dim3A_117 = vector.broadcast %jit3A_116 : f32 to vector<256x2048xf32>
    %select_n3A_118 = arith.select %eq3A_115, %broadcast_in_dim3A_117, %select_n3A_102 : vector<256x2048xi1>, vector<256x2048xf32>
    %reduce_max3A_119 = arith.constant dense<0xFF800000> : vector<256xf32>
    %reduce_max3A_120 = vector.multi_reduction <maximumf>, %select_n3A_118, %reduce_max3A_119 [1] : vector<256x2048xf32> to vector<256xf32>
    %broadcast_in_dim3A_121 = vector.shape_cast %reduce_max3A_120 : vector<256xf32> to vector<256x1xf32>
    %eq3A_122 = vector.broadcast %broadcast_in_dim3A_121 : vector<256x1xf32> to vector<256x2048xf32>
    %eq3A_123 = arith.cmpf oeq, %select_n3A_118, %eq3A_122 : vector<256x2048xf32>
    %jit3A_124 = arith.constant 2048 : i32
    %broadcast_in_dim3A_125 = vector.broadcast %jit3A_124 : i32 to vector<256x2048xi32>
    %select_n3A_126 = arith.select %eq3A_123, %iota3A, %broadcast_in_dim3A_125 : vector<256x2048xi1>, vector<256x2048xi32>
    %reduce_min3A_127 = arith.constant dense<2147483647> : vector<256xi32>
    %reduce_min3A_128 = vector.multi_reduction <minsi>, %select_n3A_126, %reduce_min3A_127 [1] : vector<256x2048xi32> to vector<256xi32>
    %broadcast_in_dim3A_129 = vector.shape_cast %reduce_min3A_128 : vector<256xi32> to vector<256x1xi32>
    %eq3A_130 = vector.broadcast %broadcast_in_dim3A_129 : vector<256x1xi32> to vector<256x2048xi32>
    %eq3A_131 = arith.cmpi eq, %iota3A, %eq3A_130 : vector<256x2048xi32>
    %jit3A_132 = arith.constant 0xFF800000 : f32
    %broadcast_in_dim3A_133 = vector.broadcast %jit3A_132 : f32 to vector<256x2048xf32>
    %select_n3A_134 = arith.select %eq3A_131, %broadcast_in_dim3A_133, %select_n3A_118 : vector<256x2048xi1>, vector<256x2048xf32>
    %reduce_max3A_135 = arith.constant dense<0xFF800000> : vector<256xf32>
    %reduce_max3A_136 = vector.multi_reduction <maximumf>, %select_n3A_134, %reduce_max3A_135 [1] : vector<256x2048xf32> to vector<256xf32>
    %broadcast_in_dim3A_137 = vector.shape_cast %reduce_max3A_136 : vector<256xf32> to vector<256x1xf32>
    %eq3A_138 = vector.broadcast %broadcast_in_dim3A_137 : vector<256x1xf32> to vector<256x2048xf32>
    %eq3A_139 = arith.cmpf oeq, %select_n3A_134, %eq3A_138 : vector<256x2048xf32>
    %jit3A_140 = arith.constant 2048 : i32
    %broadcast_in_dim3A_141 = vector.broadcast %jit3A_140 : i32 to vector<256x2048xi32>
    %select_n3A_142 = arith.select %eq3A_139, %iota3A, %broadcast_in_dim3A_141 : vector<256x2048xi1>, vector<256x2048xi32>
    %reduce_min3A_143 = arith.constant dense<2147483647> : vector<256xi32>
    %reduce_min3A_144 = vector.multi_reduction <minsi>, %select_n3A_142, %reduce_min3A_143 [1] : vector<256x2048xi32> to vector<256xi32>
    %broadcast_in_dim3A_145 = vector.shape_cast %reduce_min3A_144 : vector<256xi32> to vector<256x1xi32>
    %eq3A_146 = vector.broadcast %broadcast_in_dim3A_145 : vector<256x1xi32> to vector<256x2048xi32>
    %eq3A_147 = arith.cmpi eq, %iota3A, %eq3A_146 : vector<256x2048xi32>
    %jit3A_148 = arith.constant 0xFF800000 : f32
    %broadcast_in_dim3A_149 = vector.broadcast %jit3A_148 : f32 to vector<256x2048xf32>
    %select_n3A_150 = arith.select %eq3A_147, %broadcast_in_dim3A_149, %select_n3A_134 : vector<256x2048xi1>, vector<256x2048xf32>
    %reduce_max3A_151 = arith.constant dense<0xFF800000> : vector<256xf32>
    %reduce_max3A_152 = vector.multi_reduction <maximumf>, %select_n3A_150, %reduce_max3A_151 [1] : vector<256x2048xf32> to vector<256xf32>
    %broadcast_in_dim3A_153 = vector.shape_cast %reduce_max3A_152 : vector<256xf32> to vector<256x1xf32>
    %eq3A_154 = vector.broadcast %broadcast_in_dim3A_153 : vector<256x1xf32> to vector<256x2048xf32>
    %eq3A_155 = arith.cmpf oeq, %select_n3A_150, %eq3A_154 : vector<256x2048xf32>
    %jit3A_156 = arith.constant 2048 : i32
    %broadcast_in_dim3A_157 = vector.broadcast %jit3A_156 : i32 to vector<256x2048xi32>
    %select_n3A_158 = arith.select %eq3A_155, %iota3A, %broadcast_in_dim3A_157 : vector<256x2048xi1>, vector<256x2048xi32>
    %reduce_min3A_159 = arith.constant dense<2147483647> : vector<256xi32>
    %reduce_min3A_160 = vector.multi_reduction <minsi>, %select_n3A_158, %reduce_min3A_159 [1] : vector<256x2048xi32> to vector<256xi32>
    %broadcast_in_dim3A_161 = vector.shape_cast %reduce_min3A_160 : vector<256xi32> to vector<256x1xi32>
    %eq3A_162 = vector.broadcast %broadcast_in_dim3A_161 : vector<256x1xi32> to vector<256x2048xi32>
    %eq3A_163 = arith.cmpi eq, %iota3A, %eq3A_162 : vector<256x2048xi32>
    %jit3A_164 = arith.constant 0xFF800000 : f32
    %broadcast_in_dim3A_165 = vector.broadcast %jit3A_164 : f32 to vector<256x2048xf32>
    %select_n3A_166 = arith.select %eq3A_163, %broadcast_in_dim3A_165, %select_n3A_150 : vector<256x2048xi1>, vector<256x2048xf32>
    %reduce_max3A_167 = arith.constant dense<0xFF800000> : vector<256xf32>
    %reduce_max3A_168 = vector.multi_reduction <maximumf>, %select_n3A_166, %reduce_max3A_167 [1] : vector<256x2048xf32> to vector<256xf32>
    %broadcast_in_dim3A_169 = vector.shape_cast %reduce_max3A_168 : vector<256xf32> to vector<256x1xf32>
    %eq3A_170 = vector.broadcast %broadcast_in_dim3A_169 : vector<256x1xf32> to vector<256x2048xf32>
    %eq3A_171 = arith.cmpf oeq, %select_n3A_166, %eq3A_170 : vector<256x2048xf32>
    %jit3A_172 = arith.constant 2048 : i32
    %broadcast_in_dim3A_173 = vector.broadcast %jit3A_172 : i32 to vector<256x2048xi32>
    %select_n3A_174 = arith.select %eq3A_171, %iota3A, %broadcast_in_dim3A_173 : vector<256x2048xi1>, vector<256x2048xi32>
    %reduce_min3A_175 = arith.constant dense<2147483647> : vector<256xi32>
    %reduce_min3A_176 = vector.multi_reduction <minsi>, %select_n3A_174, %reduce_min3A_175 [1] : vector<256x2048xi32> to vector<256xi32>
    %broadcast_in_dim3A_177 = vector.shape_cast %reduce_min3A_176 : vector<256xi32> to vector<256x1xi32>
    %eq3A_178 = vector.broadcast %broadcast_in_dim3A_177 : vector<256x1xi32> to vector<256x2048xi32>
    %eq3A_179 = arith.cmpi eq, %iota3A, %eq3A_178 : vector<256x2048xi32>
    %jit3A_180 = arith.constant 0xFF800000 : f32
    %broadcast_in_dim3A_181 = vector.broadcast %jit3A_180 : f32 to vector<256x2048xf32>
    %select_n3A_182 = arith.select %eq3A_179, %broadcast_in_dim3A_181, %select_n3A_166 : vector<256x2048xi1>, vector<256x2048xf32>
    %reduce_max3A_183 = arith.constant dense<0xFF800000> : vector<256xf32>
    %reduce_max3A_184 = vector.multi_reduction <maximumf>, %select_n3A_182, %reduce_max3A_183 [1] : vector<256x2048xf32> to vector<256xf32>
    %broadcast_in_dim3A_185 = vector.shape_cast %reduce_max3A_184 : vector<256xf32> to vector<256x1xf32>
    %eq3A_186 = vector.broadcast %broadcast_in_dim3A_185 : vector<256x1xf32> to vector<256x2048xf32>
    %eq3A_187 = arith.cmpf oeq, %select_n3A_182, %eq3A_186 : vector<256x2048xf32>
    %jit3A_188 = arith.constant 2048 : i32
    %broadcast_in_dim3A_189 = vector.broadcast %jit3A_188 : i32 to vector<256x2048xi32>
    %select_n3A_190 = arith.select %eq3A_187, %iota3A, %broadcast_in_dim3A_189 : vector<256x2048xi1>, vector<256x2048xi32>
    %reduce_min3A_191 = arith.constant dense<2147483647> : vector<256xi32>
    %reduce_min3A_192 = vector.multi_reduction <minsi>, %select_n3A_190, %reduce_min3A_191 [1] : vector<256x2048xi32> to vector<256xi32>
    %broadcast_in_dim3A_193 = vector.shape_cast %reduce_min3A_192 : vector<256xi32> to vector<256x1xi32>
    %eq3A_194 = vector.broadcast %broadcast_in_dim3A_193 : vector<256x1xi32> to vector<256x2048xi32>
    %eq3A_195 = arith.cmpi eq, %iota3A, %eq3A_194 : vector<256x2048xi32>
    %jit3A_196 = arith.constant 0xFF800000 : f32
    %broadcast_in_dim3A_197 = vector.broadcast %jit3A_196 : f32 to vector<256x2048xf32>
    %select_n3A_198 = arith.select %eq3A_195, %broadcast_in_dim3A_197, %select_n3A_182 : vector<256x2048xi1>, vector<256x2048xf32>
    %reduce_max3A_199 = arith.constant dense<0xFF800000> : vector<256xf32>
    %reduce_max3A_200 = vector.multi_reduction <maximumf>, %select_n3A_198, %reduce_max3A_199 [1] : vector<256x2048xf32> to vector<256xf32>
    %broadcast_in_dim3A_201 = vector.shape_cast %reduce_max3A_200 : vector<256xf32> to vector<256x1xf32>
    %eq3A_202 = vector.broadcast %broadcast_in_dim3A_201 : vector<256x1xf32> to vector<256x2048xf32>
    %eq3A_203 = arith.cmpf oeq, %select_n3A_198, %eq3A_202 : vector<256x2048xf32>
    %jit3A_204 = arith.constant 2048 : i32
    %broadcast_in_dim3A_205 = vector.broadcast %jit3A_204 : i32 to vector<256x2048xi32>
    %select_n3A_206 = arith.select %eq3A_203, %iota3A, %broadcast_in_dim3A_205 : vector<256x2048xi1>, vector<256x2048xi32>
    %reduce_min3A_207 = arith.constant dense<2147483647> : vector<256xi32>
    %reduce_min3A_208 = vector.multi_reduction <minsi>, %select_n3A_206, %reduce_min3A_207 [1] : vector<256x2048xi32> to vector<256xi32>
    %broadcast_in_dim3A_209 = vector.shape_cast %reduce_min3A_208 : vector<256xi32> to vector<256x1xi32>
    %eq3A_210 = vector.broadcast %broadcast_in_dim3A_209 : vector<256x1xi32> to vector<256x2048xi32>
    %eq3A_211 = arith.cmpi eq, %iota3A, %eq3A_210 : vector<256x2048xi32>
    %jit3A_212 = arith.constant 0xFF800000 : f32
    %broadcast_in_dim3A_213 = vector.broadcast %jit3A_212 : f32 to vector<256x2048xf32>
    %select_n3A_214 = arith.select %eq3A_211, %broadcast_in_dim3A_213, %select_n3A_198 : vector<256x2048xi1>, vector<256x2048xf32>
    %reduce_max3A_215 = arith.constant dense<0xFF800000> : vector<256xf32>
    %reduce_max3A_216 = vector.multi_reduction <maximumf>, %select_n3A_214, %reduce_max3A_215 [1] : vector<256x2048xf32> to vector<256xf32>
    %broadcast_in_dim3A_217 = vector.shape_cast %reduce_max3A_216 : vector<256xf32> to vector<256x1xf32>
    %eq3A_218 = vector.broadcast %broadcast_in_dim3A_217 : vector<256x1xf32> to vector<256x2048xf32>
    %eq3A_219 = arith.cmpf oeq, %select_n3A_214, %eq3A_218 : vector<256x2048xf32>
    %jit3A_220 = arith.constant 2048 : i32
    %broadcast_in_dim3A_221 = vector.broadcast %jit3A_220 : i32 to vector<256x2048xi32>
    %select_n3A_222 = arith.select %eq3A_219, %iota3A, %broadcast_in_dim3A_221 : vector<256x2048xi1>, vector<256x2048xi32>
    %reduce_min3A_223 = arith.constant dense<2147483647> : vector<256xi32>
    %reduce_min3A_224 = vector.multi_reduction <minsi>, %select_n3A_222, %reduce_min3A_223 [1] : vector<256x2048xi32> to vector<256xi32>
    %broadcast_in_dim3A_225 = vector.shape_cast %reduce_min3A_224 : vector<256xi32> to vector<256x1xi32>
    %eq3A_226 = vector.broadcast %broadcast_in_dim3A_225 : vector<256x1xi32> to vector<256x2048xi32>
    %eq3A_227 = arith.cmpi eq, %iota3A, %eq3A_226 : vector<256x2048xi32>
    %jit3A_228 = arith.constant 0xFF800000 : f32
    %broadcast_in_dim3A_229 = vector.broadcast %jit3A_228 : f32 to vector<256x2048xf32>
    %select_n3A_230 = arith.select %eq3A_227, %broadcast_in_dim3A_229, %select_n3A_214 : vector<256x2048xi1>, vector<256x2048xf32>
    %reduce_max3A_231 = arith.constant dense<0xFF800000> : vector<256xf32>
    %reduce_max3A_232 = vector.multi_reduction <maximumf>, %select_n3A_230, %reduce_max3A_231 [1] : vector<256x2048xf32> to vector<256xf32>
    %broadcast_in_dim3A_233 = vector.shape_cast %reduce_max3A_232 : vector<256xf32> to vector<256x1xf32>
    %eq3A_234 = vector.broadcast %broadcast_in_dim3A_233 : vector<256x1xf32> to vector<256x2048xf32>
    %eq3A_235 = arith.cmpf oeq, %select_n3A_230, %eq3A_234 : vector<256x2048xf32>
    %jit3A_236 = arith.constant 2048 : i32
    %broadcast_in_dim3A_237 = vector.broadcast %jit3A_236 : i32 to vector<256x2048xi32>
    %select_n3A_238 = arith.select %eq3A_235, %iota3A, %broadcast_in_dim3A_237 : vector<256x2048xi1>, vector<256x2048xi32>
    %reduce_min3A_239 = arith.constant dense<2147483647> : vector<256xi32>
    %reduce_min3A_240 = vector.multi_reduction <minsi>, %select_n3A_238, %reduce_min3A_239 [1] : vector<256x2048xi32> to vector<256xi32>
    %broadcast_in_dim3A_241 = vector.shape_cast %reduce_min3A_240 : vector<256xi32> to vector<256x1xi32>
    %eq3A_242 = vector.broadcast %broadcast_in_dim3A_241 : vector<256x1xi32> to vector<256x2048xi32>
    %eq3A_243 = arith.cmpi eq, %iota3A, %eq3A_242 : vector<256x2048xi32>
    %jit3A_244 = arith.constant 0xFF800000 : f32
    %broadcast_in_dim3A_245 = vector.broadcast %jit3A_244 : f32 to vector<256x2048xf32>
    %select_n3A_246 = arith.select %eq3A_243, %broadcast_in_dim3A_245, %select_n3A_230 : vector<256x2048xi1>, vector<256x2048xf32>
    %reduce_max3A_247 = arith.constant dense<0xFF800000> : vector<256xf32>
    %reduce_max3A_248 = vector.multi_reduction <maximumf>, %select_n3A_246, %reduce_max3A_247 [1] : vector<256x2048xf32> to vector<256xf32>
    %broadcast_in_dim3A_249 = vector.shape_cast %reduce_max3A_248 : vector<256xf32> to vector<256x1xf32>
    %eq3A_250 = vector.broadcast %broadcast_in_dim3A_249 : vector<256x1xf32> to vector<256x2048xf32>
    %eq3A_251 = arith.cmpf oeq, %select_n3A_246, %eq3A_250 : vector<256x2048xf32>
    %jit3A_252 = arith.constant 2048 : i32
    %broadcast_in_dim3A_253 = vector.broadcast %jit3A_252 : i32 to vector<256x2048xi32>
    %select_n3A_254 = arith.select %eq3A_251, %iota3A, %broadcast_in_dim3A_253 : vector<256x2048xi1>, vector<256x2048xi32>
    %reduce_min3A_255 = arith.constant dense<2147483647> : vector<256xi32>
    %reduce_min3A_256 = vector.multi_reduction <minsi>, %select_n3A_254, %reduce_min3A_255 [1] : vector<256x2048xi32> to vector<256xi32>
    %broadcast_in_dim3A_257 = vector.shape_cast %reduce_min3A_256 : vector<256xi32> to vector<256x1xi32>
    %eq3A_258 = vector.broadcast %broadcast_in_dim3A_257 : vector<256x1xi32> to vector<256x2048xi32>
    %eq3A_259 = arith.cmpi eq, %iota3A, %eq3A_258 : vector<256x2048xi32>
    %jit3A_260 = arith.constant 0xFF800000 : f32
    %broadcast_in_dim3A_261 = vector.broadcast %jit3A_260 : f32 to vector<256x2048xf32>
    %select_n3A_262 = arith.select %eq3A_259, %broadcast_in_dim3A_261, %select_n3A_246 : vector<256x2048xi1>, vector<256x2048xf32>
    %reduce_max3A_263 = arith.constant dense<0xFF800000> : vector<256xf32>
    %reduce_max3A_264 = vector.multi_reduction <maximumf>, %select_n3A_262, %reduce_max3A_263 [1] : vector<256x2048xf32> to vector<256xf32>
    %broadcast_in_dim3A_265 = vector.shape_cast %reduce_max3A_264 : vector<256xf32> to vector<256x1xf32>
    %eq3A_266 = vector.broadcast %broadcast_in_dim3A_265 : vector<256x1xf32> to vector<256x2048xf32>
    %eq3A_267 = arith.cmpf oeq, %select_n3A_262, %eq3A_266 : vector<256x2048xf32>
    %jit3A_268 = arith.constant 2048 : i32
    %broadcast_in_dim3A_269 = vector.broadcast %jit3A_268 : i32 to vector<256x2048xi32>
    %select_n3A_270 = arith.select %eq3A_267, %iota3A, %broadcast_in_dim3A_269 : vector<256x2048xi1>, vector<256x2048xi32>
    %reduce_min3A_271 = arith.constant dense<2147483647> : vector<256xi32>
    %reduce_min3A_272 = vector.multi_reduction <minsi>, %select_n3A_270, %reduce_min3A_271 [1] : vector<256x2048xi32> to vector<256xi32>
    %broadcast_in_dim3A_273 = vector.shape_cast %reduce_min3A_272 : vector<256xi32> to vector<256x1xi32>
    %eq3A_274 = vector.broadcast %broadcast_in_dim3A_273 : vector<256x1xi32> to vector<256x2048xi32>
    %eq3A_275 = arith.cmpi eq, %iota3A, %eq3A_274 : vector<256x2048xi32>
    %jit3A_276 = arith.constant 0xFF800000 : f32
    %broadcast_in_dim3A_277 = vector.broadcast %jit3A_276 : f32 to vector<256x2048xf32>
    %select_n3A_278 = arith.select %eq3A_275, %broadcast_in_dim3A_277, %select_n3A_262 : vector<256x2048xi1>, vector<256x2048xf32>
    %reduce_max3A_279 = arith.constant dense<0xFF800000> : vector<256xf32>
    %reduce_max3A_280 = vector.multi_reduction <maximumf>, %select_n3A_278, %reduce_max3A_279 [1] : vector<256x2048xf32> to vector<256xf32>
    %broadcast_in_dim3A_281 = vector.shape_cast %reduce_max3A_280 : vector<256xf32> to vector<256x1xf32>
    %eq3A_282 = vector.broadcast %broadcast_in_dim3A_281 : vector<256x1xf32> to vector<256x2048xf32>
    %eq3A_283 = arith.cmpf oeq, %select_n3A_278, %eq3A_282 : vector<256x2048xf32>
    %jit3A_284 = arith.constant 2048 : i32
    %broadcast_in_dim3A_285 = vector.broadcast %jit3A_284 : i32 to vector<256x2048xi32>
    %select_n3A_286 = arith.select %eq3A_283, %iota3A, %broadcast_in_dim3A_285 : vector<256x2048xi1>, vector<256x2048xi32>
    %reduce_min3A_287 = arith.constant dense<2147483647> : vector<256xi32>
    %reduce_min3A_288 = vector.multi_reduction <minsi>, %select_n3A_286, %reduce_min3A_287 [1] : vector<256x2048xi32> to vector<256xi32>
    %broadcast_in_dim3A_289 = vector.shape_cast %reduce_min3A_288 : vector<256xi32> to vector<256x1xi32>
    %eq3A_290 = vector.broadcast %broadcast_in_dim3A_289 : vector<256x1xi32> to vector<256x2048xi32>
    %eq3A_291 = arith.cmpi eq, %iota3A, %eq3A_290 : vector<256x2048xi32>
    %jit3A_292 = arith.constant 0xFF800000 : f32
    %broadcast_in_dim3A_293 = vector.broadcast %jit3A_292 : f32 to vector<256x2048xf32>
    %select_n3A_294 = arith.select %eq3A_291, %broadcast_in_dim3A_293, %select_n3A_278 : vector<256x2048xi1>, vector<256x2048xf32>
    %reduce_max3A_295 = arith.constant dense<0xFF800000> : vector<256xf32>
    %reduce_max3A_296 = vector.multi_reduction <maximumf>, %select_n3A_294, %reduce_max3A_295 [1] : vector<256x2048xf32> to vector<256xf32>
    %broadcast_in_dim3A_297 = vector.shape_cast %reduce_max3A_296 : vector<256xf32> to vector<256x1xf32>
    %eq3A_298 = vector.broadcast %broadcast_in_dim3A_297 : vector<256x1xf32> to vector<256x2048xf32>
    %eq3A_299 = arith.cmpf oeq, %select_n3A_294, %eq3A_298 : vector<256x2048xf32>
    %jit3A_300 = arith.constant 2048 : i32
    %broadcast_in_dim3A_301 = vector.broadcast %jit3A_300 : i32 to vector<256x2048xi32>
    %select_n3A_302 = arith.select %eq3A_299, %iota3A, %broadcast_in_dim3A_301 : vector<256x2048xi1>, vector<256x2048xi32>
    %reduce_min3A_303 = arith.constant dense<2147483647> : vector<256xi32>
    %reduce_min3A_304 = vector.multi_reduction <minsi>, %select_n3A_302, %reduce_min3A_303 [1] : vector<256x2048xi32> to vector<256xi32>
    %broadcast_in_dim3A_305 = vector.shape_cast %reduce_min3A_304 : vector<256xi32> to vector<256x1xi32>
    %eq3A_306 = vector.broadcast %broadcast_in_dim3A_305 : vector<256x1xi32> to vector<256x2048xi32>
    %eq3A_307 = arith.cmpi eq, %iota3A, %eq3A_306 : vector<256x2048xi32>
    %jit3A_308 = arith.constant 0xFF800000 : f32
    %broadcast_in_dim3A_309 = vector.broadcast %jit3A_308 : f32 to vector<256x2048xf32>
    %select_n3A_310 = arith.select %eq3A_307, %broadcast_in_dim3A_309, %select_n3A_294 : vector<256x2048xi1>, vector<256x2048xf32>
    %reduce_max3A_311 = arith.constant dense<0xFF800000> : vector<256xf32>
    %reduce_max3A_312 = vector.multi_reduction <maximumf>, %select_n3A_310, %reduce_max3A_311 [1] : vector<256x2048xf32> to vector<256xf32>
    %broadcast_in_dim3A_313 = vector.shape_cast %reduce_max3A_312 : vector<256xf32> to vector<256x1xf32>
    %eq3A_314 = vector.broadcast %broadcast_in_dim3A_313 : vector<256x1xf32> to vector<256x2048xf32>
    %eq3A_315 = arith.cmpf oeq, %select_n3A_310, %eq3A_314 : vector<256x2048xf32>
    %jit3A_316 = arith.constant 2048 : i32
    %broadcast_in_dim3A_317 = vector.broadcast %jit3A_316 : i32 to vector<256x2048xi32>
    %select_n3A_318 = arith.select %eq3A_315, %iota3A, %broadcast_in_dim3A_317 : vector<256x2048xi1>, vector<256x2048xi32>
    %reduce_min3A_319 = arith.constant dense<2147483647> : vector<256xi32>
    %reduce_min3A_320 = vector.multi_reduction <minsi>, %select_n3A_318, %reduce_min3A_319 [1] : vector<256x2048xi32> to vector<256xi32>
    %broadcast_in_dim3A_321 = vector.shape_cast %reduce_min3A_320 : vector<256xi32> to vector<256x1xi32>
    %eq3A_322 = vector.broadcast %broadcast_in_dim3A_321 : vector<256x1xi32> to vector<256x2048xi32>
    %eq3A_323 = arith.cmpi eq, %iota3A, %eq3A_322 : vector<256x2048xi32>
    %jit3A_324 = arith.constant 0xFF800000 : f32
    %broadcast_in_dim3A_325 = vector.broadcast %jit3A_324 : f32 to vector<256x2048xf32>
    %select_n3A_326 = arith.select %eq3A_323, %broadcast_in_dim3A_325, %select_n3A_310 : vector<256x2048xi1>, vector<256x2048xf32>
    %reduce_max3A_327 = arith.constant dense<0xFF800000> : vector<256xf32>
    %reduce_max3A_328 = vector.multi_reduction <maximumf>, %select_n3A_326, %reduce_max3A_327 [1] : vector<256x2048xf32> to vector<256xf32>
    %broadcast_in_dim3A_329 = vector.shape_cast %reduce_max3A_328 : vector<256xf32> to vector<256x1xf32>
    %eq3A_330 = vector.broadcast %broadcast_in_dim3A_329 : vector<256x1xf32> to vector<256x2048xf32>
    %eq3A_331 = arith.cmpf oeq, %select_n3A_326, %eq3A_330 : vector<256x2048xf32>
    %jit3A_332 = arith.constant 2048 : i32
    %broadcast_in_dim3A_333 = vector.broadcast %jit3A_332 : i32 to vector<256x2048xi32>
    %select_n3A_334 = arith.select %eq3A_331, %iota3A, %broadcast_in_dim3A_333 : vector<256x2048xi1>, vector<256x2048xi32>
    %reduce_min3A_335 = arith.constant dense<2147483647> : vector<256xi32>
    %reduce_min3A_336 = vector.multi_reduction <minsi>, %select_n3A_334, %reduce_min3A_335 [1] : vector<256x2048xi32> to vector<256xi32>
    %broadcast_in_dim3A_337 = vector.shape_cast %reduce_min3A_336 : vector<256xi32> to vector<256x1xi32>
    %concatenate3A = tpu.concatenate %broadcast_in_dim3A_33, %broadcast_in_dim3A_49, %broadcast_in_dim3A_65, %broadcast_in_dim3A_81, %broadcast_in_dim3A_97, %broadcast_in_dim3A_113, %broadcast_in_dim3A_129, %broadcast_in_dim3A_145, %broadcast_in_dim3A_161, %broadcast_in_dim3A_177, %broadcast_in_dim3A_193, %broadcast_in_dim3A_209, %broadcast_in_dim3A_225, %broadcast_in_dim3A_241, %broadcast_in_dim3A_257, %broadcast_in_dim3A_273, %broadcast_in_dim3A_289, %broadcast_in_dim3A_305, %broadcast_in_dim3A_321, %broadcast_in_dim3A_337 in 1 : vector<256x1xi32>, vector<256x1xi32>, vector<256x1xi32>, vector<256x1xi32>, vector<256x1xi32>, vector<256x1xi32>, vector<256x1xi32>, vector<256x1xi32>, vector<256x1xi32>, vector<256x1xi32>, vector<256x1xi32>, vector<256x1xi32>, vector<256x1xi32>, vector<256x1xi32>, vector<256x1xi32>, vector<256x1xi32>, vector<256x1xi32>, vector<256x1xi32>, vector<256x1xi32>, vector<256x1xi32> -> vector<256x20xi32>
    %add3A = vector.broadcast %mul3A_28 : i32 to vector<256x20xi32>
    %add3A_338 = arith.addi %concatenate3A, %add3A : vector<256x20xi32>
    %swap3A = arith.constant 0 : index
    %swap3A_339 = arith.constant 0 : index
    %swap3A_340 = arith.constant 0 : index
    %swap3A_341 = vector.load %arg6[%swap3A, %swap3A_339, %swap3A_340] : memref<1x256x20xi32, #tpu.memory_space<vmem>>, vector<1x256x20xi32>
    %swap3A_342 = vector.shape_cast %swap3A_341 : vector<1x256x20xi32> to vector<256x20xi32>
    %swap3A_343 = vector.shape_cast %add3A_338 : vector<256x20xi32> to vector<1x256x20xi32>
    tpu.vector_store %arg6[%swap3A, %swap3A_339, %swap3A_340], %swap3A_343 {strides = array<i32>} : memref<1x256x20xi32, #tpu.memory_space<vmem>>, vector<1x256x20xi32>,
    return
  }
  func.func @transform_0(%arg0: i32, %arg1: i32) -> (i32, i32, i32) {
    %c0_i32 = arith.constant 0 : i32
    %c0_i32_0 = arith.constant 0 : i32
    return %arg0, %arg1, %c0_i32 : i32, i32, i32
  }
  func.func @transform_1(%arg0: i32, %arg1: i32) -> (i32, i32, i32) {
    %c0_i32 = arith.constant 0 : i32
    %c0_i32_0 = arith.constant 0 : i32
    %c0_i32_1 = arith.constant 0 : i32
    return %arg0, %c0_i32, %c0_i32_0 : i32, i32, i32
  }
  func.func @transform_2(%arg0: i32, %arg1: i32) -> (i32, i32, i32) {
    %c0_i32 = arith.constant 0 : i32
    %c0_i32_0 = arith.constant 0 : i32
    %c0_i32_1 = arith.constant 0 : i32
    return %arg0, %c0_i32, %c0_i32_0 : i32, i32, i32
  }
  func.func @transform_3(%arg0: i32, %arg1: i32) -> (i32, i32, i32) {
    %c0_i32 = arith.constant 0 : i32
    %c0_i32_0 = arith.constant 0 : i32
    return %arg0, %arg1, %c0_i32 : i32, i32, i32
  }
  func.func @transform_4(%arg0: i32, %arg1: i32) -> (i32, i32, i32) {
    %c0_i32 = arith.constant 0 : i32
    %c0_i32_0 = arith.constant 0 : i32
    return %arg0, %arg1, %c0_i32 : i32, i32, i32
  }
}

module attributes {stable_mosaic.version = 14 : i64} {
  func.func @_conv_body(%arg0: i32, %arg1: memref<2560x128xf32, #tpu.memory_space<vmem>>, %arg2: memref<128x128xf32, #tpu.memory_space<vmem>>, %arg3: memref<256x256xf32, #tpu.memory_space<vmem>>, %arg4: memref<128x256xf32, #tpu.memory_space<vmem>>, %arg5: memref<1x256x2560xf32, #tpu.memory_space<vmem>>) attributes {dimension_semantics = [#tpu.dimension_semantics<arbitrary>], iteration_bounds = array<i64: 128>, scalar_prefetch = 0 : i64, scratch_operands = 0 : i64, tpu.core_type = #tpu.core_type<tc>, window_params = [{transform_indices = @transform_0, window_bounds = array<i64: 2560, 128>}, {transform_indices = @transform_1, window_bounds = array<i64: 128, 128>}, {pipeline_mode = #tpu.pipeline_mode<synchronous>, transform_indices = @transform_2, window_bounds = array<i64: 256, 256>}, {transform_indices = @transform_3, window_bounds = array<i64: 128, 256>}, {transform_indices = @transform_4, window_bounds = array<i64: 1, 256, 2560>}]} {
    %get3A = arith.constant 0 : index
    %get3A_0 = arith.constant 0 : index
    %get3A_1 = vector.load %arg1[%get3A, %get3A_0] : memref<2560x128xf32, #tpu.memory_space<vmem>>, vector<2560x128xf32>
    %get3A_2 = arith.constant 0 : index
    %get3A_3 = arith.constant 0 : index
    %get3A_4 = vector.load %arg2[%get3A_2, %get3A_3] : memref<128x128xf32, #tpu.memory_space<vmem>>, vector<128x128xf32>
    %broadcast_in_dim3A = vector.shape_cast %get3A_4 : vector<128x128xf32> to vector<128x1x128xf32>
    %broadcast_in_dim3A_5 = vector.shape_cast %broadcast_in_dim3A : vector<128x1x128xf32> to vector<128x1x128xf32>
    %broadcast_in_dim3A_6 = vector.broadcast %broadcast_in_dim3A_5 : vector<128x1x128xf32> to vector<128x20x128xf32>
    %reshape3A = vector.shape_cast %broadcast_in_dim3A_6 : vector<128x20x128xf32> to vector<2560x128xf32>
    %sub3A = arith.subf %get3A_1, %reshape3A : vector<2560x128xf32>
    %concatenate3A = tpu.concatenate %sub3A, %reshape3A in 1 : vector<2560x128xf32>, vector<2560x128xf32> -> vector<2560x256xf32>
    %get3A_7 = arith.constant 0 : index
    %get3A_8 = arith.constant 0 : index
    %get3A_9 = vector.load %arg3[%get3A_7, %get3A_8] : memref<256x256xf32, #tpu.memory_space<vmem>>, vector<256x256xf32>
    %dot_general3A = arith.constant dense<0.000000e+00> : vector<2560x256xf32>
    %dot_general3A_10 = tpu.matmul %concatenate3A, %get3A_9, %dot_general3A {dimension_numbers = #tpu.dot_dimension_numbers<[1], [0], [0], [1], [0, 0, 1, 1], [], []>, transpose_lhs_hint = false} : vector<2560x256xf32>, vector<256x256xf32>, vector<2560x256xf32> -> vector<2560x256xf32>
    %reshape3A_11 = vector.shape_cast %dot_general3A_10 : vector<2560x256xf32> to vector<128x20x256xf32>
    %reduce_max3A = arith.constant dense<0xFF800000> : vector<128x256xf32>
    %reduce_max3A_12 = vector.multi_reduction <maximumf>, %reshape3A_11, %reduce_max3A [1] : vector<128x20x256xf32> to vector<128x256xf32>
    %swap3A = arith.constant 0 : index
    %swap3A_13 = arith.constant 0 : index
    %swap3A_14 = vector.load %arg4[%swap3A, %swap3A_13] : memref<128x256xf32, #tpu.memory_space<vmem>>, vector<128x256xf32>
    tpu.vector_store %arg4[%swap3A, %swap3A_13], %reduce_max3A_12 {strides = array<i32>} : memref<128x256xf32, #tpu.memory_space<vmem>>, vector<128x256xf32>,
    %get3A_15 = arith.constant 0 : index
    %get3A_16 = arith.constant 0 : index
    %get3A_17 = vector.load %arg3[%get3A_15, %get3A_16] : memref<256x256xf32, #tpu.memory_space<vmem>>, vector<256x256xf32>
    %dot_general3A_18 = arith.constant dense<0.000000e+00> : vector<256x2560xf32>
    %dot_general3A_19 = tpu.matmul %get3A_17, %concatenate3A, %dot_general3A_18 {dimension_numbers = #tpu.dot_dimension_numbers<[0], [1], [1], [0], [0, 1, 1, 0], [], []>, transpose_lhs_hint = false} : vector<256x256xf32>, vector<2560x256xf32>, vector<256x2560xf32> -> vector<256x2560xf32>
    %broadcast_in_dim3A_20 = vector.shape_cast %dot_general3A_19 : vector<256x2560xf32> to vector<1x256x2560xf32>
    %swap3A_21 = arith.constant 0 : index
    %swap3A_22 = arith.constant 0 : index
    %swap3A_23 = arith.constant 0 : index
    %swap3A_24 = vector.load %arg5[%swap3A_21, %swap3A_22, %swap3A_23] : memref<1x256x2560xf32, #tpu.memory_space<vmem>>, vector<1x256x2560xf32>
    tpu.vector_store %arg5[%swap3A_21, %swap3A_22, %swap3A_23], %broadcast_in_dim3A_20 {strides = array<i32>} : memref<1x256x2560xf32, #tpu.memory_space<vmem>>, vector<1x256x2560xf32>,
    return
  }
  func.func @transform_0(%arg0: i32) -> (i32, i32) {
    %c0_i32 = arith.constant 0 : i32
    %c0_i32_0 = arith.constant 0 : i32
    return %arg0, %c0_i32 : i32, i32
  }
  func.func @transform_1(%arg0: i32) -> (i32, i32) {
    %c0_i32 = arith.constant 0 : i32
    %c0_i32_0 = arith.constant 0 : i32
    return %arg0, %c0_i32 : i32, i32
  }
  func.func @transform_2(%arg0: i32) -> (i32, i32) {
    %c0_i32 = arith.constant 0 : i32
    %c0_i32_0 = arith.constant 0 : i32
    %c0_i32_1 = arith.constant 0 : i32
    return %c0_i32, %c0_i32_0 : i32, i32
  }
  func.func @transform_3(%arg0: i32) -> (i32, i32) {
    %c0_i32 = arith.constant 0 : i32
    %c0_i32_0 = arith.constant 0 : i32
    return %arg0, %c0_i32 : i32, i32
  }
  func.func @transform_4(%arg0: i32) -> (i32, i32, i32) {
    %jit3A = arith.constant 16 : i32
    %div3A = arith.divsi %arg0, %jit3A : i32
    %sign3A = arith.constant 0 : i32
    %sign3A_0 = arith.cmpi sgt, %arg0, %sign3A : i32
    %sign3A_1 = arith.extui %sign3A_0 : i1 to i32
    %sign3A_2 = arith.constant 0 : i32
    %sign3A_3 = arith.cmpi slt, %arg0, %sign3A_2 : i32
    %sign3A_4 = arith.extui %sign3A_3 : i1 to i32
    %sign3A_5 = arith.subi %sign3A_1, %sign3A_4 : i32
    %sign3A_6 = arith.constant 0 : i32
    %sign3A_7 = arith.cmpi sgt, %jit3A, %sign3A_6 : i32
    %sign3A_8 = arith.extui %sign3A_7 : i1 to i32
    %sign3A_9 = arith.constant 0 : i32
    %sign3A_10 = arith.cmpi slt, %jit3A, %sign3A_9 : i32
    %sign3A_11 = arith.extui %sign3A_10 : i1 to i32
    %sign3A_12 = arith.subi %sign3A_8, %sign3A_11 : i32
    %ne3A = arith.cmpi ne, %sign3A_5, %sign3A_12 : i32
    %rem3A = arith.remsi %arg0, %jit3A : i32
    %ne3A_13 = arith.constant 0 : i32
    %ne3A_14 = arith.cmpi ne, %rem3A, %ne3A_13 : i32
    %and3A = arith.andi %ne3A, %ne3A_14 : i1
    %sub3A = arith.constant 1 : i32
    %sub3A_15 = arith.subi %div3A, %sub3A : i32
    %select_n3A = arith.select %and3A, %sub3A_15, %div3A : i32
    %jit3A_16 = arith.constant 16 : i32
    %eq3A = arith.constant 0 : i32
    %eq3A_17 = arith.cmpi eq, %jit3A_16, %eq3A : i32
    %jit3A_18 = arith.constant 1 : i32
    %select_n3A_19 = arith.select %eq3A_17, %jit3A_18, %jit3A_16 : i32
    %rem3A_20 = arith.remsi %arg0, %select_n3A_19 : i32
    %ne3A_21 = arith.constant 0 : i32
    %ne3A_22 = arith.cmpi ne, %rem3A_20, %ne3A_21 : i32
    %lt3A = arith.constant 0 : i32
    %lt3A_23 = arith.cmpi slt, %rem3A_20, %lt3A : i32
    %lt3A_24 = arith.constant 0 : i32
    %lt3A_25 = arith.cmpi slt, %select_n3A_19, %lt3A_24 : i32
    %ne3A_26 = arith.xori %lt3A_23, %lt3A_25 : i1
    %and3A_27 = arith.andi %ne3A_26, %ne3A_22 : i1
    %add3A = arith.addi %rem3A_20, %select_n3A_19 : i32
    %select_n3A_28 = arith.select %and3A_27, %add3A, %rem3A_20 : i32
    %c0_i32 = arith.constant 0 : i32
    %c0_i32_29 = arith.constant 0 : i32
    return %select_n3A, %c0_i32, %select_n3A_28 : i32, i32, i32
  }
}

module attributes {stable_mosaic.version = 14 : i64} {
  func.func @_edge_norm_body(%arg0: i32, %arg1: memref<2048x256xf32, #tpu.memory_space<vmem>>, %arg2: memref<256xf32, #tpu.memory_space<vmem>>, %arg3: memref<256xf32, #tpu.memory_space<vmem>>, %arg4: memref<256xf32, #tpu.memory_space<vmem>>, %arg5: memref<256xf32, #tpu.memory_space<vmem>>, %arg6: memref<2048x256xf32, #tpu.memory_space<vmem>>) attributes {dimension_semantics = [#tpu.dimension_semantics<arbitrary>], iteration_bounds = array<i64: 8>, scalar_prefetch = 0 : i64, scratch_operands = 0 : i64, tpu.core_type = #tpu.core_type<tc>, window_params = [{transform_indices = @transform_0, window_bounds = array<i64: 2048, 256>}, {pipeline_mode = #tpu.pipeline_mode<synchronous>, transform_indices = @transform_1, window_bounds = array<i64: 256>}, {pipeline_mode = #tpu.pipeline_mode<synchronous>, transform_indices = @transform_2, window_bounds = array<i64: 256>}, {pipeline_mode = #tpu.pipeline_mode<synchronous>, transform_indices = @transform_3, window_bounds = array<i64: 256>}, {pipeline_mode = #tpu.pipeline_mode<synchronous>, transform_indices = @transform_4, window_bounds = array<i64: 256>}, {transform_indices = @transform_5, window_bounds = array<i64: 2048, 256>}]} {
    %get3A = arith.constant 0 : index
    %get3A_0 = arith.constant 0 : index
    %get3A_1 = vector.load %arg1[%get3A, %get3A_0] : memref<2048x256xf32, #tpu.memory_space<vmem>>, vector<2048x256xf32>
    %get3A_2 = arith.constant 0 : index
    %get3A_3 = vector.load %arg2[%get3A_2] : memref<256xf32, #tpu.memory_space<vmem>>, vector<256xf32>
    %broadcast_in_dim3A = vector.shape_cast %get3A_3 : vector<256xf32> to vector<1x256xf32>
    %sub3A = vector.broadcast %broadcast_in_dim3A : vector<1x256xf32> to vector<2048x256xf32>
    %sub3A_4 = arith.subf %get3A_1, %sub3A : vector<2048x256xf32>
    %get3A_5 = arith.constant 0 : index
    %get3A_6 = vector.load %arg3[%get3A_5] : memref<256xf32, #tpu.memory_space<vmem>>, vector<256xf32>
    %broadcast_in_dim3A_7 = vector.shape_cast %get3A_6 : vector<256xf32> to vector<1x256xf32>
    %add3A = arith.constant 9.99999974E-6 : f32
    %add3A_8 = vector.broadcast %add3A : f32 to vector<1x256xf32>
    %add3A_9 = arith.addf %broadcast_in_dim3A_7, %add3A_8 : vector<1x256xf32>
    %sqrt3A = math.sqrt %add3A_9 : vector<1x256xf32>
    %div3A = vector.broadcast %sqrt3A : vector<1x256xf32> to vector<2048x256xf32>
    %div3A_10 = arith.divf %sub3A_4, %div3A : vector<2048x256xf32>
    %get3A_11 = arith.constant 0 : index
    %get3A_12 = vector.load %arg4[%get3A_11] : memref<256xf32, #tpu.memory_space<vmem>>, vector<256xf32>
    %broadcast_in_dim3A_13 = vector.shape_cast %get3A_12 : vector<256xf32> to vector<1x256xf32>
    %mul3A = vector.broadcast %broadcast_in_dim3A_13 : vector<1x256xf32> to vector<2048x256xf32>
    %mul3A_14 = arith.mulf %div3A_10, %mul3A : vector<2048x256xf32>
    %get3A_15 = arith.constant 0 : index
    %get3A_16 = vector.load %arg5[%get3A_15] : memref<256xf32, #tpu.memory_space<vmem>>, vector<256xf32>
    %broadcast_in_dim3A_17 = vector.shape_cast %get3A_16 : vector<256xf32> to vector<1x256xf32>
    %add3A_18 = vector.broadcast %broadcast_in_dim3A_17 : vector<1x256xf32> to vector<2048x256xf32>
    %add3A_19 = arith.addf %mul3A_14, %add3A_18 : vector<2048x256xf32>
    %ge3A = arith.constant 0.000000e+00 : f32
    %ge3A_20 = vector.broadcast %ge3A : f32 to vector<2048x256xf32>
    %ge3A_21 = arith.cmpf oge, %add3A_19, %ge3A_20 : vector<2048x256xf32>
    %mul3A_22 = arith.constant 2.000000e-01 : f32
    %mul3A_23 = vector.broadcast %mul3A_22 : f32 to vector<2048x256xf32>
    %mul3A_24 = arith.mulf %mul3A_23, %add3A_19 : vector<2048x256xf32>
    %select_n3A = arith.select %ge3A_21, %add3A_19, %mul3A_24 : vector<2048x256xi1>, vector<2048x256xf32>
    %swap3A = arith.constant 0 : index
    %swap3A_25 = arith.constant 0 : index
    %swap3A_26 = vector.load %arg6[%swap3A, %swap3A_25] : memref<2048x256xf32, #tpu.memory_space<vmem>>, vector<2048x256xf32>
    tpu.vector_store %arg6[%swap3A, %swap3A_25], %select_n3A {strides = array<i32>} : memref<2048x256xf32, #tpu.memory_space<vmem>>, vector<2048x256xf32>,
    return
  }
  func.func @transform_0(%arg0: i32) -> (i32, i32) {
    %c0_i32 = arith.constant 0 : i32
    %c0_i32_0 = arith.constant 0 : i32
    return %arg0, %c0_i32 : i32, i32
  }
  func.func @transform_1(%arg0: i32) -> i32 {
    %c0_i32 = arith.constant 0 : i32
    %c0_i32_0 = arith.constant 0 : i32
    return %c0_i32 : i32
  }
  func.func @transform_2(%arg0: i32) -> i32 {
    %c0_i32 = arith.constant 0 : i32
    %c0_i32_0 = arith.constant 0 : i32
    return %c0_i32 : i32
  }
  func.func @transform_3(%arg0: i32) -> i32 {
    %c0_i32 = arith.constant 0 : i32
    %c0_i32_0 = arith.constant 0 : i32
    return %c0_i32 : i32
  }
  func.func @transform_4(%arg0: i32) -> i32 {
    %c0_i32 = arith.constant 0 : i32
    %c0_i32_0 = arith.constant 0 : i32
    return %c0_i32 : i32
  }
  func.func @transform_5(%arg0: i32) -> (i32, i32) {
    %c0_i32 = arith.constant 0 : i32
    %c0_i32_0 = arith.constant 0 : i32
    return %arg0, %c0_i32 : i32, i32
  }
}

module attributes {stable_mosaic.version = 14 : i64} {
  func.func @_mm_body(%arg0: i32, %arg1: memref<2048x256xf32, #tpu.memory_space<vmem>>, %arg2: memref<256x256xf32, #tpu.memory_space<vmem>>, %arg3: memref<2048x256xf32, #tpu.memory_space<vmem>>) attributes {dimension_semantics = [#tpu.dimension_semantics<arbitrary>], iteration_bounds = array<i64: 8>, scalar_prefetch = 0 : i64, scratch_operands = 0 : i64, tpu.core_type = #tpu.core_type<tc>, window_params = [{transform_indices = @transform_0, window_bounds = array<i64: 2048, 256>}, {pipeline_mode = #tpu.pipeline_mode<synchronous>, transform_indices = @transform_1, window_bounds = array<i64: 256, 256>}, {transform_indices = @transform_2, window_bounds = array<i64: 2048, 256>}]} {
    %get3A = arith.constant 0 : index
    %get3A_0 = arith.constant 0 : index
    %get3A_1 = vector.load %arg1[%get3A, %get3A_0] : memref<2048x256xf32, #tpu.memory_space<vmem>>, vector<2048x256xf32>
    %get3A_2 = arith.constant 0 : index
    %get3A_3 = arith.constant 0 : index
    %get3A_4 = vector.load %arg2[%get3A_2, %get3A_3] : memref<256x256xf32, #tpu.memory_space<vmem>>, vector<256x256xf32>
    %dot_general3A = arith.constant dense<0.000000e+00> : vector<2048x256xf32>
    %dot_general3A_5 = tpu.matmul %get3A_1, %get3A_4, %dot_general3A {dimension_numbers = #tpu.dot_dimension_numbers<[1], [0], [0], [1], [0, 0, 1, 1], [], []>, transpose_lhs_hint = false} : vector<2048x256xf32>, vector<256x256xf32>, vector<2048x256xf32> -> vector<2048x256xf32>
    %swap3A = arith.constant 0 : index
    %swap3A_6 = arith.constant 0 : index
    %swap3A_7 = vector.load %arg3[%swap3A, %swap3A_6] : memref<2048x256xf32, #tpu.memory_space<vmem>>, vector<2048x256xf32>
    tpu.vector_store %arg3[%swap3A, %swap3A_6], %dot_general3A_5 {strides = array<i32>} : memref<2048x256xf32, #tpu.memory_space<vmem>>, vector<2048x256xf32>,
    return
  }
  func.func @transform_0(%arg0: i32) -> (i32, i32) {
    %c0_i32 = arith.constant 0 : i32
    %c0_i32_0 = arith.constant 0 : i32
    return %arg0, %c0_i32 : i32, i32
  }
  func.func @transform_1(%arg0: i32) -> (i32, i32) {
    %c0_i32 = arith.constant 0 : i32
    %c0_i32_0 = arith.constant 0 : i32
    %c0_i32_1 = arith.constant 0 : i32
    return %c0_i32, %c0_i32_0 : i32, i32
  }
  func.func @transform_2(%arg0: i32) -> (i32, i32) {
    %c0_i32 = arith.constant 0 : i32
    %c0_i32_0 = arith.constant 0 : i32
    return %arg0, %c0_i32 : i32, i32
  }
}

module attributes {stable_mosaic.version = 14 : i64} {
  func.func @_row_stats_body(%arg0: i32, %arg1: memref<2048x256xf32, #tpu.memory_space<vmem>>, %arg2: memref<1x1x256xf32, #tpu.memory_space<vmem>>, %arg3: memref<1x1x256xf32, #tpu.memory_space<vmem>>) attributes {dimension_semantics = [#tpu.dimension_semantics<arbitrary>], iteration_bounds = array<i64: 8>, scalar_prefetch = 0 : i64, scratch_operands = 0 : i64, tpu.core_type = #tpu.core_type<tc>, window_params = [{transform_indices = @transform_0, window_bounds = array<i64: 2048, 256>}, {transform_indices = @transform_1, window_bounds = array<i64: 1, 1, 256>}, {transform_indices = @transform_2, window_bounds = array<i64: 1, 1, 256>}]} {
    %get3A = arith.constant 0 : index
    %get3A_0 = arith.constant 0 : index
    %get3A_1 = vector.load %arg1[%get3A, %get3A_0] : memref<2048x256xf32, #tpu.memory_space<vmem>>, vector<2048x256xf32>
    %reduce_sum3A = arith.constant dense<0.000000e+00> : vector<256xf32>
    %reduce_sum3A_2 = vector.multi_reduction <add>, %get3A_1, %reduce_sum3A [0] : vector<2048x256xf32> to vector<256xf32>
    %broadcast_in_dim3A = vector.shape_cast %reduce_sum3A_2 : vector<256xf32> to vector<1x1x256xf32>
    %swap3A = arith.constant 0 : index
    %swap3A_3 = arith.constant 0 : index
    %swap3A_4 = arith.constant 0 : index
    %swap3A_5 = vector.load %arg2[%swap3A, %swap3A_3, %swap3A_4] : memref<1x1x256xf32, #tpu.memory_space<vmem>>, vector<1x1x256xf32>
    tpu.vector_store %arg2[%swap3A, %swap3A_3, %swap3A_4], %broadcast_in_dim3A {strides = array<i32>} : memref<1x1x256xf32, #tpu.memory_space<vmem>>, vector<1x1x256xf32>,
    %mul3A = arith.mulf %get3A_1, %get3A_1 : vector<2048x256xf32>
    %reduce_sum3A_6 = arith.constant dense<0.000000e+00> : vector<256xf32>
    %reduce_sum3A_7 = vector.multi_reduction <add>, %mul3A, %reduce_sum3A_6 [0] : vector<2048x256xf32> to vector<256xf32>
    %broadcast_in_dim3A_8 = vector.shape_cast %reduce_sum3A_7 : vector<256xf32> to vector<1x1x256xf32>
    %swap3A_9 = arith.constant 0 : index
    %swap3A_10 = arith.constant 0 : index
    %swap3A_11 = arith.constant 0 : index
    %swap3A_12 = vector.load %arg3[%swap3A_9, %swap3A_10, %swap3A_11] : memref<1x1x256xf32, #tpu.memory_space<vmem>>, vector<1x1x256xf32>
    tpu.vector_store %arg3[%swap3A_9, %swap3A_10, %swap3A_11], %broadcast_in_dim3A_8 {strides = array<i32>} : memref<1x1x256xf32, #tpu.memory_space<vmem>>, vector<1x1x256xf32>,
    return
  }
  func.func @transform_0(%arg0: i32) -> (i32, i32) {
    %c0_i32 = arith.constant 0 : i32
    %c0_i32_0 = arith.constant 0 : i32
    return %arg0, %c0_i32 : i32, i32
  }
  func.func @transform_1(%arg0: i32) -> (i32, i32, i32) {
    %c0_i32 = arith.constant 0 : i32
    %c0_i32_0 = arith.constant 0 : i32
    %c0_i32_1 = arith.constant 0 : i32
    return %arg0, %c0_i32, %c0_i32_0 : i32, i32, i32
  }
  func.func @transform_2(%arg0: i32) -> (i32, i32, i32) {
    %c0_i32 = arith.constant 0 : i32
    %c0_i32_0 = arith.constant 0 : i32
    %c0_i32_1 = arith.constant 0 : i32
    return %arg0, %c0_i32, %c0_i32_0 : i32, i32, i32
  }
}

module attributes {stable_mosaic.version = 14 : i64} {
  func.func @_bmax_body(%arg0: i32, %arg1: i32, %arg2: memref<2048x256xf32, #tpu.memory_space<vmem>>, %arg3: memref<8x1x256xf32, #tpu.memory_space<vmem>>, %arg4: memref<8x1x256xf32, #tpu.memory_space<vmem>>, %arg5: memref<256xf32, #tpu.memory_space<vmem>>, %arg6: memref<256xf32, #tpu.memory_space<vmem>>, %arg7: memref<1x1x256xf32, #tpu.memory_space<vmem>>) attributes {dimension_semantics = [#tpu.dimension_semantics<arbitrary>, #tpu.dimension_semantics<arbitrary>], iteration_bounds = array<i64: 8, 1>, scalar_prefetch = 0 : i64, scratch_operands = 0 : i64, tpu.core_type = #tpu.core_type<tc>, window_params = [{transform_indices = @transform_0, window_bounds = array<i64: 2048, 256>}, {pipeline_mode = #tpu.pipeline_mode<synchronous>, transform_indices = @transform_1, window_bounds = array<i64: 8, 1, 256>}, {pipeline_mode = #tpu.pipeline_mode<synchronous>, transform_indices = @transform_2, window_bounds = array<i64: 8, 1, 256>}, {pipeline_mode = #tpu.pipeline_mode<synchronous>, transform_indices = @transform_3, window_bounds = array<i64: 256>}, {pipeline_mode = #tpu.pipeline_mode<synchronous>, transform_indices = @transform_4, window_bounds = array<i64: 256>}, {transform_indices = @transform_5, window_bounds = array<i64: 1, 1, 256>}]} {
    %get3A = arith.constant 0 : index
    %get3A_0 = arith.constant 0 : index
    %get3A_1 = arith.constant 0 : index
    %get3A_2 = vector.load %arg3[%get3A, %get3A_0, %get3A_1] : memref<8x1x256xf32, #tpu.memory_space<vmem>>, vector<8x1x256xf32>
    %reduce_sum3A = arith.constant dense<0.000000e+00> : vector<256xf32>
    %reduce_sum3A_3 = vector.multi_reduction <add>, %get3A_2, %reduce_sum3A [0, 1] : vector<8x1x256xf32> to vector<256xf32>
    %get3A_4 = arith.constant 0 : index
    %get3A_5 = arith.constant 0 : index
    %get3A_6 = arith.constant 0 : index
    %get3A_7 = vector.load %arg4[%get3A_4, %get3A_5, %get3A_6] : memref<8x1x256xf32, #tpu.memory_space<vmem>>, vector<8x1x256xf32>
    %reduce_sum3A_8 = arith.constant dense<0.000000e+00> : vector<256xf32>
    %reduce_sum3A_9 = vector.multi_reduction <add>, %get3A_7, %reduce_sum3A_8 [0, 1] : vector<8x1x256xf32> to vector<256xf32>
    %mul3A = arith.constant 6.10351563E-5 : f32
    %mul3A_10 = vector.broadcast %mul3A : f32 to vector<256xf32>
    %mul3A_11 = arith.mulf %reduce_sum3A_3, %mul3A_10 : vector<256xf32>
    %mul3A_12 = arith.constant 6.10351563E-5 : f32
    %mul3A_13 = vector.broadcast %mul3A_12 : f32 to vector<256xf32>
    %mul3A_14 = arith.mulf %reduce_sum3A_9, %mul3A_13 : vector<256xf32>
    %mul3A_15 = arith.mulf %mul3A_11, %mul3A_11 : vector<256xf32>
    %sub3A = arith.subf %mul3A_14, %mul3A_15 : vector<256xf32>
    %add3A = arith.constant 9.99999974E-6 : f32
    %add3A_16 = vector.broadcast %add3A : f32 to vector<256xf32>
    %add3A_17 = arith.addf %sub3A, %add3A_16 : vector<256xf32>
    %rsqrt3A = math.rsqrt %add3A_17 : vector<256xf32>
    %get3A_18 = arith.constant 0 : index
    %get3A_19 = vector.load %arg5[%get3A_18] : memref<256xf32, #tpu.memory_space<vmem>>, vector<256xf32>
    %mul3A_20 = arith.mulf %rsqrt3A, %get3A_19 : vector<256xf32>
    %get3A_21 = arith.constant 0 : index
    %get3A_22 = arith.constant 0 : index
    %get3A_23 = vector.load %arg2[%get3A_21, %get3A_22] : memref<2048x256xf32, #tpu.memory_space<vmem>>, vector<2048x256xf32>
    %broadcast_in_dim3A = vector.shape_cast %mul3A_11 : vector<256xf32> to vector<1x256xf32>
    %sub3A_24 = vector.broadcast %broadcast_in_dim3A : vector<1x256xf32> to vector<2048x256xf32>
    %sub3A_25 = arith.subf %get3A_23, %sub3A_24 : vector<2048x256xf32>
    %broadcast_in_dim3A_26 = vector.shape_cast %mul3A_20 : vector<256xf32> to vector<1x256xf32>
    %mul3A_27 = vector.broadcast %broadcast_in_dim3A_26 : vector<1x256xf32> to vector<2048x256xf32>
    %mul3A_28 = arith.mulf %sub3A_25, %mul3A_27 : vector<2048x256xf32>
    %get3A_29 = arith.constant 0 : index
    %get3A_30 = vector.load %arg6[%get3A_29] : memref<256xf32, #tpu.memory_space<vmem>>, vector<256xf32>
    %broadcast_in_dim3A_31 = vector.shape_cast %get3A_30 : vector<256xf32> to vector<1x256xf32>
    %add3A_32 = vector.broadcast %broadcast_in_dim3A_31 : vector<1x256xf32> to vector<2048x256xf32>
    %add3A_33 = arith.addf %mul3A_28, %add3A_32 : vector<2048x256xf32>
    %ge3A = arith.constant 0.000000e+00 : f32
    %ge3A_34 = vector.broadcast %ge3A : f32 to vector<2048x256xf32>
    %ge3A_35 = arith.cmpf oge, %add3A_33, %ge3A_34 : vector<2048x256xf32>
    %mul3A_36 = arith.constant 2.000000e-01 : f32
    %mul3A_37 = vector.broadcast %mul3A_36 : f32 to vector<2048x256xf32>
    %mul3A_38 = arith.mulf %mul3A_37, %add3A_33 : vector<2048x256xf32>
    %select_n3A = arith.select %ge3A_35, %add3A_33, %mul3A_38 : vector<2048x256xi1>, vector<2048x256xf32>
    %reduce_max3A = arith.constant dense<0xFF800000> : vector<256xf32>
    %reduce_max3A_39 = vector.multi_reduction <maximumf>, %select_n3A, %reduce_max3A [0] : vector<2048x256xf32> to vector<256xf32>
    %broadcast_in_dim3A_40 = vector.shape_cast %reduce_max3A_39 : vector<256xf32> to vector<1x1x256xf32>
    %eq3A = arith.constant 0 : i32
    %eq3A_41 = arith.cmpi eq, %arg1, %eq3A : i32
    %convert_element_type3A = arith.extui %eq3A_41 : i1 to i32
    %cond3A = arith.constant 0 : i32
    %cond3A_42 = arith.cmpi ne, %convert_element_type3A, %cond3A : i32
    scf.if %cond3A_42 {
      %broadcast_in_dim3A_50 = arith.constant 0xFF800000 : f32
      %broadcast_in_dim3A_51 = vector.broadcast %broadcast_in_dim3A_50 : f32 to vector<1x1x256xf32>
      %swap3A_52 = arith.constant 0 : index
      %swap3A_53 = arith.constant 0 : index
      %swap3A_54 = arith.constant 0 : index
      %swap3A_55 = vector.load %arg7[%swap3A_52, %swap3A_53, %swap3A_54] : memref<1x1x256xf32, #tpu.memory_space<vmem>>, vector<1x1x256xf32>
      tpu.vector_store %arg7[%swap3A_52, %swap3A_53, %swap3A_54], %broadcast_in_dim3A_51 {strides = array<i32>} : memref<1x1x256xf32, #tpu.memory_space<vmem>>, vector<1x1x256xf32>,
    } else {
    }
    %get3A_43 = arith.constant 0 : index
    %get3A_44 = arith.constant 0 : index
    %get3A_45 = arith.constant 0 : index
    %get3A_46 = vector.load %arg7[%get3A_43, %get3A_44, %get3A_45] : memref<1x1x256xf32, #tpu.memory_space<vmem>>, vector<1x1x256xf32>
    %max3A = arith.maximumf %get3A_46, %broadcast_in_dim3A_40 : vector<1x1x256xf32>
    %swap3A = arith.constant 0 : index
    %swap3A_47 = arith.constant 0 : index
    %swap3A_48 = arith.constant 0 : index
    %swap3A_49 = vector.load %arg7[%swap3A, %swap3A_47, %swap3A_48] : memref<1x1x256xf32, #tpu.memory_space<vmem>>, vector<1x1x256xf32>
    tpu.vector_store %arg7[%swap3A, %swap3A_47, %swap3A_48], %max3A {strides = array<i32>} : memref<1x1x256xf32, #tpu.memory_space<vmem>>, vector<1x1x256xf32>,
    return
  }
  func.func @transform_0(%arg0: i32, %arg1: i32) -> (i32, i32) {
    %mul3A = arith.constant 1 : i32
    %mul3A_0 = arith.muli %arg0, %mul3A : i32
    %add3A = arith.addi %mul3A_0, %arg1 : i32
    %c0_i32 = arith.constant 0 : i32
    %c0_i32_1 = arith.constant 0 : i32
    return %add3A, %c0_i32 : i32, i32
  }
  func.func @transform_1(%arg0: i32, %arg1: i32) -> (i32, i32, i32) {
    %c0_i32 = arith.constant 0 : i32
    %c0_i32_0 = arith.constant 0 : i32
    %c0_i32_1 = arith.constant 0 : i32
    %c0_i32_2 = arith.constant 0 : i32
    return %c0_i32, %c0_i32_0, %c0_i32_1 : i32, i32, i32
  }
  func.func @transform_2(%arg0: i32, %arg1: i32) -> (i32, i32, i32) {
    %c0_i32 = arith.constant 0 : i32
    %c0_i32_0 = arith.constant 0 : i32
    %c0_i32_1 = arith.constant 0 : i32
    %c0_i32_2 = arith.constant 0 : i32
    return %c0_i32, %c0_i32_0, %c0_i32_1 : i32, i32, i32
  }
  func.func @transform_3(%arg0: i32, %arg1: i32) -> i32 {
    %c0_i32 = arith.constant 0 : i32
    %c0_i32_0 = arith.constant 0 : i32
    return %c0_i32 : i32
  }
  func.func @transform_4(%arg0: i32, %arg1: i32) -> i32 {
    %c0_i32 = arith.constant 0 : i32
    %c0_i32_0 = arith.constant 0 : i32
    return %c0_i32 : i32
  }
  func.func @transform_5(%arg0: i32, %arg1: i32) -> (i32, i32, i32) {
    %c0_i32 = arith.constant 0 : i32
    %c0_i32_0 = arith.constant 0 : i32
    %c0_i32_1 = arith.constant 0 : i32
    return %arg0, %c0_i32, %c0_i32_0 : i32, i32, i32
  }
}

module attributes {stable_mosaic.version = 14 : i64} {
  func.func @_cat_body(%arg0: i32, %arg1: i32, %arg2: memref<1024x64xf32, #tpu.memory_space<vmem>>, %arg3: memref<1024x64xf32, #tpu.memory_space<vmem>>, %arg4: memref<1024x128xf32, #tpu.memory_space<vmem>>, %arg5: memref<1024x256xf32, #tpu.memory_space<vmem>>, %arg6: memref<1x1x256xf32, #tpu.memory_space<vmem>>, %arg7: memref<64x256xf32, #tpu.memory_space<vmem>>, %arg8: memref<64x256xf32, #tpu.memory_space<vmem>>, %arg9: memref<128x256xf32, #tpu.memory_space<vmem>>, %arg10: memref<256x256xf32, #tpu.memory_space<vmem>>, %arg11: memref<256x256xf32, #tpu.memory_space<vmem>>, %arg12: memref<1024x256xf32, #tpu.memory_space<vmem>>) attributes {dimension_semantics = [#tpu.dimension_semantics<arbitrary>, #tpu.dimension_semantics<arbitrary>], iteration_bounds = array<i64: 8, 2>, scalar_prefetch = 0 : i64, scratch_operands = 0 : i64, tpu.core_type = #tpu.core_type<tc>, window_params = [{transform_indices = @transform_0, window_bounds = array<i64: 1024, 64>}, {transform_indices = @transform_1, window_bounds = array<i64: 1024, 64>}, {transform_indices = @transform_2, window_bounds = array<i64: 1024, 128>}, {transform_indices = @transform_3, window_bounds = array<i64: 1024, 256>}, {transform_indices = @transform_4, window_bounds = array<i64: 1, 1, 256>}, {pipeline_mode = #tpu.pipeline_mode<synchronous>, transform_indices = @transform_5, window_bounds = array<i64: 64, 256>}, {pipeline_mode = #tpu.pipeline_mode<synchronous>, transform_indices = @transform_6, window_bounds = array<i64: 64, 256>}, {pipeline_mode = #tpu.pipeline_mode<synchronous>, transform_indices = @transform_7, window_bounds = array<i64: 128, 256>}, {pipeline_mode = #tpu.pipeline_mode<synchronous>, transform_indices = @transform_8, window_bounds = array<i64: 256, 256>}, {pipeline_mode = #tpu.pipeline_mode<synchronous>, transform_indices = @transform_9, window_bounds = array<i64: 256, 256>}, {transform_indices = @transform_10, window_bounds = array<i64: 1024, 256>}]} {
    %get3A = arith.constant 0 : index
    %get3A_0 = arith.constant 0 : index
    %get3A_1 = vector.load %arg2[%get3A, %get3A_0] : memref<1024x64xf32, #tpu.memory_space<vmem>>, vector<1024x64xf32>
    %get3A_2 = arith.constant 0 : index
    %get3A_3 = arith.constant 0 : index
    %get3A_4 = vector.load %arg7[%get3A_2, %get3A_3] : memref<64x256xf32, #tpu.memory_space<vmem>>, vector<64x256xf32>
    %dot_general3A = arith.constant dense<0.000000e+00> : vector<1024x256xf32>
    %dot_general3A_5 = tpu.matmul %get3A_1, %get3A_4, %dot_general3A {dimension_numbers = #tpu.dot_dimension_numbers<[1], [0], [0], [1], [0, 0, 1, 1], [], []>, transpose_lhs_hint = false} : vector<1024x64xf32>, vector<64x256xf32>, vector<1024x256xf32> -> vector<1024x256xf32>
    %get3A_6 = arith.constant 0 : index
    %get3A_7 = arith.constant 0 : index
    %get3A_8 = vector.load %arg3[%get3A_6, %get3A_7] : memref<1024x64xf32, #tpu.memory_space<vmem>>, vector<1024x64xf32>
    %get3A_9 = arith.constant 0 : index
    %get3A_10 = arith.constant 0 : index
    %get3A_11 = vector.load %arg8[%get3A_9, %get3A_10] : memref<64x256xf32, #tpu.memory_space<vmem>>, vector<64x256xf32>
    %dot_general3A_12 = arith.constant dense<0.000000e+00> : vector<1024x256xf32>
    %dot_general3A_13 = tpu.matmul %get3A_8, %get3A_11, %dot_general3A_12 {dimension_numbers = #tpu.dot_dimension_numbers<[1], [0], [0], [1], [0, 0, 1, 1], [], []>, transpose_lhs_hint = false} : vector<1024x64xf32>, vector<64x256xf32>, vector<1024x256xf32> -> vector<1024x256xf32>
    %add3A = arith.addf %dot_general3A_5, %dot_general3A_13 : vector<1024x256xf32>
    %get3A_14 = arith.constant 0 : index
    %get3A_15 = arith.constant 0 : index
    %get3A_16 = vector.load %arg4[%get3A_14, %get3A_15] : memref<1024x128xf32, #tpu.memory_space<vmem>>, vector<1024x128xf32>
    %get3A_17 = arith.constant 0 : index
    %get3A_18 = arith.constant 0 : index
    %get3A_19 = vector.load %arg9[%get3A_17, %get3A_18] : memref<128x256xf32, #tpu.memory_space<vmem>>, vector<128x256xf32>
    %dot_general3A_20 = arith.constant dense<0.000000e+00> : vector<1024x256xf32>
    %dot_general3A_21 = tpu.matmul %get3A_16, %get3A_19, %dot_general3A_20 {dimension_numbers = #tpu.dot_dimension_numbers<[1], [0], [0], [1], [0, 0, 1, 1], [], []>, transpose_lhs_hint = false} : vector<1024x128xf32>, vector<128x256xf32>, vector<1024x256xf32> -> vector<1024x256xf32>
    %add3A_22 = arith.addf %add3A, %dot_general3A_21 : vector<1024x256xf32>
    %get3A_23 = arith.constant 0 : index
    %get3A_24 = arith.constant 0 : index
    %get3A_25 = vector.load %arg5[%get3A_23, %get3A_24] : memref<1024x256xf32, #tpu.memory_space<vmem>>, vector<1024x256xf32>
    %get3A_26 = arith.constant 0 : index
    %get3A_27 = arith.constant 0 : index
    %get3A_28 = vector.load %arg10[%get3A_26, %get3A_27] : memref<256x256xf32, #tpu.memory_space<vmem>>, vector<256x256xf32>
    %dot_general3A_29 = arith.constant dense<0.000000e+00> : vector<1024x256xf32>
    %dot_general3A_30 = tpu.matmul %get3A_25, %get3A_28, %dot_general3A_29 {dimension_numbers = #tpu.dot_dimension_numbers<[1], [0], [0], [1], [0, 0, 1, 1], [], []>, transpose_lhs_hint = false} : vector<1024x256xf32>, vector<256x256xf32>, vector<1024x256xf32> -> vector<1024x256xf32>
    %add3A_31 = arith.addf %add3A_22, %dot_general3A_30 : vector<1024x256xf32>
    %get3A_32 = arith.constant 0 : index
    %get3A_33 = arith.constant 0 : index
    %get3A_34 = arith.constant 0 : index
    %get3A_35 = vector.load %arg6[%get3A_32, %get3A_33, %get3A_34] : memref<1x1x256xf32, #tpu.memory_space<vmem>>, vector<1x1x256xf32>
    %get3A_36 = vector.shape_cast %get3A_35 : vector<1x1x256xf32> to vector<1x256xf32>
    %get3A_37 = arith.constant 0 : index
    %get3A_38 = arith.constant 0 : index
    %get3A_39 = vector.load %arg11[%get3A_37, %get3A_38] : memref<256x256xf32, #tpu.memory_space<vmem>>, vector<256x256xf32>
    %dot_general3A_40 = arith.constant dense<0.000000e+00> : vector<1x256xf32>
    %dot_general3A_41 = tpu.matmul %get3A_36, %get3A_39, %dot_general3A_40 {dimension_numbers = #tpu.dot_dimension_numbers<[1], [0], [0], [1], [0, 0, 1, 1], [], []>, transpose_lhs_hint = false} : vector<1x256xf32>, vector<256x256xf32>, vector<1x256xf32> -> vector<1x256xf32>
    %add3A_42 = vector.broadcast %dot_general3A_41 : vector<1x256xf32> to vector<1024x256xf32>
    %add3A_43 = arith.addf %add3A_31, %add3A_42 : vector<1024x256xf32>
    %swap3A = arith.constant 0 : index
    %swap3A_44 = arith.constant 0 : index
    %swap3A_45 = vector.load %arg12[%swap3A, %swap3A_44] : memref<1024x256xf32, #tpu.memory_space<vmem>>, vector<1024x256xf32>
    tpu.vector_store %arg12[%swap3A, %swap3A_44], %add3A_43 {strides = array<i32>} : memref<1024x256xf32, #tpu.memory_space<vmem>>, vector<1024x256xf32>,
    return
  }
  func.func @transform_0(%arg0: i32, %arg1: i32) -> (i32, i32) {
    %mul3A = arith.constant 2 : i32
    %mul3A_0 = arith.muli %arg0, %mul3A : i32
    %add3A = arith.addi %mul3A_0, %arg1 : i32
    %c0_i32 = arith.constant 0 : i32
    %c0_i32_1 = arith.constant 0 : i32
    return %add3A, %c0_i32 : i32, i32
  }
  func.func @transform_1(%arg0: i32, %arg1: i32) -> (i32, i32) {
    %mul3A = arith.constant 2 : i32
    %mul3A_0 = arith.muli %arg0, %mul3A : i32
    %add3A = arith.addi %mul3A_0, %arg1 : i32
    %c0_i32 = arith.constant 0 : i32
    %c0_i32_1 = arith.constant 0 : i32
    return %add3A, %c0_i32 : i32, i32
  }
  func.func @transform_2(%arg0: i32, %arg1: i32) -> (i32, i32) {
    %mul3A = arith.constant 2 : i32
    %mul3A_0 = arith.muli %arg0, %mul3A : i32
    %add3A = arith.addi %mul3A_0, %arg1 : i32
    %c0_i32 = arith.constant 0 : i32
    %c0_i32_1 = arith.constant 0 : i32
    return %add3A, %c0_i32 : i32, i32
  }
  func.func @transform_3(%arg0: i32, %arg1: i32) -> (i32, i32) {
    %mul3A = arith.constant 2 : i32
    %mul3A_0 = arith.muli %arg0, %mul3A : i32
    %add3A = arith.addi %mul3A_0, %arg1 : i32
    %c0_i32 = arith.constant 0 : i32
    %c0_i32_1 = arith.constant 0 : i32
    return %add3A, %c0_i32 : i32, i32
  }
  func.func @transform_4(%arg0: i32, %arg1: i32) -> (i32, i32, i32) {
    %c0_i32 = arith.constant 0 : i32
    %c0_i32_0 = arith.constant 0 : i32
    %c0_i32_1 = arith.constant 0 : i32
    return %arg0, %c0_i32, %c0_i32_0 : i32, i32, i32
  }
  func.func @transform_5(%arg0: i32, %arg1: i32) -> (i32, i32) {
    %c0_i32 = arith.constant 0 : i32
    %c0_i32_0 = arith.constant 0 : i32
    %c0_i32_1 = arith.constant 0 : i32
    return %c0_i32, %c0_i32_0 : i32, i32
  }
  func.func @transform_6(%arg0: i32, %arg1: i32) -> (i32, i32) {
    %c0_i32 = arith.constant 0 : i32
    %c0_i32_0 = arith.constant 0 : i32
    %c0_i32_1 = arith.constant 0 : i32
    return %c0_i32, %c0_i32_0 : i32, i32
  }
  func.func @transform_7(%arg0: i32, %arg1: i32) -> (i32, i32) {
    %c0_i32 = arith.constant 0 : i32
    %c0_i32_0 = arith.constant 0 : i32
    %c0_i32_1 = arith.constant 0 : i32
    return %c0_i32, %c0_i32_0 : i32, i32
  }
  func.func @transform_8(%arg0: i32, %arg1: i32) -> (i32, i32) {
    %c0_i32 = arith.constant 0 : i32
    %c0_i32_0 = arith.constant 0 : i32
    %c0_i32_1 = arith.constant 0 : i32
    return %c0_i32, %c0_i32_0 : i32, i32
  }
  func.func @transform_9(%arg0: i32, %arg1: i32) -> (i32, i32) {
    %c0_i32 = arith.constant 0 : i32
    %c0_i32_0 = arith.constant 0 : i32
    %c0_i32_1 = arith.constant 0 : i32
    return %c0_i32, %c0_i32_0 : i32, i32
  }
  func.func @transform_10(%arg0: i32, %arg1: i32) -> (i32, i32) {
    %mul3A = arith.constant 2 : i32
    %mul3A_0 = arith.muli %arg0, %mul3A : i32
    %add3A = arith.addi %mul3A_0, %arg1 : i32
    %c0_i32 = arith.constant 0 : i32
    %c0_i32_1 = arith.constant 0 : i32
    return %add3A, %c0_i32 : i32, i32
  }
}

module attributes {stable_mosaic.version = 14 : i64} {
  func.func @_norm_body(%arg0: i32, %arg1: memref<2048x256xf32, #tpu.memory_space<vmem>>, %arg2: memref<8x1x256xf32, #tpu.memory_space<vmem>>, %arg3: memref<8x1x256xf32, #tpu.memory_space<vmem>>, %arg4: memref<256xf32, #tpu.memory_space<vmem>>, %arg5: memref<256xf32, #tpu.memory_space<vmem>>, %arg6: memref<2048x256xf32, #tpu.memory_space<vmem>>) attributes {dimension_semantics = [#tpu.dimension_semantics<arbitrary>], iteration_bounds = array<i64: 8>, scalar_prefetch = 0 : i64, scratch_operands = 0 : i64, tpu.core_type = #tpu.core_type<tc>, window_params = [{transform_indices = @transform_0, window_bounds = array<i64: 2048, 256>}, {pipeline_mode = #tpu.pipeline_mode<synchronous>, transform_indices = @transform_1, window_bounds = array<i64: 8, 1, 256>}, {pipeline_mode = #tpu.pipeline_mode<synchronous>, transform_indices = @transform_2, window_bounds = array<i64: 8, 1, 256>}, {pipeline_mode = #tpu.pipeline_mode<synchronous>, transform_indices = @transform_3, window_bounds = array<i64: 256>}, {pipeline_mode = #tpu.pipeline_mode<synchronous>, transform_indices = @transform_4, window_bounds = array<i64: 256>}, {transform_indices = @transform_5, window_bounds = array<i64: 2048, 256>}]} {
    %get3A = arith.constant 0 : index
    %get3A_0 = arith.constant 0 : index
    %get3A_1 = arith.constant 0 : index
    %get3A_2 = vector.load %arg2[%get3A, %get3A_0, %get3A_1] : memref<8x1x256xf32, #tpu.memory_space<vmem>>, vector<8x1x256xf32>
    %reduce_sum3A = arith.constant dense<0.000000e+00> : vector<256xf32>
    %reduce_sum3A_3 = vector.multi_reduction <add>, %get3A_2, %reduce_sum3A [0, 1] : vector<8x1x256xf32> to vector<256xf32>
    %get3A_4 = arith.constant 0 : index
    %get3A_5 = arith.constant 0 : index
    %get3A_6 = arith.constant 0 : index
    %get3A_7 = vector.load %arg3[%get3A_4, %get3A_5, %get3A_6] : memref<8x1x256xf32, #tpu.memory_space<vmem>>, vector<8x1x256xf32>
    %reduce_sum3A_8 = arith.constant dense<0.000000e+00> : vector<256xf32>
    %reduce_sum3A_9 = vector.multi_reduction <add>, %get3A_7, %reduce_sum3A_8 [0, 1] : vector<8x1x256xf32> to vector<256xf32>
    %mul3A = arith.constant 6.10351563E-5 : f32
    %mul3A_10 = vector.broadcast %mul3A : f32 to vector<256xf32>
    %mul3A_11 = arith.mulf %reduce_sum3A_3, %mul3A_10 : vector<256xf32>
    %mul3A_12 = arith.constant 6.10351563E-5 : f32
    %mul3A_13 = vector.broadcast %mul3A_12 : f32 to vector<256xf32>
    %mul3A_14 = arith.mulf %reduce_sum3A_9, %mul3A_13 : vector<256xf32>
    %mul3A_15 = arith.mulf %mul3A_11, %mul3A_11 : vector<256xf32>
    %sub3A = arith.subf %mul3A_14, %mul3A_15 : vector<256xf32>
    %add3A = arith.constant 9.99999974E-6 : f32
    %add3A_16 = vector.broadcast %add3A : f32 to vector<256xf32>
    %add3A_17 = arith.addf %sub3A, %add3A_16 : vector<256xf32>
    %rsqrt3A = math.rsqrt %add3A_17 : vector<256xf32>
    %get3A_18 = arith.constant 0 : index
    %get3A_19 = vector.load %arg4[%get3A_18] : memref<256xf32, #tpu.memory_space<vmem>>, vector<256xf32>
    %mul3A_20 = arith.mulf %rsqrt3A, %get3A_19 : vector<256xf32>
    %get3A_21 = arith.constant 0 : index
    %get3A_22 = arith.constant 0 : index
    %get3A_23 = vector.load %arg1[%get3A_21, %get3A_22] : memref<2048x256xf32, #tpu.memory_space<vmem>>, vector<2048x256xf32>
    %broadcast_in_dim3A = vector.shape_cast %mul3A_11 : vector<256xf32> to vector<1x256xf32>
    %sub3A_24 = vector.broadcast %broadcast_in_dim3A : vector<1x256xf32> to vector<2048x256xf32>
    %sub3A_25 = arith.subf %get3A_23, %sub3A_24 : vector<2048x256xf32>
    %broadcast_in_dim3A_26 = vector.shape_cast %mul3A_20 : vector<256xf32> to vector<1x256xf32>
    %mul3A_27 = vector.broadcast %broadcast_in_dim3A_26 : vector<1x256xf32> to vector<2048x256xf32>
    %mul3A_28 = arith.mulf %sub3A_25, %mul3A_27 : vector<2048x256xf32>
    %get3A_29 = arith.constant 0 : index
    %get3A_30 = vector.load %arg5[%get3A_29] : memref<256xf32, #tpu.memory_space<vmem>>, vector<256xf32>
    %broadcast_in_dim3A_31 = vector.shape_cast %get3A_30 : vector<256xf32> to vector<1x256xf32>
    %add3A_32 = vector.broadcast %broadcast_in_dim3A_31 : vector<1x256xf32> to vector<2048x256xf32>
    %add3A_33 = arith.addf %mul3A_28, %add3A_32 : vector<2048x256xf32>
    %ge3A = arith.constant 0.000000e+00 : f32
    %ge3A_34 = vector.broadcast %ge3A : f32 to vector<2048x256xf32>
    %ge3A_35 = arith.cmpf oge, %add3A_33, %ge3A_34 : vector<2048x256xf32>
    %mul3A_36 = arith.constant 2.000000e-01 : f32
    %mul3A_37 = vector.broadcast %mul3A_36 : f32 to vector<2048x256xf32>
    %mul3A_38 = arith.mulf %mul3A_37, %add3A_33 : vector<2048x256xf32>
    %select_n3A = arith.select %ge3A_35, %add3A_33, %mul3A_38 : vector<2048x256xi1>, vector<2048x256xf32>
    %swap3A = arith.constant 0 : index
    %swap3A_39 = arith.constant 0 : index
    %swap3A_40 = vector.load %arg6[%swap3A, %swap3A_39] : memref<2048x256xf32, #tpu.memory_space<vmem>>, vector<2048x256xf32>
    tpu.vector_store %arg6[%swap3A, %swap3A_39], %select_n3A {strides = array<i32>} : memref<2048x256xf32, #tpu.memory_space<vmem>>, vector<2048x256xf32>,
    return
  }
  func.func @transform_0(%arg0: i32) -> (i32, i32) {
    %c0_i32 = arith.constant 0 : i32
    %c0_i32_0 = arith.constant 0 : i32
    return %arg0, %c0_i32 : i32, i32
  }
  func.func @transform_1(%arg0: i32) -> (i32, i32, i32) {
    %c0_i32 = arith.constant 0 : i32
    %c0_i32_0 = arith.constant 0 : i32
    %c0_i32_1 = arith.constant 0 : i32
    %c0_i32_2 = arith.constant 0 : i32
    return %c0_i32, %c0_i32_0, %c0_i32_1 : i32, i32, i32
  }
  func.func @transform_2(%arg0: i32) -> (i32, i32, i32) {
    %c0_i32 = arith.constant 0 : i32
    %c0_i32_0 = arith.constant 0 : i32
    %c0_i32_1 = arith.constant 0 : i32
    %c0_i32_2 = arith.constant 0 : i32
    return %c0_i32, %c0_i32_0, %c0_i32_1 : i32, i32, i32
  }
  func.func @transform_3(%arg0: i32) -> i32 {
    %c0_i32 = arith.constant 0 : i32
    %c0_i32_0 = arith.constant 0 : i32
    return %c0_i32 : i32
  }
  func.func @transform_4(%arg0: i32) -> i32 {
    %c0_i32 = arith.constant 0 : i32
    %c0_i32_0 = arith.constant 0 : i32
    return %c0_i32 : i32
  }
  func.func @transform_5(%arg0: i32) -> (i32, i32) {
    %c0_i32 = arith.constant 0 : i32
    %c0_i32_0 = arith.constant 0 : i32
    return %arg0, %c0_i32 : i32, i32
  }
}

</mosaic_0001>

<sc_bundles>
// kernel: kernel.24.cloned.1.call-start
scs
__scs_entry_jumppad:
0x0: {  	(pc) =	sbr.rel $0x88, $3  }
0x1: {  	(tag) =	ssettag $0x0;
	lr =	simm.s32 $0x1  }
0x2: {  	[smem:$0x3F8E] =	sst lr;
	_ =	strace $0xD0000000  }
0x3: {  	_ = 	snop  }
0x4: {  	_ = 	snop  }
0x5: {  	_ = 	snop  }
0x6: {  	_ = 	snop  }
0x7: {  	_ = 	snop  }
__scs_overlays_trampoline_lowered:
0x8: {  	[smem:$0x3F9D] =	sst s0  }
0x9: {  	[smem:$0x3F9E] =	sst s1  }
0xa: {  	[smem:$0x3F9F] =	sst s2  }
0xb: {  	[smem:$0x3FA0] =	sst s3  }
0xc: {  	[smem:$0x3FA1] =	sst s4  }
0xd: {  	[smem:$0x3FA2] =	sst s5  }
0xe: {  	[smem:$0x3FA3] =	sst s6  }
0xf: {  	[smem:$0x3FA4] =	sst s7  }
0x10: {  	[smem:$0x3FA5] =	sst s8  }
0x11: {  	[smem:$0x3FA6] =	sst s9;
	s0 =	simm.s32 @!p0 $0x0  }
0x12: {  	s1 =	sld [smem:$0x3F8C];
	s0 =	simm.s32 @p0 $0x1  }
0x13: {  	[smem:$0x3FA7] =	sst s0;
	s0 =	simm.s32 @!p1 $0x0  }
0x14: {  	s2 =	sld [smem:$0x3F8B];
	s0 =	simm.s32 @p1 $0x1  }
0x15: {  	[smem:$0x3FA8] =	sst s0;
	s0 =	simm.s32 @!p2 $0x0  }
0x16: {  	s3 =	sld [smem:$0x3FDB];
	s0 =	simm.s32 @p2 $0x1  }
0x17: {  	s4 =	simm.s32 $0x1BF5;
	[smem:$0x3FAA] =	sst s0  }
0x18: {  	s0 =	sld [smem:$0x3F8D];
	_ =	swait.ge [sflag:s4], $0x0  }
0x19: {  	s7 =	sld [smem:$0x3F8E]  }
0x1a: {  	s8 =	sadd.s32 $0xFFFFE003, lr  }
0x1b: {  	s9 =	sadd.s32 $0xFFFFFEF7, lr;
	s5 =	simm.s32 $0xFFFFFFFF;
	p2 =	slt.u32 s8, $0xFFFFF086  }
0x1c: {  	p1 =	slt.u32 s9, $0xF7A;
	s5 =	simm.s32 @!p2 $0x0  }
0x1d: {  	s5 =	simm.s32 @p1 $0x1;
	p0 =	seq.s32 s7, s2  }
0x1e: {  	s7 =	smul.u32 @!p0 $0xF7A, s2;
	p2 =	seq.s32 @!p0 s5, $0x0  }
0x1f: {  	s9 =	smul.u32 $0xF7A, s1;
	s8 =	simm.s32 @!p0 $0x1BF5;
	p2 =	por !p2, p0  }
0x20: {  	[sflag:s8] =	ssyncset.s32 @!p0 $0xFFFFF086;
	s6 =	sadd.s32 @!p0 s3, s7;
	s7 =	simm.s32 @!p0 $0x108  }
0x21: {  	s3 =	sadd.s32 s3, s9;
	s6 =	sadd.s32 @!p0 $0x88, s6;
	s7 =	simm.s32 @p2 $0x1082  }
0x22: {  	[simem:s7], [sflag:s8] =	dma.local @!p0 [hbm:s6], $0xF7A  }
0x23: {  	s9 =	sor.u32 $0xD0000000, s2;
	s6 =	simm.s32 $0x108;
	_ =	swait.ge @!p0 [sflag:s8], $0x0  }
0x24: {  	s3 =	sadd.s32 $0x88, s3;
	s6 =	simm.s32 @!p1 $0x1082;
	[sflag:s4] =	ssyncset.s32 $0xFFFFF086  }
0x25: {  	[simem:s6], [sflag:s4] =	dma.local [hbm:s3], $0xF7A  }
0x26: {  	[smem:$0x3F8E] =	sst s1;
	(tag) =	ssettag s2;
	_ =	strace s9  }
0x27: {  	s1 =	sld [smem:$0x3F9E]  }
0x28: {  	s2 =	sld [smem:$0x3F9F]  }
0x29: {  	s4 =	sld [smem:$0x3FA1]  }
0x2a: {  	p0 =	seq.s32 s5, $0x0;
	s5 =	sld [smem:$0x3FA2]  }
0x2b: {  	s6 =	sld [smem:$0x3FA3]  }
0x2c: {  	s7 =	sld [smem:$0x3FA4]  }
0x2d: {  	s3 =	simm.s32 $0x108;
	s8 =	sld [smem:$0x3FA5]  }
0x2e: {  	s3 =	simm.s32 @!p0 $0x1082;
	s9 =	sld [smem:$0x3FA6]  }
0x2f: {  	lr =	sadd.s32 s0, s3;
	s0 =	sld [smem:$0x3F9D]  }
0x30: {  	s3 =	sld [smem:$0x3FA0]  }
0x31: {  	[smem:$0x3FA9] =	sst s10  }
0x32: {  	s10 =	sld [smem:$0x3FA7];
	_ =	sdelay $0x3  }
0x33: {  	p0 =	seq.s32 s10, $0x1;
	s10 =	sld [smem:$0x3FA9];
	_ =	sdelay $0x3  }
0x34: {  	[smem:$0x3FA9] =	sst s10  }
0x35: {  	s10 =	sld [smem:$0x3FA8];
	_ =	sdelay $0x3  }
0x36: {  	p1 =	seq.s32 s10, $0x1;
	s10 =	sld [smem:$0x3FA9];
	_ =	sdelay $0x3  }
0x37: {  	[smem:$0x3FA9] =	sst s10  }
0x38: {  	s10 =	sld [smem:$0x3FAA]  }
0x39: {  	_ = 	snop;
	(pc) =	sbr.ind lr, $3  }
0x3a: {  	_ = 	snop  }
0x3b: {  	_ = 	snop  }
0x3c: {  	p2 =	seq.s32 s10, $0x1;
	s10 =	sld [smem:$0x3FA9]  }
0x3d: {  	_ =	shalt  }
0x3e: {  	_ =	shalt  }
0x3f: {  	_ =	shalt  }
0x40: {  	_ =	shalt  }
0x41: {  	_ =	shalt  }
0x42: {  	_ =	shalt  }
0x43: {  	_ =	shalt  }
0x44: {  	_ =	shalt  }
0x45: {  	_ =	shalt  }
0x46: {  	_ =	shalt  }
0x47: {  	_ =	shalt  }
0x48: {  	_ =	shalt  }
0x49: {  	_ =	shalt  }
0x4a: {  	_ =	shalt  }
0x4b: {  	_ =	shalt  }
0x4c: {  	_ =	shalt  }
0x4d: {  	_ =	shalt  }
0x4e: {  	_ =	shalt  }
0x4f: {  	_ =	shalt  }
0x50: {  	_ =	shalt  }
0x51: {  	_ =	shalt  }
0x52: {  	_ =	shalt  }
0x53: {  	_ =	shalt  }
0x54: {  	_ =	shalt  }
0x55: {  	_ =	shalt  }
0x56: {  	_ =	shalt  }
0x57: {  	_ =	shalt  }
0x58: {  	_ =	shalt  }
0x59: {  	_ =	shalt  }
0x5a: {  	_ =	shalt  }
0x5b: {  	_ =	shalt  }
0x5c: {  	_ =	shalt  }
0x5d: {  	_ =	shalt  }
0x5e: {  	_ =	shalt  }
0x5f: {  	_ =	shalt  }
0x60: {  	_ =	shalt  }
0x61: {  	_ =	shalt  }
0x62: {  	_ =	shalt  }
0x63: {  	_ =	shalt  }
0x64: {  	_ =	shalt  }
0x65: {  	_ =	shalt  }
0x66: {  	_ =	shalt  }
0x67: {  	_ =	shalt  }
0x68: {  	_ =	shalt  }
0x69: {  	_ =	shalt  }
0x6a: {  	_ =	shalt  }
0x6b: {  	_ =	shalt  }
0x6c: {  	_ =	shalt  }
0x6d: {  	_ =	shalt  }
0x6e: {  	_ =	shalt  }
0x6f: {  	_ =	shalt  }
0x70: {  	_ =	shalt  }
0x71: {  	_ =	shalt  }
0x72: {  	_ =	shalt  }
0x73: {  	_ =	shalt  }
0x74: {  	_ =	shalt  }
0x75: {  	_ =	shalt  }
0x76: {  	_ =	shalt  }
0x77: {  	_ =	shalt  }
0x78: {  	_ =	shalt  }
0x79: {  	_ =	shalt  }
0x7a: {  	_ =	shalt  }
0x7b: {  	_ =	shalt  }
0x7c: {  	_ =	shalt  }
0x7d: {  	_ =	shalt  }
0x7e: {  	_ =	shalt  }
0x7f: {  	_ =	shalt  }
0x80: {  	_ =	shalt  }
0x81: {  	_ =	shalt  }
0x82: {  	_ =	shalt  }
0x83: {  	_ =	shalt  }
0x84: {  	_ =	shalt  }
0x85: {  	_ =	shalt  }
0x86: {  	_ =	shalt  }
0x87: {  	_ =	shalt  }
.Lfunc_end0:
.L_simem_size_0:
called_computation_lowered:
.L_overlay_start_0:
0x88: {  	s2 =	sld [smem:$0x3FD9]  }
0x89: {  	s3 =	sld [smem:$0x3FFE];
	_ =	sdelay $0x1  }
0x8a: {  	s1 =	srdreg.scid  }
0x8b: {  	s0 =	sand.u32 $0x1, s1  }
0x8c: {  	s17 =	sshll.u32 s0, $0xA;
	s2 =	sadd.s32 s3, s2  }
0x8d: {  	s2 =	sadd.s32 s2, s17  }
0x8e: {  	[smem:$0x3FB5] =	sst s2  }
0x8f: {  	_ = 	snop  }
0x90: {  	s2 =	sld [smem:$0x3FD0];
	(tm) =	ssettm $0x1  }
0x91: {  	s18 =	sld [smem:$0x3FFB];
	_ =	sdelay $0x3  }
0x92: {  	_ =	strace s18  }
0x93: {  	s3 =	sld [smem:$0x3FFC];
	_ =	sdelay $0x3  }
0x94: {  	_ =	strace s3  }
0x95: {  	s3 =	sld [smem:$0x3FFD];
	_ =	sdelay $0x3  }
0x96: {  	_ =	strace s3  }
0x97: {  	_ =	strace $0x8FFFFFFF  }
0x98: {  	s19 =	sld [smem:$0x3FDB];
	_ =	sdelay $0x1  }
0x99: {  	s4 =	simm.s32 $_scs_section_size  }
0x9a: {  	s5 =	simm.s32 $_size__tile_overlayer_lowered;
	s6 =	simm.s32 $_tile_overlayer_lowered  }
0x9b: {  	s22 =	simm.s32 $0x1BFF;
	s21 =	sshll.u32 s6, $0x1;
	s3 =	sadd.s32 s4, s19  }
0x9c: {  	s7 =	simm.s32 $0x0;
	s20 =	sshll.u32 s5, $0x1;
	s5 =	sadd.s32 s21, s3  }
0x9d: {  	[timem:s7], [sflag:s22] =	dma.local [hbm:s5], s20  }
0x9e: {  	_ =	swait.ge [sflag:s22], s20  }
0x9f: {  	s4 =	ssub.s32 $0x0, s20;
	[sflag:s22] =	ssyncset.done $0x0  }
0xa0: {  	[sflag:s22] =	ssyncadd.s32 s4;
	_ =	sdelay $0x1  }
0xa1: {  	s23 =	simm.s32 $0x1B8B  }
0xa2: {  	_ =	swait.ge [sflag:s23], $0x1  }
0xa3: {  	[sflag:s23] =	ssyncset.done $0x0  }
0xa4: {  	s25 =	simm.s32 $0x1B8E;
	s24 =	sld [smem:$0x3FFE];
	[sflag:s23] =	ssyncadd.s32 $0xFFFFFFFF  }
0xa5: {  	s26 =	simm.s32 $execute0_lowered;
	[smem:$0x3FD2] =	sst s25  }
0xa6: {  	s5 =	sshll.u32 s26, $0x1;
	_ =	strace $0x80000046;
	[dreg:$0x1] =	wrdreg $0xFFFFFFFF  }
0xa7: {  	s28 =	simm.s32 $_size_execute0_lowered;
	s3 =	sadd.s32 s3, s5;
	[dreg:$0x0] =	wrdreg $0x0  }
0xa8: {  	s5 =	sshll.u32 s28, $0x1;
	[dreg:$0x2] =	wrdreg s3  }
0xa9: {  	[dreg:$0x3] =	wrdreg s5  }
0xaa: {  	[dreg:$0x4] =	wrdreg $0xC0  }
0xab: {  	_ =	task [dreg:s7], $0x5FFFF  }
0xac: {  	[dreg:$0x1] =	wrdreg $0xFFFFFFFF  }
0xad: {  	[dreg:$0x0] =	wrdreg $0x60  }
0xae: {  	[dreg:$0x2] =	wrdreg s24  }
0xaf: {  	[dreg:$0x3] =	wrdreg s2  }
0xb0: {  	[dreg:$0x4] =	wrdreg $0x9  }
0xb1: {  	_ =	task.clear_ibuf [dreg:s7], $0x5FFFF;
	_ =	strace $0x90000046  }
0xb2: {  	s29 =	simm.s32 $0x9;
	_ =	strace $0x80000048  }
0xb3: {  	_ =	swait.ge [sflag:s29], $0x1  }
0xb4: {  	[sflag:s29] =	ssyncadd.s32 $0xFFFFFFFF  }
0xb5: {  	_ =	strace $0x90000048  }
0xb6: {  	_ =	sfence  }
0xb7: {  	s30 =	sld [smem:$0x0];
	_ =	sdelay $0x2  }
0xb8: {  	s31 =	sshll.u32 s1, $0xD;
	s1 =	sshrl.u32 s1, $0x2  }
0xb9: {  	s3 =	sand.u32 $0x4000, s31;
	s1 =	sadd.s32 s1, s30  }
0xba: {  	s0 =	sor.u32 s3, s0;
	s1 =	sshll.u32 s1, $0x11  }
0xbb: {  	s0 =	sor.u32 s1, s0  }
0xbc: {  	s0 =	sadd.s32 $0x8F2B, s0  }
0xbd: {  	[sflag:s0] =	ssyncadd.remote.s32 $0x1  }
0xbe: {  	_ =	sfence.sel $0xFFFF  }
0xbf: {  	[dreg:$0x0] =	wrdreg $0xFFFFFFFF;
	(pc) =	sbr.abs _section_cstart, $3  }
0xc0: {  	[dreg:$0x1] =	wrdreg $0xFFFFFFFF  }
0xc1: {  	_ =	task.clear_ibuf [dreg:s7], $0x2FFFF;
	_ =	strace $0x9FFFFFFF  }
0xc2: {  	(tm) =	ssettm $0x7FFFFFFF  }
0xc3: {  	_ =	shalt  }
tec
execute0_lowered:
.L_overlay_start_1:
0x0: {  	(tag) =	ssettag $0x1  }
0x1: {  	s4 =	rddreg [dreg:$0x0]  }
0x2: {  	s6 =	rddreg [dreg:$0x1]  }
0x3: {  	s0 =	rddreg [dreg:$0x2]  }
0x4: {  	s2 =	simm.s32 $0x0;
	s1 =	stileid.u32;
	s3 =	srdreg.scid  }
0x5: {  	s12 =	simm.s32 $0x1;
	s13 =	simm.s32 $0x0;
	s7 =	smul.u32 $0x5000, s1  }
0x6: {  	[smem:$0x7FF] =	sst s2;
	s5 =	sand.u32 $0x1, s3;
	s10 =	smul.u32 $0xA000, s1  }
0x7: {  	s3 =	sadd.s32 $0x3800, s4;
	s8 =	ssub.s32 $0x2, s5;
	s9 =	smul.u32 $0x2800, s5  }
0x8: {  	_ =	strace $0x80000047;
	s5 =	smul.u32 $0x5000, s5;
	s11 =	sshrl.u32 s8, $0x1  }
0x9: {  	s30 =	sadd.s32 s10, s4;
	s10 =	simm.s32 $0xA0;
	s8 =	ssub.s32 s8, s11  }
0xa: {  	s7 =	sadd.s32 s9, s7;
	s9 =	sadd.s32 s5, s30;
	s11 =	simm.s32 $0x5A0  }
0xb: {  	s4 =	smax.u32 s8, $0x1;
	s31 =	sor.u32 $0x50, s7;
	s7 =	sshrl.u32 s7, $0x3  }
0xc: {  	s8 =	sshrl.u32 s31, $0x3;
	s5 =	sadd.s32 s7, s6;
	s7 =	sadd.s32 $0xB800, s9  }
0xd: {  	s9 =	simm.s32 $0x50;
	s6 =	sadd.s32 s8, s6;
	s8 =	simm.s32 $0x2  }
.LBB2_1:
0xe: {  	s14 =	sadd.s32 $0x0, s5  }
0xf: {  	[tilespmem:s2], [sflag:$0x2] =	stream.linear.gather [hbm4b:s14+s2], $0x50, $0x38;
	[tilespmem:$0xAA0] =	vst v63  }
0x10: {  	_ =	swait.ge [sflag:s8], $0x50  }
0x11: {  	[sflag:s8] =	ssyncset.done $0x0  }
0x12: {  	s31 =	sadd.s32 $0x0, s6;
	[sflag:s8] =	ssyncadd.s32 $0xFFFFFFB0  }
0x13: {  	[tilespmem:s9], [sflag:$0x2] =	stream.linear.gather [hbm4b:s31+s2], $0x50, $0x38;
	[tilespmem:$0xAA0] =	vst v63  }
0x14: {  	_ =	swait.ge [sflag:s8], $0x50  }
0x15: {  	[sflag:s8] =	ssyncset.done $0x0  }
0x16: {  	[sflag:s8] =	ssyncadd.s32 $0xFFFFFFB0  }
0x17: {  	[tilespmem:s10], [sflag:$0x1] =	stream.indirect.gather [hbm4b:s3+s9], $0x10, s2, s9, $0xb8;
	[tilespmem:$0xAA0] =	vst v63  }
0x18: {  	_ = 	snop  }
0x19: {  	[tilespmem:s11], [sflag:$0x1] =	stream.indirect.gather [hbm4b:s3+s9], $0x10, s9, s9, $0xb8;
	[tilespmem:$0xAA0] =	vst v63  }
0x1a: {  	_ =	swait.ge [sflag:s12], $0x500  }
0x1b: {  	[sflag:s12] =	ssyncset.done $0x0  }
0x1c: {  	[sflag:s12] =	ssyncadd.s32 $0xFFFFFB00  }
0x1d: {  	_ =	swait.ge [sflag:s12], $0x500  }
0x1e: {  	[sflag:s12] =	ssyncset.done $0x0  }
0x1f: {  	[sflag:s12] =	ssyncadd.s32 $0xFFFFFB00  }
0x20: {  	[hbm4b:s7+s2] =	stream.linear.scatter [tilespmem:s10], [sflag:$0x2], $0xA00, $0x38;
	[tilespmem:$0xAA0] =	vst v63  }
0x21: {  	s15 =	simm.s32 $0x14;
	_ =	swait.ge [sflag:s8], $0xA00  }
0x22: {  	s16 =	simm.s32 $0x28;
	s14 =	sadd.s32 $0x140, s7;
	[sflag:s8] =	ssyncset.done $0x0  }
.LBB2_2:
0x23: {  	s17 =	sadd.s32 s15, s5  }
0x24: {  	[sflag:s8] =	ssyncadd.s32 $0xFFFFF600;
	s18 =	smov.u32 s16;
	s19 =	sadd.s32 $0x14, s16  }
0x25: {  	[tilespmem:s2], [sflag:$0x2] =	stream.linear.gather [hbm4b:s17+s2], $0x50, $0x38;
	[tilespmem:$0xAA0] =	vst v63  }
0x26: {  	p0 =	sne.s32 s16, $0x4EC;
	_ =	swait.ge [sflag:s8], $0x50  }
0x27: {  	[sflag:s8] =	ssyncset.done $0x0  }
0x28: {  	s16 =	sadd.s32 s15, s6;
	s15 =	smov.u32 s18;
	[sflag:s8] =	ssyncadd.s32 $0xFFFFFFB0  }
0x29: {  	[tilespmem:s9], [sflag:$0x2] =	stream.linear.gather [hbm4b:s16+s2], $0x50, $0x38;
	[tilespmem:$0xAA0] =	vst v63  }
0x2a: {  	_ =	swait.ge [sflag:s8], $0x50  }
0x2b: {  	[sflag:s8] =	ssyncset.done $0x0  }
0x2c: {  	[sflag:s8] =	ssyncadd.s32 $0xFFFFFFB0  }
0x2d: {  	[tilespmem:s10], [sflag:$0x1] =	stream.indirect.gather [hbm4b:s3+s9], $0x10, s2, s9, $0xb8;
	[tilespmem:$0xAA0] =	vst v63  }
0x2e: {  	_ = 	snop  }
0x2f: {  	[tilespmem:s11], [sflag:$0x1] =	stream.indirect.gather [hbm4b:s3+s9], $0x10, s9, s9, $0xb8;
	[tilespmem:$0xAA0] =	vst v63  }
0x30: {  	_ =	swait.ge [sflag:s12], $0x500  }
0x31: {  	[sflag:s12] =	ssyncset.done $0x0  }
0x32: {  	[sflag:s12] =	ssyncadd.s32 $0xFFFFFB00  }
0x33: {  	_ =	swait.ge [sflag:s12], $0x500  }
.Ltmp0:
0x34: {  	[sflag:s12] =	ssyncset.done $0x0;
	(pc) =	sbr.rel @p0 .LBB2_2-.Ltmp0, $4  }
0x35: {  	[sflag:s12] =	ssyncadd.s32 $0xFFFFFB00  }
0x36: {  	[hbm4b:s14+s2] =	stream.linear.scatter [tilespmem:s10], [sflag:$0x2], $0xA00, $0x38;
	[tilespmem:$0xAA0] =	vst v63  }
0x37: {  	_ =	swait.ge [sflag:s8], $0xA00  }
0x38: {  	s16 =	smov.u32 s19;
	s14 =	sadd.s32 $0x140, s14;
	[sflag:s8] =	ssyncset.done $0x0  }
0x39: {  	s16 =	sadd.s32 s15, s5;
	[sflag:s8] =	ssyncadd.s32 $0xFFFFF600  }
0x3a: {  	[tilespmem:s2], [sflag:$0x2] =	stream.linear.gather [hbm4b:s16+s2], $0x50, $0x38;
	[tilespmem:$0xAA0] =	vst v63  }
0x3b: {  	_ =	swait.ge [sflag:s8], $0x50  }
0x3c: {  	[sflag:s8] =	ssyncset.done $0x0  }
0x3d: {  	s31 =	sadd.s32 s15, s6;
	[sflag:s8] =	ssyncadd.s32 $0xFFFFFFB0  }
0x3e: {  	[tilespmem:s9], [sflag:$0x2] =	stream.linear.gather [hbm4b:s31+s2], $0x50, $0x38;
	[tilespmem:$0xAA0] =	vst v63  }
0x3f: {  	_ =	swait.ge [sflag:s8], $0x50  }
0x40: {  	[sflag:s8] =	ssyncset.done $0x0  }
0x41: {  	[sflag:s8] =	ssyncadd.s32 $0xFFFFFFB0  }
0x42: {  	[tilespmem:s10], [sflag:$0x1] =	stream.indirect.gather [hbm4b:s3+s9], $0x10, s2, s9, $0xb8;
	[tilespmem:$0xAA0] =	vst v63  }
0x43: {  	_ = 	snop  }
0x44: {  	[tilespmem:s11], [sflag:$0x1] =	stream.indirect.gather [hbm4b:s3+s9], $0x10, s9, s9, $0xb8;
	[tilespmem:$0xAA0] =	vst v63  }
0x45: {  	_ =	swait.ge [sflag:s12], $0x500  }
0x46: {  	[sflag:s12] =	ssyncset.done $0x0  }
0x47: {  	[sflag:s12] =	ssyncadd.s32 $0xFFFFFB00  }
0x48: {  	s13 =	sadd.s32 $0x1, s13;
	_ =	swait.ge [sflag:s12], $0x500  }
0x49: {  	p0 =	sne.s32 s13, s4;
	[sflag:s12] =	ssyncset.done $0x0  }
.Ltmp1:
0x4a: {  	[sflag:s12] =	ssyncadd.s32 $0xFFFFFB00;
	(pc) =	sbr.rel @p0 .LBB2_1-.Ltmp1, $4  }
0x4b: {  	[hbm4b:s14+s2] =	stream.linear.scatter [tilespmem:s10], [sflag:$0x2], $0xA00, $0x38;
	[tilespmem:$0xAA0] =	vst v63  }
0x4c: {  	_ =	swait.ge [sflag:s8], $0xA00  }
0x4d: {  	[sflag:s8] =	ssyncset.done $0x0  }
0x4e: {  	[sflag:s8] =	ssyncadd.s32 $0xFFFFF600  }
0x4f: {  	_ =	sfence.sel $0x180000  }
0x50: {  	[bflag:$0x0] =	sbarrier.arrive $0xFFFF  }
0x51: {  	p0 =	sne.s32 s1, $0x0;
	_ =	strace $0x90000047  }
0x52: {  	s0 =	sadd.s32 @!p0 $0x100000, s0;
	[bflag:$0x2] =	sbarrier.arrive $0xFFFF  }
0x53: {  	[sflag:s0] =	ssyncadd.tile.s32 @!p0 $0x1;
	_ =	shalt  }
.Lfunc_end2:
_tile_overlayer_lowered:
.L_overlay_start_2:
0x54: {  	(tag) =	ssettag $0x2  }
0x55: {  	s0 =	rddreg [dreg:$0x0];
	s2 =	stileid.u32  }
0x56: {  	s1 =	rddreg [dreg:$0x1];
	p0 =	sne.s32 s2, $0x0  }
0x57: {  	s3 =	rddreg [dreg:$0x2];
	[bflag:$0x3] =	sbarrier.arrive $0xFFFF;
	s2 =	simm.s32 @!p0 $0x1C02  }
0x58: {  	[timem:s3], [sflag:s2] =	dma.local @!p0 [hbm:s0], s1  }
0x59: {  	s0 =	simm.s32 @!p0 $0x2  }
0x5a: {  	_ =	swait.ge @!p0 [sflag:s0], s1  }
0x5b: {  	s1 =	ssub.s32 @!p0 $0x0, s1;
	[sflag:s0] =	ssyncset.done @!p0 $0x0  }
0x5c: {  	[sflag:s0] =	ssyncadd.s32 @!p0 s1  }
0x5d: {  	[bflag:$0x3] =	sbarrier.arrive $0xFFFF  }
0x5e: {  	_ =	shalt  }

// kernel: kernel.27.cloned.1.call-start
scs
__scs_entry_jumppad:
0x0: {  	(pc) =	sbr.rel $0x88, $3  }
0x1: {  	(tag) =	ssettag $0x0;
	lr =	simm.s32 $0x1  }
0x2: {  	[smem:$0x3F8E] =	sst lr;
	_ =	strace $0xD0000000  }
0x3: {  	_ = 	snop  }
0x4: {  	_ = 	snop  }
0x5: {  	_ = 	snop  }
0x6: {  	_ = 	snop  }
0x7: {  	_ = 	snop  }
__scs_overlays_trampoline_lowered:
0x8: {  	[smem:$0x3F9D] =	sst s0  }
0x9: {  	[smem:$0x3F9E] =	sst s1  }
0xa: {  	[smem:$0x3F9F] =	sst s2  }
0xb: {  	[smem:$0x3FA0] =	sst s3  }
0xc: {  	[smem:$0x3FA1] =	sst s4  }
0xd: {  	[smem:$0x3FA2] =	sst s5  }
0xe: {  	[smem:$0x3FA3] =	sst s6  }
0xf: {  	[smem:$0x3FA4] =	sst s7  }
0x10: {  	[smem:$0x3FA5] =	sst s8  }
0x11: {  	[smem:$0x3FA6] =	sst s9;
	s0 =	simm.s32 @!p0 $0x0  }
0x12: {  	s1 =	sld [smem:$0x3F8C];
	s0 =	simm.s32 @p0 $0x1  }
0x13: {  	[smem:$0x3FA7] =	sst s0;
	s0 =	simm.s32 @!p1 $0x0  }
0x14: {  	s2 =	sld [smem:$0x3F8B];
	s0 =	simm.s32 @p1 $0x1  }
0x15: {  	[smem:$0x3FA8] =	sst s0;
	s0 =	simm.s32 @!p2 $0x0  }
0x16: {  	s3 =	sld [smem:$0x3FDB];
	s0 =	simm.s32 @p2 $0x1  }
0x17: {  	s4 =	simm.s32 $0x1BF5;
	[smem:$0x3FAA] =	sst s0  }
0x18: {  	s0 =	sld [smem:$0x3F8D];
	_ =	swait.ge [sflag:s4], $0x0  }
0x19: {  	s7 =	sld [smem:$0x3F8E]  }
0x1a: {  	s8 =	sadd.s32 $0xFFFFE003, lr  }
0x1b: {  	s9 =	sadd.s32 $0xFFFFFEF7, lr;
	s5 =	simm.s32 $0xFFFFFFFF;
	p2 =	slt.u32 s8, $0xFFFFF086  }
0x1c: {  	p1 =	slt.u32 s9, $0xF7A;
	s5 =	simm.s32 @!p2 $0x0  }
0x1d: {  	s5 =	simm.s32 @p1 $0x1;
	p0 =	seq.s32 s7, s2  }
0x1e: {  	s7 =	smul.u32 @!p0 $0xF7A, s2;
	p2 =	seq.s32 @!p0 s5, $0x0  }
0x1f: {  	s9 =	smul.u32 $0xF7A, s1;
	s8 =	simm.s32 @!p0 $0x1BF5;
	p2 =	por !p2, p0  }
0x20: {  	[sflag:s8] =	ssyncset.s32 @!p0 $0xFFFFF086;
	s6 =	sadd.s32 @!p0 s3, s7;
	s7 =	simm.s32 @!p0 $0x108  }
0x21: {  	s3 =	sadd.s32 s3, s9;
	s6 =	sadd.s32 @!p0 $0x88, s6;
	s7 =	simm.s32 @p2 $0x1082  }
0x22: {  	[simem:s7], [sflag:s8] =	dma.local @!p0 [hbm:s6], $0xF7A  }
0x23: {  	s9 =	sor.u32 $0xD0000000, s2;
	s6 =	simm.s32 $0x108;
	_ =	swait.ge @!p0 [sflag:s8], $0x0  }
0x24: {  	s3 =	sadd.s32 $0x88, s3;
	s6 =	simm.s32 @!p1 $0x1082;
	[sflag:s4] =	ssyncset.s32 $0xFFFFF086  }
0x25: {  	[simem:s6], [sflag:s4] =	dma.local [hbm:s3], $0xF7A  }
0x26: {  	[smem:$0x3F8E] =	sst s1;
	(tag) =	ssettag s2;
	_ =	strace s9  }
0x27: {  	s1 =	sld [smem:$0x3F9E]  }
0x28: {  	s2 =	sld [smem:$0x3F9F]  }
0x29: {  	s4 =	sld [smem:$0x3FA1]  }
0x2a: {  	p0 =	seq.s32 s5, $0x0;
	s5 =	sld [smem:$0x3FA2]  }
0x2b: {  	s6 =	sld [smem:$0x3FA3]  }
0x2c: {  	s7 =	sld [smem:$0x3FA4]  }
0x2d: {  	s3 =	simm.s32 $0x108;
	s8 =	sld [smem:$0x3FA5]  }
0x2e: {  	s3 =	simm.s32 @!p0 $0x1082;
	s9 =	sld [smem:$0x3FA6]  }
0x2f: {  	lr =	sadd.s32 s0, s3;
	s0 =	sld [smem:$0x3F9D]  }
0x30: {  	s3 =	sld [smem:$0x3FA0]  }
0x31: {  	[smem:$0x3FA9] =	sst s10  }
0x32: {  	s10 =	sld [smem:$0x3FA7];
	_ =	sdelay $0x3  }
0x33: {  	p0 =	seq.s32 s10, $0x1;
	s10 =	sld [smem:$0x3FA9];
	_ =	sdelay $0x3  }
0x34: {  	[smem:$0x3FA9] =	sst s10  }
0x35: {  	s10 =	sld [smem:$0x3FA8];
	_ =	sdelay $0x3  }
0x36: {  	p1 =	seq.s32 s10, $0x1;
	s10 =	sld [smem:$0x3FA9];
	_ =	sdelay $0x3  }
0x37: {  	[smem:$0x3FA9] =	sst s10  }
0x38: {  	s10 =	sld [smem:$0x3FAA]  }
0x39: {  	_ = 	snop;
	(pc) =	sbr.ind lr, $3  }
0x3a: {  	_ = 	snop  }
0x3b: {  	_ = 	snop  }
0x3c: {  	p2 =	seq.s32 s10, $0x1;
	s10 =	sld [smem:$0x3FA9]  }
0x3d: {  	_ =	shalt  }
0x3e: {  	_ =	shalt  }
0x3f: {  	_ =	shalt  }
0x40: {  	_ =	shalt  }
0x41: {  	_ =	shalt  }
0x42: {  	_ =	shalt  }
0x43: {  	_ =	shalt  }
0x44: {  	_ =	shalt  }
0x45: {  	_ =	shalt  }
0x46: {  	_ =	shalt  }
0x47: {  	_ =	shalt  }
0x48: {  	_ =	shalt  }
0x49: {  	_ =	shalt  }
0x4a: {  	_ =	shalt  }
0x4b: {  	_ =	shalt  }
0x4c: {  	_ =	shalt  }
0x4d: {  	_ =	shalt  }
0x4e: {  	_ =	shalt  }
0x4f: {  	_ =	shalt  }
0x50: {  	_ =	shalt  }
0x51: {  	_ =	shalt  }
0x52: {  	_ =	shalt  }
0x53: {  	_ =	shalt  }
0x54: {  	_ =	shalt  }
0x55: {  	_ =	shalt  }
0x56: {  	_ =	shalt  }
0x57: {  	_ =	shalt  }
0x58: {  	_ =	shalt  }
0x59: {  	_ =	shalt  }
0x5a: {  	_ =	shalt  }
0x5b: {  	_ =	shalt  }
0x5c: {  	_ =	shalt  }
0x5d: {  	_ =	shalt  }
0x5e: {  	_ =	shalt  }
0x5f: {  	_ =	shalt  }
0x60: {  	_ =	shalt  }
0x61: {  	_ =	shalt  }
0x62: {  	_ =	shalt  }
0x63: {  	_ =	shalt  }
0x64: {  	_ =	shalt  }
0x65: {  	_ =	shalt  }
0x66: {  	_ =	shalt  }
0x67: {  	_ =	shalt  }
0x68: {  	_ =	shalt  }
0x69: {  	_ =	shalt  }
0x6a: {  	_ =	shalt  }
0x6b: {  	_ =	shalt  }
0x6c: {  	_ =	shalt  }
0x6d: {  	_ =	shalt  }
0x6e: {  	_ =	shalt  }
0x6f: {  	_ =	shalt  }
0x70: {  	_ =	shalt  }
0x71: {  	_ =	shalt  }
0x72: {  	_ =	shalt  }
0x73: {  	_ =	shalt  }
0x74: {  	_ =	shalt  }
0x75: {  	_ =	shalt  }
0x76: {  	_ =	shalt  }
0x77: {  	_ =	shalt  }
0x78: {  	_ =	shalt  }
0x79: {  	_ =	shalt  }
0x7a: {  	_ =	shalt  }
0x7b: {  	_ =	shalt  }
0x7c: {  	_ =	shalt  }
0x7d: {  	_ =	shalt  }
0x7e: {  	_ =	shalt  }
0x7f: {  	_ =	shalt  }
0x80: {  	_ =	shalt  }
0x81: {  	_ =	shalt  }
0x82: {  	_ =	shalt  }
0x83: {  	_ =	shalt  }
0x84: {  	_ =	shalt  }
0x85: {  	_ =	shalt  }
0x86: {  	_ =	shalt  }
0x87: {  	_ =	shalt  }
.Lfunc_end0:
.L_simem_size_0:
called_computation.1_lowered:
.L_overlay_start_0:
0x88: {  	s2 =	sld [smem:$0x3FD9]  }
0x89: {  	s3 =	sld [smem:$0x3FFE];
	_ =	sdelay $0x1  }
0x8a: {  	s1 =	srdreg.scid  }
0x8b: {  	s0 =	sand.u32 $0x1, s1  }
0x8c: {  	s17 =	sshll.u32 s0, $0xA;
	s2 =	sadd.s32 s3, s2  }
0x8d: {  	s2 =	sadd.s32 s2, s17  }
0x8e: {  	[smem:$0x3FB5] =	sst s2  }
0x8f: {  	_ = 	snop  }
0x90: {  	s2 =	sld [smem:$0x3FD0];
	(tm) =	ssettm $0x1  }
0x91: {  	s18 =	sld [smem:$0x3FFB];
	_ =	sdelay $0x3  }
0x92: {  	_ =	strace s18  }
0x93: {  	s3 =	sld [smem:$0x3FFC];
	_ =	sdelay $0x3  }
0x94: {  	_ =	strace s3  }
0x95: {  	s3 =	sld [smem:$0x3FFD];
	_ =	sdelay $0x3  }
0x96: {  	_ =	strace s3  }
0x97: {  	_ =	strace $0x8FFFFFFF  }
0x98: {  	s19 =	sld [smem:$0x3FDB];
	_ =	sdelay $0x1  }
0x99: {  	s4 =	simm.s32 $_scs_section_size  }
0x9a: {  	s5 =	simm.s32 $_size__tile_overlayer_lowered;
	s6 =	simm.s32 $_tile_overlayer_lowered  }
0x9b: {  	s22 =	simm.s32 $0x1BFF;
	s21 =	sshll.u32 s6, $0x1;
	s3 =	sadd.s32 s4, s19  }
0x9c: {  	s7 =	simm.s32 $0x0;
	s20 =	sshll.u32 s5, $0x1;
	s5 =	sadd.s32 s21, s3  }
0x9d: {  	[timem:s7], [sflag:s22] =	dma.local [hbm:s5], s20  }
0x9e: {  	_ =	swait.ge [sflag:s22], s20  }
0x9f: {  	s4 =	ssub.s32 $0x0, s20;
	[sflag:s22] =	ssyncset.done $0x0  }
0xa0: {  	[sflag:s22] =	ssyncadd.s32 s4;
	_ =	sdelay $0x1  }
0xa1: {  	s23 =	simm.s32 $0x1B8B  }
0xa2: {  	_ =	swait.ge [sflag:s23], $0x1  }
0xa3: {  	[sflag:s23] =	ssyncset.done $0x0  }
0xa4: {  	s25 =	simm.s32 $0x1B8E;
	s24 =	sld [smem:$0x3FFE];
	[sflag:s23] =	ssyncadd.s32 $0xFFFFFFFF  }
0xa5: {  	s26 =	simm.s32 $execute0_lowered;
	[smem:$0x3FD2] =	sst s25  }
0xa6: {  	s5 =	sshll.u32 s26, $0x1;
	_ =	strace $0x80000049;
	[dreg:$0x1] =	wrdreg $0xFFFFFFFF  }
0xa7: {  	s28 =	simm.s32 $_size_execute0_lowered;
	s3 =	sadd.s32 s3, s5;
	[dreg:$0x0] =	wrdreg $0x0  }
0xa8: {  	s5 =	sshll.u32 s28, $0x1;
	[dreg:$0x2] =	wrdreg s3  }
0xa9: {  	[dreg:$0x3] =	wrdreg s5  }
0xaa: {  	[dreg:$0x4] =	wrdreg $0xC0  }
0xab: {  	_ =	task [dreg:s7], $0x5FFFF  }
0xac: {  	[dreg:$0x1] =	wrdreg $0xFFFFFFFF  }
0xad: {  	[dreg:$0x0] =	wrdreg $0x60  }
0xae: {  	[dreg:$0x2] =	wrdreg s24  }
0xaf: {  	[dreg:$0x3] =	wrdreg s2  }
0xb0: {  	[dreg:$0x4] =	wrdreg $0x9  }
0xb1: {  	_ =	task.clear_ibuf [dreg:s7], $0x5FFFF;
	_ =	strace $0x90000049  }
0xb2: {  	s29 =	simm.s32 $0x9;
	_ =	strace $0x8000004B  }
0xb3: {  	_ =	swait.ge [sflag:s29], $0x1  }
0xb4: {  	[sflag:s29] =	ssyncadd.s32 $0xFFFFFFFF  }
0xb5: {  	_ =	strace $0x9000004B  }
0xb6: {  	_ =	sfence  }
0xb7: {  	s30 =	sld [smem:$0x0];
	_ =	sdelay $0x2  }
0xb8: {  	s31 =	sshll.u32 s1, $0xD;
	s1 =	sshrl.u32 s1, $0x2  }
0xb9: {  	s3 =	sand.u32 $0x4000, s31;
	s1 =	sadd.s32 s1, s30  }
0xba: {  	s0 =	sor.u32 s3, s0;
	s1 =	sshll.u32 s1, $0x11  }
0xbb: {  	s0 =	sor.u32 s1, s0  }
0xbc: {  	s0 =	sadd.s32 $0x8F2B, s0  }
0xbd: {  	[sflag:s0] =	ssyncadd.remote.s32 $0x1  }
0xbe: {  	_ =	sfence.sel $0xFFFF  }
0xbf: {  	[dreg:$0x0] =	wrdreg $0xFFFFFFFF;
	(pc) =	sbr.abs _section_cstart, $3  }
0xc0: {  	[dreg:$0x1] =	wrdreg $0xFFFFFFFF  }
0xc1: {  	_ =	task.clear_ibuf [dreg:s7], $0x2FFFF;
	_ =	strace $0x9FFFFFFF  }
0xc2: {  	(tm) =	ssettm $0x7FFFFFFF  }
0xc3: {  	_ =	shalt  }
tec
execute0_lowered:
.L_overlay_start_1:
0x0: {  	(tag) =	ssettag $0x1  }
0x1: {  	s4 =	rddreg [dreg:$0x0]  }
0x2: {  	s6 =	rddreg [dreg:$0x1]  }
0x3: {  	s0 =	rddreg [dreg:$0x2]  }
0x4: {  	s2 =	simm.s32 $0x0;
	s1 =	stileid.u32;
	s3 =	srdreg.scid  }
0x5: {  	s12 =	simm.s32 $0x1;
	s13 =	simm.s32 $0x0;
	s7 =	smul.u32 $0x5000, s1  }
0x6: {  	[smem:$0x7FF] =	sst s2;
	s5 =	sand.u32 $0x1, s3;
	s10 =	smul.u32 $0x28000, s1  }
0x7: {  	s3 =	sadd.s32 $0x43800, s4;
	s8 =	ssub.s32 $0x2, s5;
	s9 =	smul.u32 $0x2800, s5  }
0x8: {  	_ =	strace $0x8000004A;
	s5 =	smul.u32 $0x14000, s5;
	s11 =	sshrl.u32 s8, $0x1  }
0x9: {  	s30 =	sadd.s32 s10, s4;
	s10 =	simm.s32 $0xA0;
	s8 =	ssub.s32 s8, s11  }
0xa: {  	s7 =	sadd.s32 s9, s7;
	s9 =	sadd.s32 s5, s30;
	s11 =	simm.s32 $0x14A0  }
0xb: {  	s4 =	smax.u32 s8, $0x1;
	s31 =	sor.u32 $0x50, s7;
	s7 =	sshrl.u32 s7, $0x3  }
0xc: {  	s8 =	sshrl.u32 s31, $0x3;
	s5 =	sadd.s32 s7, s6;
	s7 =	sadd.s32 $0x63800, s9  }
0xd: {  	s9 =	simm.s32 $0x50;
	s6 =	sadd.s32 s8, s6;
	s8 =	simm.s32 $0x2  }
.LBB2_1:
0xe: {  	s14 =	sadd.s32 $0x0, s5  }
0xf: {  	[tilespmem:s2], [sflag:$0x2] =	stream.linear.gather [hbm4b:s14+s2], $0x50, $0x38;
	[tilespmem:$0x28A0] =	vst v63  }
0x10: {  	_ =	swait.ge [sflag:s8], $0x50  }
0x11: {  	[sflag:s8] =	ssyncset.done $0x0  }
0x12: {  	s31 =	sadd.s32 $0x0, s6;
	[sflag:s8] =	ssyncadd.s32 $0xFFFFFFB0  }
0x13: {  	[tilespmem:s9], [sflag:$0x2] =	stream.linear.gather [hbm4b:s31+s2], $0x50, $0x38;
	[tilespmem:$0x28A0] =	vst v63  }
0x14: {  	_ =	swait.ge [sflag:s8], $0x50  }
0x15: {  	[sflag:s8] =	ssyncset.done $0x0  }
0x16: {  	[sflag:s8] =	ssyncadd.s32 $0xFFFFFFB0  }
0x17: {  	[tilespmem:s10], [sflag:$0x1] =	stream.indirect.gather [hbm4b:s3+s9], $0x40, s2, s9, $0xb8;
	[tilespmem:$0x28A0] =	vst v63  }
0x18: {  	_ = 	snop  }
0x19: {  	[tilespmem:s11], [sflag:$0x1] =	stream.indirect.gather [hbm4b:s3+s9], $0x40, s9, s9, $0xb8;
	[tilespmem:$0x28A0] =	vst v63  }
0x1a: {  	_ =	swait.ge [sflag:s12], $0x1400  }
0x1b: {  	[sflag:s12] =	ssyncset.done $0x0  }
0x1c: {  	[sflag:s12] =	ssyncadd.s32 $0xFFFFEC00  }
0x1d: {  	_ =	swait.ge [sflag:s12], $0x1400  }
0x1e: {  	[sflag:s12] =	ssyncset.done $0x0  }
0x1f: {  	[sflag:s12] =	ssyncadd.s32 $0xFFFFEC00  }
0x20: {  	[hbm4b:s7+s2] =	stream.linear.scatter [tilespmem:s10], [sflag:$0x2], $0x2800, $0x38;
	[tilespmem:$0x28A0] =	vst v63  }
0x21: {  	s15 =	simm.s32 $0x14;
	_ =	swait.ge [sflag:s8], $0x2800  }
0x22: {  	s16 =	simm.s32 $0x28;
	s14 =	sadd.s32 $0x500, s7;
	[sflag:s8] =	ssyncset.done $0x0  }
.LBB2_2:
0x23: {  	s17 =	sadd.s32 s15, s5  }
0x24: {  	[sflag:s8] =	ssyncadd.s32 $0xFFFFD800;
	s18 =	smov.u32 s16;
	s19 =	sadd.s32 $0x14, s16  }
0x25: {  	[tilespmem:s2], [sflag:$0x2] =	stream.linear.gather [hbm4b:s17+s2], $0x50, $0x38;
	[tilespmem:$0x28A0] =	vst v63  }
0x26: {  	p0 =	sne.s32 s16, $0x4EC;
	_ =	swait.ge [sflag:s8], $0x50  }
0x27: {  	[sflag:s8] =	ssyncset.done $0x0  }
0x28: {  	s16 =	sadd.s32 s15, s6;
	s15 =	smov.u32 s18;
	[sflag:s8] =	ssyncadd.s32 $0xFFFFFFB0  }
0x29: {  	[tilespmem:s9], [sflag:$0x2] =	stream.linear.gather [hbm4b:s16+s2], $0x50, $0x38;
	[tilespmem:$0x28A0] =	vst v63  }
0x2a: {  	_ =	swait.ge [sflag:s8], $0x50  }
0x2b: {  	[sflag:s8] =	ssyncset.done $0x0  }
0x2c: {  	[sflag:s8] =	ssyncadd.s32 $0xFFFFFFB0  }
0x2d: {  	[tilespmem:s10], [sflag:$0x1] =	stream.indirect.gather [hbm4b:s3+s9], $0x40, s2, s9, $0xb8;
	[tilespmem:$0x28A0] =	vst v63  }
0x2e: {  	_ = 	snop  }
0x2f: {  	[tilespmem:s11], [sflag:$0x1] =	stream.indirect.gather [hbm4b:s3+s9], $0x40, s9, s9, $0xb8;
	[tilespmem:$0x28A0] =	vst v63  }
0x30: {  	_ =	swait.ge [sflag:s12], $0x1400  }
0x31: {  	[sflag:s12] =	ssyncset.done $0x0  }
0x32: {  	[sflag:s12] =	ssyncadd.s32 $0xFFFFEC00  }
0x33: {  	_ =	swait.ge [sflag:s12], $0x1400  }
.Ltmp0:
0x34: {  	[sflag:s12] =	ssyncset.done $0x0;
	(pc) =	sbr.rel @p0 .LBB2_2-.Ltmp0, $4  }
0x35: {  	[sflag:s12] =	ssyncadd.s32 $0xFFFFEC00  }
0x36: {  	[hbm4b:s14+s2] =	stream.linear.scatter [tilespmem:s10], [sflag:$0x2], $0x2800, $0x38;
	[tilespmem:$0x28A0] =	vst v63  }
0x37: {  	_ =	swait.ge [sflag:s8], $0x2800  }
0x38: {  	s16 =	smov.u32 s19;
	s14 =	sadd.s32 $0x500, s14;
	[sflag:s8] =	ssyncset.done $0x0  }
0x39: {  	s16 =	sadd.s32 s15, s5;
	[sflag:s8] =	ssyncadd.s32 $0xFFFFD800  }
0x3a: {  	[tilespmem:s2], [sflag:$0x2] =	stream.linear.gather [hbm4b:s16+s2], $0x50, $0x38;
	[tilespmem:$0x28A0] =	vst v63  }
0x3b: {  	_ =	swait.ge [sflag:s8], $0x50  }
0x3c: {  	[sflag:s8] =	ssyncset.done $0x0  }
0x3d: {  	s31 =	sadd.s32 s15, s6;
	[sflag:s8] =	ssyncadd.s32 $0xFFFFFFB0  }
0x3e: {  	[tilespmem:s9], [sflag:$0x2] =	stream.linear.gather [hbm4b:s31+s2], $0x50, $0x38;
	[tilespmem:$0x28A0] =	vst v63  }
0x3f: {  	_ =	swait.ge [sflag:s8], $0x50  }
0x40: {  	[sflag:s8] =	ssyncset.done $0x0  }
0x41: {  	[sflag:s8] =	ssyncadd.s32 $0xFFFFFFB0  }
0x42: {  	[tilespmem:s10], [sflag:$0x1] =	stream.indirect.gather [hbm4b:s3+s9], $0x40, s2, s9, $0xb8;
	[tilespmem:$0x28A0] =	vst v63  }
0x43: {  	_ = 	snop  }
0x44: {  	[tilespmem:s11], [sflag:$0x1] =	stream.indirect.gather [hbm4b:s3+s9], $0x40, s9, s9, $0xb8;
	[tilespmem:$0x28A0] =	vst v63  }
0x45: {  	_ =	swait.ge [sflag:s12], $0x1400  }
0x46: {  	[sflag:s12] =	ssyncset.done $0x0  }
0x47: {  	[sflag:s12] =	ssyncadd.s32 $0xFFFFEC00  }
0x48: {  	s13 =	sadd.s32 $0x1, s13;
	_ =	swait.ge [sflag:s12], $0x1400  }
0x49: {  	p0 =	sne.s32 s13, s4;
	[sflag:s12] =	ssyncset.done $0x0  }
.Ltmp1:
0x4a: {  	[sflag:s12] =	ssyncadd.s32 $0xFFFFEC00;
	(pc) =	sbr.rel @p0 .LBB2_1-.Ltmp1, $4  }
0x4b: {  	[hbm4b:s14+s2] =	stream.linear.scatter [tilespmem:s10], [sflag:$0x2], $0x2800, $0x38;
	[tilespmem:$0x28A0] =	vst v63  }
0x4c: {  	_ =	swait.ge [sflag:s8], $0x2800  }
0x4d: {  	[sflag:s8] =	ssyncset.done $0x0  }
0x4e: {  	[sflag:s8] =	ssyncadd.s32 $0xFFFFD800  }
0x4f: {  	_ =	sfence.sel $0x180000  }
0x50: {  	[bflag:$0x0] =	sbarrier.arrive $0xFFFF  }
0x51: {  	p0 =	sne.s32 s1, $0x0;
	_ =	strace $0x9000004A  }
0x52: {  	s0 =	sadd.s32 @!p0 $0x100000, s0;
	[bflag:$0x2] =	sbarrier.arrive $0xFFFF  }
0x53: {  	[sflag:s0] =	ssyncadd.tile.s32 @!p0 $0x1;
	_ =	shalt  }
.Lfunc_end2:
_tile_overlayer_lowered:
.L_overlay_start_2:
0x54: {  	(tag) =	ssettag $0x2  }
0x55: {  	s0 =	rddreg [dreg:$0x0];
	s2 =	stileid.u32  }
0x56: {  	s1 =	rddreg [dreg:$0x1];
	p0 =	sne.s32 s2, $0x0  }
0x57: {  	s3 =	rddreg [dreg:$0x2];
	[bflag:$0x3] =	sbarrier.arrive $0xFFFF;
	s2 =	simm.s32 @!p0 $0x1C02  }
0x58: {  	[timem:s3], [sflag:s2] =	dma.local @!p0 [hbm:s0], s1  }
0x59: {  	s0 =	simm.s32 @!p0 $0x2  }
0x5a: {  	_ =	swait.ge @!p0 [sflag:s0], s1  }
0x5b: {  	s1 =	ssub.s32 @!p0 $0x0, s1;
	[sflag:s0] =	ssyncset.done @!p0 $0x0  }
0x5c: {  	[sflag:s0] =	ssyncadd.s32 @!p0 s1  }
0x5d: {  	[bflag:$0x3] =	sbarrier.arrive $0xFFFF  }
0x5e: {  	_ =	shalt  }

// kernel: kernel.30.cloned.1.call-start
scs
__scs_entry_jumppad:
0x0: {  	(pc) =	sbr.rel $0x88, $3  }
0x1: {  	(tag) =	ssettag $0x0;
	lr =	simm.s32 $0x1  }
0x2: {  	[smem:$0x3F8E] =	sst lr;
	_ =	strace $0xD0000000  }
0x3: {  	_ = 	snop  }
0x4: {  	_ = 	snop  }
0x5: {  	_ = 	snop  }
0x6: {  	_ = 	snop  }
0x7: {  	_ = 	snop  }
__scs_overlays_trampoline_lowered:
0x8: {  	[smem:$0x3F9D] =	sst s0  }
0x9: {  	[smem:$0x3F9E] =	sst s1  }
0xa: {  	[smem:$0x3F9F] =	sst s2  }
0xb: {  	[smem:$0x3FA0] =	sst s3  }
0xc: {  	[smem:$0x3FA1] =	sst s4  }
0xd: {  	[smem:$0x3FA2] =	sst s5  }
0xe: {  	[smem:$0x3FA3] =	sst s6  }
0xf: {  	[smem:$0x3FA4] =	sst s7  }
0x10: {  	[smem:$0x3FA5] =	sst s8  }
0x11: {  	[smem:$0x3FA6] =	sst s9;
	s0 =	simm.s32 @!p0 $0x0  }
0x12: {  	s1 =	sld [smem:$0x3F8C];
	s0 =	simm.s32 @p0 $0x1  }
0x13: {  	[smem:$0x3FA7] =	sst s0;
	s0 =	simm.s32 @!p1 $0x0  }
0x14: {  	s2 =	sld [smem:$0x3F8B];
	s0 =	simm.s32 @p1 $0x1  }
0x15: {  	[smem:$0x3FA8] =	sst s0;
	s0 =	simm.s32 @!p2 $0x0  }
0x16: {  	s3 =	sld [smem:$0x3FDB];
	s0 =	simm.s32 @p2 $0x1  }
0x17: {  	s4 =	simm.s32 $0x1BF5;
	[smem:$0x3FAA] =	sst s0  }
0x18: {  	s0 =	sld [smem:$0x3F8D];
	_ =	swait.ge [sflag:s4], $0x0  }
0x19: {  	s7 =	sld [smem:$0x3F8E]  }
0x1a: {  	s8 =	sadd.s32 $0xFFFFE003, lr  }
0x1b: {  	s9 =	sadd.s32 $0xFFFFFEF7, lr;
	s5 =	simm.s32 $0xFFFFFFFF;
	p2 =	slt.u32 s8, $0xFFFFF086  }
0x1c: {  	p1 =	slt.u32 s9, $0xF7A;
	s5 =	simm.s32 @!p2 $0x0  }
0x1d: {  	s5 =	simm.s32 @p1 $0x1;
	p0 =	seq.s32 s7, s2  }
0x1e: {  	s7 =	smul.u32 @!p0 $0xF7A, s2;
	p2 =	seq.s32 @!p0 s5, $0x0  }
0x1f: {  	s9 =	smul.u32 $0xF7A, s1;
	s8 =	simm.s32 @!p0 $0x1BF5;
	p2 =	por !p2, p0  }
0x20: {  	[sflag:s8] =	ssyncset.s32 @!p0 $0xFFFFF086;
	s6 =	sadd.s32 @!p0 s3, s7;
	s7 =	simm.s32 @!p0 $0x108  }
0x21: {  	s3 =	sadd.s32 s3, s9;
	s6 =	sadd.s32 @!p0 $0x88, s6;
	s7 =	simm.s32 @p2 $0x1082  }
0x22: {  	[simem:s7], [sflag:s8] =	dma.local @!p0 [hbm:s6], $0xF7A  }
0x23: {  	s9 =	sor.u32 $0xD0000000, s2;
	s6 =	simm.s32 $0x108;
	_ =	swait.ge @!p0 [sflag:s8], $0x0  }
0x24: {  	s3 =	sadd.s32 $0x88, s3;
	s6 =	simm.s32 @!p1 $0x1082;
	[sflag:s4] =	ssyncset.s32 $0xFFFFF086  }
0x25: {  	[simem:s6], [sflag:s4] =	dma.local [hbm:s3], $0xF7A  }
0x26: {  	[smem:$0x3F8E] =	sst s1;
	(tag) =	ssettag s2;
	_ =	strace s9  }
0x27: {  	s1 =	sld [smem:$0x3F9E]  }
0x28: {  	s2 =	sld [smem:$0x3F9F]  }
0x29: {  	s4 =	sld [smem:$0x3FA1]  }
0x2a: {  	p0 =	seq.s32 s5, $0x0;
	s5 =	sld [smem:$0x3FA2]  }
0x2b: {  	s6 =	sld [smem:$0x3FA3]  }
0x2c: {  	s7 =	sld [smem:$0x3FA4]  }
0x2d: {  	s3 =	simm.s32 $0x108;
	s8 =	sld [smem:$0x3FA5]  }
0x2e: {  	s3 =	simm.s32 @!p0 $0x1082;
	s9 =	sld [smem:$0x3FA6]  }
0x2f: {  	lr =	sadd.s32 s0, s3;
	s0 =	sld [smem:$0x3F9D]  }
0x30: {  	s3 =	sld [smem:$0x3FA0]  }
0x31: {  	[smem:$0x3FA9] =	sst s10  }
0x32: {  	s10 =	sld [smem:$0x3FA7];
	_ =	sdelay $0x3  }
0x33: {  	p0 =	seq.s32 s10, $0x1;
	s10 =	sld [smem:$0x3FA9];
	_ =	sdelay $0x3  }
0x34: {  	[smem:$0x3FA9] =	sst s10  }
0x35: {  	s10 =	sld [smem:$0x3FA8];
	_ =	sdelay $0x3  }
0x36: {  	p1 =	seq.s32 s10, $0x1;
	s10 =	sld [smem:$0x3FA9];
	_ =	sdelay $0x3  }
0x37: {  	[smem:$0x3FA9] =	sst s10  }
0x38: {  	s10 =	sld [smem:$0x3FAA]  }
0x39: {  	_ = 	snop;
	(pc) =	sbr.ind lr, $3  }
0x3a: {  	_ = 	snop  }
0x3b: {  	_ = 	snop  }
0x3c: {  	p2 =	seq.s32 s10, $0x1;
	s10 =	sld [smem:$0x3FA9]  }
0x3d: {  	_ =	shalt  }
0x3e: {  	_ =	shalt  }
0x3f: {  	_ =	shalt  }
0x40: {  	_ =	shalt  }
0x41: {  	_ =	shalt  }
0x42: {  	_ =	shalt  }
0x43: {  	_ =	shalt  }
0x44: {  	_ =	shalt  }
0x45: {  	_ =	shalt  }
0x46: {  	_ =	shalt  }
0x47: {  	_ =	shalt  }
0x48: {  	_ =	shalt  }
0x49: {  	_ =	shalt  }
0x4a: {  	_ =	shalt  }
0x4b: {  	_ =	shalt  }
0x4c: {  	_ =	shalt  }
0x4d: {  	_ =	shalt  }
0x4e: {  	_ =	shalt  }
0x4f: {  	_ =	shalt  }
0x50: {  	_ =	shalt  }
0x51: {  	_ =	shalt  }
0x52: {  	_ =	shalt  }
0x53: {  	_ =	shalt  }
0x54: {  	_ =	shalt  }
0x55: {  	_ =	shalt  }
0x56: {  	_ =	shalt  }
0x57: {  	_ =	shalt  }
0x58: {  	_ =	shalt  }
0x59: {  	_ =	shalt  }
0x5a: {  	_ =	shalt  }
0x5b: {  	_ =	shalt  }
0x5c: {  	_ =	shalt  }
0x5d: {  	_ =	shalt  }
0x5e: {  	_ =	shalt  }
0x5f: {  	_ =	shalt  }
0x60: {  	_ =	shalt  }
0x61: {  	_ =	shalt  }
0x62: {  	_ =	shalt  }
0x63: {  	_ =	shalt  }
0x64: {  	_ =	shalt  }
0x65: {  	_ =	shalt  }
0x66: {  	_ =	shalt  }
0x67: {  	_ =	shalt  }
0x68: {  	_ =	shalt  }
0x69: {  	_ =	shalt  }
0x6a: {  	_ =	shalt  }
0x6b: {  	_ =	shalt  }
0x6c: {  	_ =	shalt  }
0x6d: {  	_ =	shalt  }
0x6e: {  	_ =	shalt  }
0x6f: {  	_ =	shalt  }
0x70: {  	_ =	shalt  }
0x71: {  	_ =	shalt  }
0x72: {  	_ =	shalt  }
0x73: {  	_ =	shalt  }
0x74: {  	_ =	shalt  }
0x75: {  	_ =	shalt  }
0x76: {  	_ =	shalt  }
0x77: {  	_ =	shalt  }
0x78: {  	_ =	shalt  }
0x79: {  	_ =	shalt  }
0x7a: {  	_ =	shalt  }
0x7b: {  	_ =	shalt  }
0x7c: {  	_ =	shalt  }
0x7d: {  	_ =	shalt  }
0x7e: {  	_ =	shalt  }
0x7f: {  	_ =	shalt  }
0x80: {  	_ =	shalt  }
0x81: {  	_ =	shalt  }
0x82: {  	_ =	shalt  }
0x83: {  	_ =	shalt  }
0x84: {  	_ =	shalt  }
0x85: {  	_ =	shalt  }
0x86: {  	_ =	shalt  }
0x87: {  	_ =	shalt  }
.Lfunc_end0:
.L_simem_size_0:
called_computation.2_lowered:
.L_overlay_start_0:
0x88: {  	s2 =	sld [smem:$0x3FD9]  }
0x89: {  	s3 =	sld [smem:$0x3FFE];
	_ =	sdelay $0x1  }
0x8a: {  	s1 =	srdreg.scid  }
0x8b: {  	s0 =	sand.u32 $0x1, s1  }
0x8c: {  	s17 =	sshll.u32 s0, $0xA;
	s2 =	sadd.s32 s3, s2  }
0x8d: {  	s2 =	sadd.s32 s2, s17  }
0x8e: {  	[smem:$0x3FB5] =	sst s2  }
0x8f: {  	_ = 	snop  }
0x90: {  	s2 =	sld [smem:$0x3FD0];
	(tm) =	ssettm $0x1  }
0x91: {  	s18 =	sld [smem:$0x3FFB];
	_ =	sdelay $0x3  }
0x92: {  	_ =	strace s18  }
0x93: {  	s3 =	sld [smem:$0x3FFC];
	_ =	sdelay $0x3  }
0x94: {  	_ =	strace s3  }
0x95: {  	s3 =	sld [smem:$0x3FFD];
	_ =	sdelay $0x3  }
0x96: {  	_ =	strace s3  }
0x97: {  	_ =	strace $0x8FFFFFFF  }
0x98: {  	s19 =	sld [smem:$0x3FDB];
	_ =	sdelay $0x1  }
0x99: {  	s4 =	simm.s32 $_scs_section_size  }
0x9a: {  	s5 =	simm.s32 $_size__tile_overlayer_lowered;
	s6 =	simm.s32 $_tile_overlayer_lowered  }
0x9b: {  	s22 =	simm.s32 $0x1BFF;
	s21 =	sshll.u32 s6, $0x1;
	s3 =	sadd.s32 s4, s19  }
0x9c: {  	s7 =	simm.s32 $0x0;
	s20 =	sshll.u32 s5, $0x1;
	s5 =	sadd.s32 s21, s3  }
0x9d: {  	[timem:s7], [sflag:s22] =	dma.local [hbm:s5], s20  }
0x9e: {  	_ =	swait.ge [sflag:s22], s20  }
0x9f: {  	s4 =	ssub.s32 $0x0, s20;
	[sflag:s22] =	ssyncset.done $0x0  }
0xa0: {  	[sflag:s22] =	ssyncadd.s32 s4;
	_ =	sdelay $0x1  }
0xa1: {  	s23 =	simm.s32 $0x1B8B  }
0xa2: {  	_ =	swait.ge [sflag:s23], $0x1  }
0xa3: {  	[sflag:s23] =	ssyncset.done $0x0  }
0xa4: {  	s25 =	simm.s32 $0x1B8E;
	s24 =	sld [smem:$0x3FFE];
	[sflag:s23] =	ssyncadd.s32 $0xFFFFFFFF  }
0xa5: {  	s26 =	simm.s32 $execute0_lowered;
	[smem:$0x3FD2] =	sst s25  }
0xa6: {  	s5 =	sshll.u32 s26, $0x1;
	_ =	strace $0x8000004C;
	[dreg:$0x1] =	wrdreg $0xFFFFFFFF  }
0xa7: {  	s28 =	simm.s32 $_size_execute0_lowered;
	s3 =	sadd.s32 s3, s5;
	[dreg:$0x0] =	wrdreg $0x0  }
0xa8: {  	s5 =	sshll.u32 s28, $0x1;
	[dreg:$0x2] =	wrdreg s3  }
0xa9: {  	[dreg:$0x3] =	wrdreg s5  }
0xaa: {  	[dreg:$0x4] =	wrdreg $0xC0  }
0xab: {  	_ =	task [dreg:s7], $0x5FFFF  }
0xac: {  	[dreg:$0x1] =	wrdreg $0xFFFFFFFF  }
0xad: {  	[dreg:$0x0] =	wrdreg $0x60  }
0xae: {  	[dreg:$0x2] =	wrdreg s24  }
0xaf: {  	[dreg:$0x3] =	wrdreg s2  }
0xb0: {  	[dreg:$0x4] =	wrdreg $0x9  }
0xb1: {  	_ =	task.clear_ibuf [dreg:s7], $0x5FFFF;
	_ =	strace $0x9000004C  }
0xb2: {  	s29 =	simm.s32 $0x9;
	_ =	strace $0x8000004E  }
0xb3: {  	_ =	swait.ge [sflag:s29], $0x1  }
0xb4: {  	[sflag:s29] =	ssyncadd.s32 $0xFFFFFFFF  }
0xb5: {  	_ =	strace $0x9000004E  }
0xb6: {  	_ =	sfence  }
0xb7: {  	s30 =	sld [smem:$0x0];
	_ =	sdelay $0x2  }
0xb8: {  	s31 =	sshll.u32 s1, $0xD;
	s1 =	sshrl.u32 s1, $0x2  }
0xb9: {  	s3 =	sand.u32 $0x4000, s31;
	s1 =	sadd.s32 s1, s30  }
0xba: {  	s0 =	sor.u32 s3, s0;
	s1 =	sshll.u32 s1, $0x11  }
0xbb: {  	s0 =	sor.u32 s1, s0  }
0xbc: {  	s0 =	sadd.s32 $0x8F2B, s0  }
0xbd: {  	[sflag:s0] =	ssyncadd.remote.s32 $0x1  }
0xbe: {  	_ =	sfence.sel $0xFFFF  }
0xbf: {  	[dreg:$0x0] =	wrdreg $0xFFFFFFFF;
	(pc) =	sbr.abs _section_cstart, $3  }
0xc0: {  	[dreg:$0x1] =	wrdreg $0xFFFFFFFF  }
0xc1: {  	_ =	task.clear_ibuf [dreg:s7], $0x2FFFF;
	_ =	strace $0x9FFFFFFF  }
0xc2: {  	(tm) =	ssettm $0x7FFFFFFF  }
0xc3: {  	_ =	shalt  }
tec
execute0_lowered:
.L_overlay_start_1:
0x0: {  	(tag) =	ssettag $0x1  }
0x1: {  	s4 =	rddreg [dreg:$0x0]  }
0x2: {  	s6 =	rddreg [dreg:$0x1]  }
0x3: {  	s0 =	rddreg [dreg:$0x2]  }
0x4: {  	s2 =	simm.s32 $0x0;
	s1 =	stileid.u32;
	s3 =	srdreg.scid  }
0x5: {  	s12 =	simm.s32 $0x1;
	s13 =	simm.s32 $0x0;
	s7 =	smul.u32 $0x5000, s1  }
0x6: {  	[smem:$0x7FF] =	sst s2;
	s5 =	sand.u32 $0x1, s3;
	s10 =	smul.u32 $0x28000, s1  }
0x7: {  	s3 =	sadd.s32 $0x83800, s4;
	s8 =	ssub.s32 $0x2, s5;
	s9 =	smul.u32 $0x2800, s5  }
0x8: {  	_ =	strace $0x8000004D;
	s5 =	smul.u32 $0x14000, s5;
	s11 =	sshrl.u32 s8, $0x1  }
0x9: {  	s30 =	sadd.s32 s10, s4;
	s10 =	simm.s32 $0xA0;
	s8 =	ssub.s32 s8, s11  }
0xa: {  	s7 =	sadd.s32 s9, s7;
	s9 =	sadd.s32 s5, s30;
	s11 =	simm.s32 $0x14A0  }
0xb: {  	s4 =	smax.u32 s8, $0x1;
	s31 =	sor.u32 $0x50, s7;
	s7 =	sshrl.u32 s7, $0x3  }
0xc: {  	s8 =	sshrl.u32 s31, $0x3;
	s5 =	sadd.s32 s7, s6;
	s7 =	sadd.s32 $0xA3800, s9  }
0xd: {  	s9 =	simm.s32 $0x50;
	s6 =	sadd.s32 s8, s6;
	s8 =	simm.s32 $0x2  }
.LBB2_1:
0xe: {  	s14 =	sadd.s32 $0x0, s5  }
0xf: {  	[tilespmem:s2], [sflag:$0x2] =	stream.linear.gather [hbm4b:s14+s2], $0x50, $0x38;
	[tilespmem:$0x28A0] =	vst v63  }
0x10: {  	_ =	swait.ge [sflag:s8], $0x50  }
0x11: {  	[sflag:s8] =	ssyncset.done $0x0  }
0x12: {  	s31 =	sadd.s32 $0x0, s6;
	[sflag:s8] =	ssyncadd.s32 $0xFFFFFFB0  }
0x13: {  	[tilespmem:s9], [sflag:$0x2] =	stream.linear.gather [hbm4b:s31+s2], $0x50, $0x38;
	[tilespmem:$0x28A0] =	vst v63  }
0x14: {  	_ =	swait.ge [sflag:s8], $0x50  }
0x15: {  	[sflag:s8] =	ssyncset.done $0x0  }
0x16: {  	[sflag:s8] =	ssyncadd.s32 $0xFFFFFFB0  }
0x17: {  	[tilespmem:s10], [sflag:$0x1] =	stream.indirect.gather [hbm4b:s3+s9], $0x40, s2, s9, $0xb8;
	[tilespmem:$0x28A0] =	vst v63  }
0x18: {  	_ = 	snop  }
0x19: {  	[tilespmem:s11], [sflag:$0x1] =	stream.indirect.gather [hbm4b:s3+s9], $0x40, s9, s9, $0xb8;
	[tilespmem:$0x28A0] =	vst v63  }
0x1a: {  	_ =	swait.ge [sflag:s12], $0x1400  }
0x1b: {  	[sflag:s12] =	ssyncset.done $0x0  }
0x1c: {  	[sflag:s12] =	ssyncadd.s32 $0xFFFFEC00  }
0x1d: {  	_ =	swait.ge [sflag:s12], $0x1400  }
0x1e: {  	[sflag:s12] =	ssyncset.done $0x0  }
0x1f: {  	[sflag:s12] =	ssyncadd.s32 $0xFFFFEC00  }
0x20: {  	[hbm4b:s7+s2] =	stream.linear.scatter [tilespmem:s10], [sflag:$0x2], $0x2800, $0x38;
	[tilespmem:$0x28A0] =	vst v63  }
0x21: {  	s15 =	simm.s32 $0x14;
	_ =	swait.ge [sflag:s8], $0x2800  }
0x22: {  	s16 =	simm.s32 $0x28;
	s14 =	sadd.s32 $0x500, s7;
	[sflag:s8] =	ssyncset.done $0x0  }
.LBB2_2:
0x23: {  	s17 =	sadd.s32 s15, s5  }
0x24: {  	[sflag:s8] =	ssyncadd.s32 $0xFFFFD800;
	s18 =	smov.u32 s16;
	s19 =	sadd.s32 $0x14, s16  }
0x25: {  	[tilespmem:s2], [sflag:$0x2] =	stream.linear.gather [hbm4b:s17+s2], $0x50, $0x38;
	[tilespmem:$0x28A0] =	vst v63  }
0x26: {  	p0 =	sne.s32 s16, $0x4EC;
	_ =	swait.ge [sflag:s8], $0x50  }
0x27: {  	[sflag:s8] =	ssyncset.done $0x0  }
0x28: {  	s16 =	sadd.s32 s15, s6;
	s15 =	smov.u32 s18;
	[sflag:s8] =	ssyncadd.s32 $0xFFFFFFB0  }
0x29: {  	[tilespmem:s9], [sflag:$0x2] =	stream.linear.gather [hbm4b:s16+s2], $0x50, $0x38;
	[tilespmem:$0x28A0] =	vst v63  }
0x2a: {  	_ =	swait.ge [sflag:s8], $0x50  }
0x2b: {  	[sflag:s8] =	ssyncset.done $0x0  }
0x2c: {  	[sflag:s8] =	ssyncadd.s32 $0xFFFFFFB0  }
0x2d: {  	[tilespmem:s10], [sflag:$0x1] =	stream.indirect.gather [hbm4b:s3+s9], $0x40, s2, s9, $0xb8;
	[tilespmem:$0x28A0] =	vst v63  }
0x2e: {  	_ = 	snop  }
0x2f: {  	[tilespmem:s11], [sflag:$0x1] =	stream.indirect.gather [hbm4b:s3+s9], $0x40, s9, s9, $0xb8;
	[tilespmem:$0x28A0] =	vst v63  }
0x30: {  	_ =	swait.ge [sflag:s12], $0x1400  }
0x31: {  	[sflag:s12] =	ssyncset.done $0x0  }
0x32: {  	[sflag:s12] =	ssyncadd.s32 $0xFFFFEC00  }
0x33: {  	_ =	swait.ge [sflag:s12], $0x1400  }
.Ltmp0:
0x34: {  	[sflag:s12] =	ssyncset.done $0x0;
	(pc) =	sbr.rel @p0 .LBB2_2-.Ltmp0, $4  }
0x35: {  	[sflag:s12] =	ssyncadd.s32 $0xFFFFEC00  }
0x36: {  	[hbm4b:s14+s2] =	stream.linear.scatter [tilespmem:s10], [sflag:$0x2], $0x2800, $0x38;
	[tilespmem:$0x28A0] =	vst v63  }
0x37: {  	_ =	swait.ge [sflag:s8], $0x2800  }
0x38: {  	s16 =	smov.u32 s19;
	s14 =	sadd.s32 $0x500, s14;
	[sflag:s8] =	ssyncset.done $0x0  }
0x39: {  	s16 =	sadd.s32 s15, s5;
	[sflag:s8] =	ssyncadd.s32 $0xFFFFD800  }
0x3a: {  	[tilespmem:s2], [sflag:$0x2] =	stream.linear.gather [hbm4b:s16+s2], $0x50, $0x38;
	[tilespmem:$0x28A0] =	vst v63  }
0x3b: {  	_ =	swait.ge [sflag:s8], $0x50  }
0x3c: {  	[sflag:s8] =	ssyncset.done $0x0  }
0x3d: {  	s31 =	sadd.s32 s15, s6;
	[sflag:s8] =	ssyncadd.s32 $0xFFFFFFB0  }
0x3e: {  	[tilespmem:s9], [sflag:$0x2] =	stream.linear.gather [hbm4b:s31+s2], $0x50, $0x38;
	[tilespmem:$0x28A0] =	vst v63  }
0x3f: {  	_ =	swait.ge [sflag:s8], $0x50  }
0x40: {  	[sflag:s8] =	ssyncset.done $0x0  }
0x41: {  	[sflag:s8] =	ssyncadd.s32 $0xFFFFFFB0  }
0x42: {  	[tilespmem:s10], [sflag:$0x1] =	stream.indirect.gather [hbm4b:s3+s9], $0x40, s2, s9, $0xb8;
	[tilespmem:$0x28A0] =	vst v63  }
0x43: {  	_ = 	snop  }
0x44: {  	[tilespmem:s11], [sflag:$0x1] =	stream.indirect.gather [hbm4b:s3+s9], $0x40, s9, s9, $0xb8;
	[tilespmem:$0x28A0] =	vst v63  }
0x45: {  	_ =	swait.ge [sflag:s12], $0x1400  }
0x46: {  	[sflag:s12] =	ssyncset.done $0x0  }
0x47: {  	[sflag:s12] =	ssyncadd.s32 $0xFFFFEC00  }
0x48: {  	s13 =	sadd.s32 $0x1, s13;
	_ =	swait.ge [sflag:s12], $0x1400  }
0x49: {  	p0 =	sne.s32 s13, s4;
	[sflag:s12] =	ssyncset.done $0x0  }
.Ltmp1:
0x4a: {  	[sflag:s12] =	ssyncadd.s32 $0xFFFFEC00;
	(pc) =	sbr.rel @p0 .LBB2_1-.Ltmp1, $4  }
0x4b: {  	[hbm4b:s14+s2] =	stream.linear.scatter [tilespmem:s10], [sflag:$0x2], $0x2800, $0x38;
	[tilespmem:$0x28A0] =	vst v63  }
0x4c: {  	_ =	swait.ge [sflag:s8], $0x2800  }
0x4d: {  	[sflag:s8] =	ssyncset.done $0x0  }
0x4e: {  	[sflag:s8] =	ssyncadd.s32 $0xFFFFD800  }
0x4f: {  	_ =	sfence.sel $0x180000  }
0x50: {  	[bflag:$0x0] =	sbarrier.arrive $0xFFFF  }
0x51: {  	p0 =	sne.s32 s1, $0x0;
	_ =	strace $0x9000004D  }
0x52: {  	s0 =	sadd.s32 @!p0 $0x100000, s0;
	[bflag:$0x2] =	sbarrier.arrive $0xFFFF  }
0x53: {  	[sflag:s0] =	ssyncadd.tile.s32 @!p0 $0x1;
	_ =	shalt  }
.Lfunc_end2:
_tile_overlayer_lowered:
.L_overlay_start_2:
0x54: {  	(tag) =	ssettag $0x2  }
0x55: {  	s0 =	rddreg [dreg:$0x0];
	s2 =	stileid.u32  }
0x56: {  	s1 =	rddreg [dreg:$0x1];
	p0 =	sne.s32 s2, $0x0  }
0x57: {  	s3 =	rddreg [dreg:$0x2];
	[bflag:$0x3] =	sbarrier.arrive $0xFFFF;
	s2 =	simm.s32 @!p0 $0x1C02  }
0x58: {  	[timem:s3], [sflag:s2] =	dma.local @!p0 [hbm:s0], s1  }
0x59: {  	s0 =	simm.s32 @!p0 $0x2  }
0x5a: {  	_ =	swait.ge @!p0 [sflag:s0], s1  }
0x5b: {  	s1 =	ssub.s32 @!p0 $0x0, s1;
	[sflag:s0] =	ssyncset.done @!p0 $0x0  }
0x5c: {  	[sflag:s0] =	ssyncadd.s32 @!p0 s1  }
0x5d: {  	[bflag:$0x3] =	sbarrier.arrive $0xFFFF  }
0x5e: {  	_ =	shalt  }

// kernel: kernel.33.cloned.1.call-start
scs
__scs_entry_jumppad:
0x0: {  	(pc) =	sbr.rel $0x88, $3  }
0x1: {  	(tag) =	ssettag $0x0;
	lr =	simm.s32 $0x1  }
0x2: {  	[smem:$0x3F8E] =	sst lr;
	_ =	strace $0xD0000000  }
0x3: {  	_ = 	snop  }
0x4: {  	_ = 	snop  }
0x5: {  	_ = 	snop  }
0x6: {  	_ = 	snop  }
0x7: {  	_ = 	snop  }
__scs_overlays_trampoline_lowered:
0x8: {  	[smem:$0x3F9D] =	sst s0  }
0x9: {  	[smem:$0x3F9E] =	sst s1  }
0xa: {  	[smem:$0x3F9F] =	sst s2  }
0xb: {  	[smem:$0x3FA0] =	sst s3  }
0xc: {  	[smem:$0x3FA1] =	sst s4  }
0xd: {  	[smem:$0x3FA2] =	sst s5  }
0xe: {  	[smem:$0x3FA3] =	sst s6  }
0xf: {  	[smem:$0x3FA4] =	sst s7  }
0x10: {  	[smem:$0x3FA5] =	sst s8  }
0x11: {  	[smem:$0x3FA6] =	sst s9;
	s0 =	simm.s32 @!p0 $0x0  }
0x12: {  	s1 =	sld [smem:$0x3F8C];
	s0 =	simm.s32 @p0 $0x1  }
0x13: {  	[smem:$0x3FA7] =	sst s0;
	s0 =	simm.s32 @!p1 $0x0  }
0x14: {  	s2 =	sld [smem:$0x3F8B];
	s0 =	simm.s32 @p1 $0x1  }
0x15: {  	[smem:$0x3FA8] =	sst s0;
	s0 =	simm.s32 @!p2 $0x0  }
0x16: {  	s3 =	sld [smem:$0x3FDB];
	s0 =	simm.s32 @p2 $0x1  }
0x17: {  	s4 =	simm.s32 $0x1BF5;
	[smem:$0x3FAA] =	sst s0  }
0x18: {  	s0 =	sld [smem:$0x3F8D];
	_ =	swait.ge [sflag:s4], $0x0  }
0x19: {  	s7 =	sld [smem:$0x3F8E]  }
0x1a: {  	s8 =	sadd.s32 $0xFFFFE003, lr  }
0x1b: {  	s9 =	sadd.s32 $0xFFFFFEF7, lr;
	s5 =	simm.s32 $0xFFFFFFFF;
	p2 =	slt.u32 s8, $0xFFFFF086  }
0x1c: {  	p1 =	slt.u32 s9, $0xF7A;
	s5 =	simm.s32 @!p2 $0x0  }
0x1d: {  	s5 =	simm.s32 @p1 $0x1;
	p0 =	seq.s32 s7, s2  }
0x1e: {  	s7 =	smul.u32 @!p0 $0xF7A, s2;
	p2 =	seq.s32 @!p0 s5, $0x0  }
0x1f: {  	s9 =	smul.u32 $0xF7A, s1;
	s8 =	simm.s32 @!p0 $0x1BF5;
	p2 =	por !p2, p0  }
0x20: {  	[sflag:s8] =	ssyncset.s32 @!p0 $0xFFFFF086;
	s6 =	sadd.s32 @!p0 s3, s7;
	s7 =	simm.s32 @!p0 $0x108  }
0x21: {  	s3 =	sadd.s32 s3, s9;
	s6 =	sadd.s32 @!p0 $0x88, s6;
	s7 =	simm.s32 @p2 $0x1082  }
0x22: {  	[simem:s7], [sflag:s8] =	dma.local @!p0 [hbm:s6], $0xF7A  }
0x23: {  	s9 =	sor.u32 $0xD0000000, s2;
	s6 =	simm.s32 $0x108;
	_ =	swait.ge @!p0 [sflag:s8], $0x0  }
0x24: {  	s3 =	sadd.s32 $0x88, s3;
	s6 =	simm.s32 @!p1 $0x1082;
	[sflag:s4] =	ssyncset.s32 $0xFFFFF086  }
0x25: {  	[simem:s6], [sflag:s4] =	dma.local [hbm:s3], $0xF7A  }
0x26: {  	[smem:$0x3F8E] =	sst s1;
	(tag) =	ssettag s2;
	_ =	strace s9  }
0x27: {  	s1 =	sld [smem:$0x3F9E]  }
0x28: {  	s2 =	sld [smem:$0x3F9F]  }
0x29: {  	s4 =	sld [smem:$0x3FA1]  }
0x2a: {  	p0 =	seq.s32 s5, $0x0;
	s5 =	sld [smem:$0x3FA2]  }
0x2b: {  	s6 =	sld [smem:$0x3FA3]  }
0x2c: {  	s7 =	sld [smem:$0x3FA4]  }
0x2d: {  	s3 =	simm.s32 $0x108;
	s8 =	sld [smem:$0x3FA5]  }
0x2e: {  	s3 =	simm.s32 @!p0 $0x1082;
	s9 =	sld [smem:$0x3FA6]  }
0x2f: {  	lr =	sadd.s32 s0, s3;
	s0 =	sld [smem:$0x3F9D]  }
0x30: {  	s3 =	sld [smem:$0x3FA0]  }
0x31: {  	[smem:$0x3FA9] =	sst s10  }
0x32: {  	s10 =	sld [smem:$0x3FA7];
	_ =	sdelay $0x3  }
0x33: {  	p0 =	seq.s32 s10, $0x1;
	s10 =	sld [smem:$0x3FA9];
	_ =	sdelay $0x3  }
0x34: {  	[smem:$0x3FA9] =	sst s10  }
0x35: {  	s10 =	sld [smem:$0x3FA8];
	_ =	sdelay $0x3  }
0x36: {  	p1 =	seq.s32 s10, $0x1;
	s10 =	sld [smem:$0x3FA9];
	_ =	sdelay $0x3  }
0x37: {  	[smem:$0x3FA9] =	sst s10  }
0x38: {  	s10 =	sld [smem:$0x3FAA]  }
0x39: {  	_ = 	snop;
	(pc) =	sbr.ind lr, $3  }
0x3a: {  	_ = 	snop  }
0x3b: {  	_ = 	snop  }
0x3c: {  	p2 =	seq.s32 s10, $0x1;
	s10 =	sld [smem:$0x3FA9]  }
0x3d: {  	_ =	shalt  }
0x3e: {  	_ =	shalt  }
0x3f: {  	_ =	shalt  }
0x40: {  	_ =	shalt  }
0x41: {  	_ =	shalt  }
0x42: {  	_ =	shalt  }
0x43: {  	_ =	shalt  }
0x44: {  	_ =	shalt  }
0x45: {  	_ =	shalt  }
0x46: {  	_ =	shalt  }
0x47: {  	_ =	shalt  }
0x48: {  	_ =	shalt  }
0x49: {  	_ =	shalt  }
0x4a: {  	_ =	shalt  }
0x4b: {  	_ =	shalt  }
0x4c: {  	_ =	shalt  }
0x4d: {  	_ =	shalt  }
0x4e: {  	_ =	shalt  }
0x4f: {  	_ =	shalt  }
0x50: {  	_ =	shalt  }
0x51: {  	_ =	shalt  }
0x52: {  	_ =	shalt  }
0x53: {  	_ =	shalt  }
0x54: {  	_ =	shalt  }
0x55: {  	_ =	shalt  }
0x56: {  	_ =	shalt  }
0x57: {  	_ =	shalt  }
0x58: {  	_ =	shalt  }
0x59: {  	_ =	shalt  }
0x5a: {  	_ =	shalt  }
0x5b: {  	_ =	shalt  }
0x5c: {  	_ =	shalt  }
0x5d: {  	_ =	shalt  }
0x5e: {  	_ =	shalt  }
0x5f: {  	_ =	shalt  }
0x60: {  	_ =	shalt  }
0x61: {  	_ =	shalt  }
0x62: {  	_ =	shalt  }
0x63: {  	_ =	shalt  }
0x64: {  	_ =	shalt  }
0x65: {  	_ =	shalt  }
0x66: {  	_ =	shalt  }
0x67: {  	_ =	shalt  }
0x68: {  	_ =	shalt  }
0x69: {  	_ =	shalt  }
0x6a: {  	_ =	shalt  }
0x6b: {  	_ =	shalt  }
0x6c: {  	_ =	shalt  }
0x6d: {  	_ =	shalt  }
0x6e: {  	_ =	shalt  }
0x6f: {  	_ =	shalt  }
0x70: {  	_ =	shalt  }
0x71: {  	_ =	shalt  }
0x72: {  	_ =	shalt  }
0x73: {  	_ =	shalt  }
0x74: {  	_ =	shalt  }
0x75: {  	_ =	shalt  }
0x76: {  	_ =	shalt  }
0x77: {  	_ =	shalt  }
0x78: {  	_ =	shalt  }
0x79: {  	_ =	shalt  }
0x7a: {  	_ =	shalt  }
0x7b: {  	_ =	shalt  }
0x7c: {  	_ =	shalt  }
0x7d: {  	_ =	shalt  }
0x7e: {  	_ =	shalt  }
0x7f: {  	_ =	shalt  }
0x80: {  	_ =	shalt  }
0x81: {  	_ =	shalt  }
0x82: {  	_ =	shalt  }
0x83: {  	_ =	shalt  }
0x84: {  	_ =	shalt  }
0x85: {  	_ =	shalt  }
0x86: {  	_ =	shalt  }
0x87: {  	_ =	shalt  }
.Lfunc_end0:
.L_simem_size_0:
called_computation.3_lowered:
.L_overlay_start_0:
0x88: {  	s2 =	sld [smem:$0x3FD9]  }
0x89: {  	s3 =	sld [smem:$0x3FFE];
	_ =	sdelay $0x1  }
0x8a: {  	s1 =	srdreg.scid  }
0x8b: {  	s0 =	sand.u32 $0x1, s1  }
0x8c: {  	s17 =	sshll.u32 s0, $0xA;
	s2 =	sadd.s32 s3, s2  }
0x8d: {  	s2 =	sadd.s32 s2, s17  }
0x8e: {  	[smem:$0x3FB5] =	sst s2  }
0x8f: {  	_ = 	snop  }
0x90: {  	s2 =	sld [smem:$0x3FD0];
	(tm) =	ssettm $0x1  }
0x91: {  	s18 =	sld [smem:$0x3FFB];
	_ =	sdelay $0x3  }
0x92: {  	_ =	strace s18  }
0x93: {  	s3 =	sld [smem:$0x3FFC];
	_ =	sdelay $0x3  }
0x94: {  	_ =	strace s3  }
0x95: {  	s3 =	sld [smem:$0x3FFD];
	_ =	sdelay $0x3  }
0x96: {  	_ =	strace s3  }
0x97: {  	_ =	strace $0x8FFFFFFF  }
0x98: {  	s19 =	sld [smem:$0x3FDB];
	_ =	sdelay $0x1  }
0x99: {  	s4 =	simm.s32 $_scs_section_size  }
0x9a: {  	s5 =	simm.s32 $_size__tile_overlayer_lowered;
	s6 =	simm.s32 $_tile_overlayer_lowered  }
0x9b: {  	s22 =	simm.s32 $0x1BFF;
	s21 =	sshll.u32 s6, $0x1;
	s3 =	sadd.s32 s4, s19  }
0x9c: {  	s7 =	simm.s32 $0x0;
	s20 =	sshll.u32 s5, $0x1;
	s5 =	sadd.s32 s21, s3  }
0x9d: {  	[timem:s7], [sflag:s22] =	dma.local [hbm:s5], s20  }
0x9e: {  	_ =	swait.ge [sflag:s22], s20  }
0x9f: {  	s4 =	ssub.s32 $0x0, s20;
	[sflag:s22] =	ssyncset.done $0x0  }
0xa0: {  	[sflag:s22] =	ssyncadd.s32 s4;
	_ =	sdelay $0x1  }
0xa1: {  	s23 =	simm.s32 $0x1B8B  }
0xa2: {  	_ =	swait.ge [sflag:s23], $0x1  }
0xa3: {  	[sflag:s23] =	ssyncset.done $0x0  }
0xa4: {  	s25 =	simm.s32 $0x1B8E;
	s24 =	sld [smem:$0x3FFE];
	[sflag:s23] =	ssyncadd.s32 $0xFFFFFFFF  }
0xa5: {  	s26 =	simm.s32 $execute0_lowered;
	[smem:$0x3FD2] =	sst s25  }
0xa6: {  	s5 =	sshll.u32 s26, $0x1;
	_ =	strace $0x8000004F;
	[dreg:$0x1] =	wrdreg $0xFFFFFFFF  }
0xa7: {  	s28 =	simm.s32 $_size_execute0_lowered;
	s3 =	sadd.s32 s3, s5;
	[dreg:$0x0] =	wrdreg $0x0  }
0xa8: {  	s5 =	sshll.u32 s28, $0x1;
	[dreg:$0x2] =	wrdreg s3  }
0xa9: {  	[dreg:$0x3] =	wrdreg s5  }
0xaa: {  	[dreg:$0x4] =	wrdreg $0xC0  }
0xab: {  	_ =	task [dreg:s7], $0x5FFFF  }
0xac: {  	[dreg:$0x1] =	wrdreg $0xFFFFFFFF  }
0xad: {  	[dreg:$0x0] =	wrdreg $0x60  }
0xae: {  	[dreg:$0x2] =	wrdreg s24  }
0xaf: {  	[dreg:$0x3] =	wrdreg s2  }
0xb0: {  	[dreg:$0x4] =	wrdreg $0x9  }
0xb1: {  	_ =	task.clear_ibuf [dreg:s7], $0x5FFFF;
	_ =	strace $0x9000004F  }
0xb2: {  	s29 =	simm.s32 $0x9;
	_ =	strace $0x80000051  }
0xb3: {  	_ =	swait.ge [sflag:s29], $0x1  }
0xb4: {  	[sflag:s29] =	ssyncadd.s32 $0xFFFFFFFF  }
0xb5: {  	_ =	strace $0x90000051  }
0xb6: {  	_ =	sfence  }
0xb7: {  	s30 =	sld [smem:$0x0];
	_ =	sdelay $0x2  }
0xb8: {  	s31 =	sshll.u32 s1, $0xD;
	s1 =	sshrl.u32 s1, $0x2  }
0xb9: {  	s3 =	sand.u32 $0x4000, s31;
	s1 =	sadd.s32 s1, s30  }
0xba: {  	s0 =	sor.u32 s3, s0;
	s1 =	sshll.u32 s1, $0x11  }
0xbb: {  	s0 =	sor.u32 s1, s0  }
0xbc: {  	s0 =	sadd.s32 $0x8F2B, s0  }
0xbd: {  	[sflag:s0] =	ssyncadd.remote.s32 $0x1  }
0xbe: {  	_ =	sfence.sel $0xFFFF  }
0xbf: {  	[dreg:$0x0] =	wrdreg $0xFFFFFFFF;
	(pc) =	sbr.abs _section_cstart, $3  }
0xc0: {  	[dreg:$0x1] =	wrdreg $0xFFFFFFFF  }
0xc1: {  	_ =	task.clear_ibuf [dreg:s7], $0x2FFFF;
	_ =	strace $0x9FFFFFFF  }
0xc2: {  	(tm) =	ssettm $0x7FFFFFFF  }
0xc3: {  	_ =	shalt  }
tec
execute0_lowered:
.L_overlay_start_1:
0x0: {  	(tag) =	ssettag $0x1  }
0x1: {  	s4 =	rddreg [dreg:$0x0]  }
0x2: {  	s6 =	rddreg [dreg:$0x1]  }
0x3: {  	s0 =	rddreg [dreg:$0x2]  }
0x4: {  	s2 =	simm.s32 $0x0;
	s1 =	stileid.u32;
	s3 =	srdreg.scid  }
0x5: {  	s12 =	simm.s32 $0x1;
	s13 =	simm.s32 $0x0;
	s7 =	smul.u32 $0x5000, s1  }
0x6: {  	[smem:$0x7FF] =	sst s2;
	s5 =	sand.u32 $0x1, s3;
	s10 =	smul.u32 $0x50000, s1  }
0x7: {  	s3 =	sadd.s32 $0x83800, s4;
	s8 =	ssub.s32 $0x2, s5;
	s9 =	smul.u32 $0x2800, s5  }
0x8: {  	_ =	strace $0x80000050;
	s5 =	smul.u32 $0x28000, s5;
	s11 =	sshrl.u32 s8, $0x1  }
0x9: {  	s30 =	sadd.s32 s10, s4;
	s10 =	simm.s32 $0xA0;
	s8 =	ssub.s32 s8, s11  }
0xa: {  	s7 =	sadd.s32 s9, s7;
	s9 =	sadd.s32 s5, s30;
	s11 =	simm.s32 $0x28A0  }
0xb: {  	s4 =	smax.u32 s8, $0x1;
	s31 =	sor.u32 $0x50, s7;
	s7 =	sshrl.u32 s7, $0x3  }
0xc: {  	s8 =	sshrl.u32 s31, $0x3;
	s5 =	sadd.s32 s7, s6;
	s7 =	sadd.s32 $0xC3800, s9  }
0xd: {  	s9 =	simm.s32 $0x50;
	s6 =	sadd.s32 s8, s6;
	s8 =	simm.s32 $0x2  }
.LBB2_1:
0xe: {  	s14 =	sadd.s32 $0x0, s5  }
0xf: {  	[tilespmem:s2], [sflag:$0x2] =	stream.linear.gather [hbm4b:s14+s2], $0x50, $0x38;
	[tilespmem:$0x50A0] =	vst v63  }
0x10: {  	_ =	swait.ge [sflag:s8], $0x50  }
0x11: {  	[sflag:s8] =	ssyncset.done $0x0  }
0x12: {  	s31 =	sadd.s32 $0x0, s6;
	[sflag:s8] =	ssyncadd.s32 $0xFFFFFFB0  }
0x13: {  	[tilespmem:s9], [sflag:$0x2] =	stream.linear.gather [hbm4b:s31+s2], $0x50, $0x38;
	[tilespmem:$0x50A0] =	vst v63  }
0x14: {  	_ =	swait.ge [sflag:s8], $0x50  }
0x15: {  	[sflag:s8] =	ssyncset.done $0x0  }
0x16: {  	[sflag:s8] =	ssyncadd.s32 $0xFFFFFFB0  }
0x17: {  	[tilespmem:s10], [sflag:$0x1] =	stream.indirect.gather [hbm4b:s3+s9], $0x80, s2, s9, $0xb8;
	[tilespmem:$0x50A0] =	vst v63  }
0x18: {  	_ = 	snop  }
0x19: {  	[tilespmem:s11], [sflag:$0x1] =	stream.indirect.gather [hbm4b:s3+s9], $0x80, s9, s9, $0xb8;
	[tilespmem:$0x50A0] =	vst v63  }
0x1a: {  	_ =	swait.ge [sflag:s12], $0x2800  }
0x1b: {  	[sflag:s12] =	ssyncset.done $0x0  }
0x1c: {  	[sflag:s12] =	ssyncadd.s32 $0xFFFFD800  }
0x1d: {  	_ =	swait.ge [sflag:s12], $0x2800  }
0x1e: {  	[sflag:s12] =	ssyncset.done $0x0  }
0x1f: {  	[sflag:s12] =	ssyncadd.s32 $0xFFFFD800  }
0x20: {  	[hbm4b:s7+s2] =	stream.linear.scatter [tilespmem:s10], [sflag:$0x2], $0x5000, $0x38;
	[tilespmem:$0x50A0] =	vst v63  }
0x21: {  	s15 =	simm.s32 $0x14;
	_ =	swait.ge [sflag:s8], $0x5000  }
0x22: {  	s16 =	simm.s32 $0x28;
	s14 =	sadd.s32 $0xA00, s7;
	[sflag:s8] =	ssyncset.done $0x0  }
.LBB2_2:
0x23: {  	s17 =	sadd.s32 s15, s5  }
0x24: {  	[sflag:s8] =	ssyncadd.s32 $0xFFFFB000;
	s18 =	smov.u32 s16;
	s19 =	sadd.s32 $0x14, s16  }
0x25: {  	[tilespmem:s2], [sflag:$0x2] =	stream.linear.gather [hbm4b:s17+s2], $0x50, $0x38;
	[tilespmem:$0x50A0] =	vst v63  }
0x26: {  	p0 =	sne.s32 s16, $0x4EC;
	_ =	swait.ge [sflag:s8], $0x50  }
0x27: {  	[sflag:s8] =	ssyncset.done $0x0  }
0x28: {  	s16 =	sadd.s32 s15, s6;
	s15 =	smov.u32 s18;
	[sflag:s8] =	ssyncadd.s32 $0xFFFFFFB0  }
0x29: {  	[tilespmem:s9], [sflag:$0x2] =	stream.linear.gather [hbm4b:s16+s2], $0x50, $0x38;
	[tilespmem:$0x50A0] =	vst v63  }
0x2a: {  	_ =	swait.ge [sflag:s8], $0x50  }
0x2b: {  	[sflag:s8] =	ssyncset.done $0x0  }
0x2c: {  	[sflag:s8] =	ssyncadd.s32 $0xFFFFFFB0  }
0x2d: {  	[tilespmem:s10], [sflag:$0x1] =	stream.indirect.gather [hbm4b:s3+s9], $0x80, s2, s9, $0xb8;
	[tilespmem:$0x50A0] =	vst v63  }
0x2e: {  	_ = 	snop  }
0x2f: {  	[tilespmem:s11], [sflag:$0x1] =	stream.indirect.gather [hbm4b:s3+s9], $0x80, s9, s9, $0xb8;
	[tilespmem:$0x50A0] =	vst v63  }
0x30: {  	_ =	swait.ge [sflag:s12], $0x2800  }
0x31: {  	[sflag:s12] =	ssyncset.done $0x0  }
0x32: {  	[sflag:s12] =	ssyncadd.s32 $0xFFFFD800  }
0x33: {  	_ =	swait.ge [sflag:s12], $0x2800  }
.Ltmp0:
0x34: {  	[sflag:s12] =	ssyncset.done $0x0;
	(pc) =	sbr.rel @p0 .LBB2_2-.Ltmp0, $4  }
0x35: {  	[sflag:s12] =	ssyncadd.s32 $0xFFFFD800  }
0x36: {  	[hbm4b:s14+s2] =	stream.linear.scatter [tilespmem:s10], [sflag:$0x2], $0x5000, $0x38;
	[tilespmem:$0x50A0] =	vst v63  }
0x37: {  	_ =	swait.ge [sflag:s8], $0x5000  }
0x38: {  	s16 =	smov.u32 s19;
	s14 =	sadd.s32 $0xA00, s14;
	[sflag:s8] =	ssyncset.done $0x0  }
0x39: {  	s16 =	sadd.s32 s15, s5;
	[sflag:s8] =	ssyncadd.s32 $0xFFFFB000  }
0x3a: {  	[tilespmem:s2], [sflag:$0x2] =	stream.linear.gather [hbm4b:s16+s2], $0x50, $0x38;
	[tilespmem:$0x50A0] =	vst v63  }
0x3b: {  	_ =	swait.ge [sflag:s8], $0x50  }
0x3c: {  	[sflag:s8] =	ssyncset.done $0x0  }
0x3d: {  	s31 =	sadd.s32 s15, s6;
	[sflag:s8] =	ssyncadd.s32 $0xFFFFFFB0  }
0x3e: {  	[tilespmem:s9], [sflag:$0x2] =	stream.linear.gather [hbm4b:s31+s2], $0x50, $0x38;
	[tilespmem:$0x50A0] =	vst v63  }
0x3f: {  	_ =	swait.ge [sflag:s8], $0x50  }
0x40: {  	[sflag:s8] =	ssyncset.done $0x0  }
0x41: {  	[sflag:s8] =	ssyncadd.s32 $0xFFFFFFB0  }
0x42: {  	[tilespmem:s10], [sflag:$0x1] =	stream.indirect.gather [hbm4b:s3+s9], $0x80, s2, s9, $0xb8;
	[tilespmem:$0x50A0] =	vst v63  }
0x43: {  	_ = 	snop  }
0x44: {  	[tilespmem:s11], [sflag:$0x1] =	stream.indirect.gather [hbm4b:s3+s9], $0x80, s9, s9, $0xb8;
	[tilespmem:$0x50A0] =	vst v63  }
0x45: {  	_ =	swait.ge [sflag:s12], $0x2800  }
0x46: {  	[sflag:s12] =	ssyncset.done $0x0  }
0x47: {  	[sflag:s12] =	ssyncadd.s32 $0xFFFFD800  }
0x48: {  	s13 =	sadd.s32 $0x1, s13;
	_ =	swait.ge [sflag:s12], $0x2800  }
0x49: {  	p0 =	sne.s32 s13, s4;
	[sflag:s12] =	ssyncset.done $0x0  }
.Ltmp1:
0x4a: {  	[sflag:s12] =	ssyncadd.s32 $0xFFFFD800;
	(pc) =	sbr.rel @p0 .LBB2_1-.Ltmp1, $4  }
0x4b: {  	[hbm4b:s14+s2] =	stream.linear.scatter [tilespmem:s10], [sflag:$0x2], $0x5000, $0x38;
	[tilespmem:$0x50A0] =	vst v63  }
0x4c: {  	_ =	swait.ge [sflag:s8], $0x5000  }
0x4d: {  	[sflag:s8] =	ssyncset.done $0x0  }
0x4e: {  	[sflag:s8] =	ssyncadd.s32 $0xFFFFB000  }
0x4f: {  	_ =	sfence.sel $0x180000  }
0x50: {  	[bflag:$0x0] =	sbarrier.arrive $0xFFFF  }
0x51: {  	p0 =	sne.s32 s1, $0x0;
	_ =	strace $0x90000050  }
0x52: {  	s0 =	sadd.s32 @!p0 $0x100000, s0;
	[bflag:$0x2] =	sbarrier.arrive $0xFFFF  }
0x53: {  	[sflag:s0] =	ssyncadd.tile.s32 @!p0 $0x1;
	_ =	shalt  }
.Lfunc_end2:
_tile_overlayer_lowered:
.L_overlay_start_2:
0x54: {  	(tag) =	ssettag $0x2  }
0x55: {  	s0 =	rddreg [dreg:$0x0];
	s2 =	stileid.u32  }
0x56: {  	s1 =	rddreg [dreg:$0x1];
	p0 =	sne.s32 s2, $0x0  }
0x57: {  	s3 =	rddreg [dreg:$0x2];
	[bflag:$0x3] =	sbarrier.arrive $0xFFFF;
	s2 =	simm.s32 @!p0 $0x1C02  }
0x58: {  	[timem:s3], [sflag:s2] =	dma.local @!p0 [hbm:s0], s1  }
0x59: {  	s0 =	simm.s32 @!p0 $0x2  }
0x5a: {  	_ =	swait.ge @!p0 [sflag:s0], s1  }
0x5b: {  	s1 =	ssub.s32 @!p0 $0x0, s1;
	[sflag:s0] =	ssyncset.done @!p0 $0x0  }
0x5c: {  	[sflag:s0] =	ssyncadd.s32 @!p0 s1  }
0x5d: {  	[bflag:$0x3] =	sbarrier.arrive $0xFFFF  }
0x5e: {  	_ =	shalt  }

</sc_bundles>
